<compile_context>
chip_gen: v7x
topology: tpu7x:2x2x1
jax: 0.10.2.dev20260603
libtpu: 0.0.44.dev20260713+nightly
codegen_flags: <defaults>
</compile_context>

<pallas_src>
import jax
import jax.numpy as jnp
from jax import lax
from jax.experimental import pallas as pl
from jax.experimental.pallas import tpu as pltpu
from jax.experimental.pallas import tpu_sc as plsc

_B, _S, _A, _C, _T = 64, 676, 5, 80, 10
_F = 26
_SA = _S * _A
_NW = 32
_BG = 8


def _dense_body(px_ref, py_ref, pw_ref, ph_ref, conf_ref,
                tx1_ref, ty1_ref, tx2_ref, ty2_ref, out_ref):
    i = pl.program_id(0)

    @pl.when(i == 0)
    def _init():
        out_ref[...] = jnp.zeros((1, 1), jnp.float32)

    px = px_ref[...]
    py = py_ref[...]
    pw = pw_ref[...]
    ph = ph_ref[...]
    plx = px - pw * 0.5
    prx = px + pw * 0.5
    ply = py - ph * 0.5
    pry = py + ph * 0.5
    area_p = pw * ph
    supp = jnp.zeros(px.shape, jnp.bool_)
    for t in range(_T):
        t0 = tx1_ref[:, t:t + 1]
        t1 = ty1_ref[:, t:t + 1]
        t2 = tx2_ref[:, t:t + 1]
        t3 = ty2_ref[:, t:t + 1]
        iw = jnp.maximum(jnp.minimum(prx, t2) - jnp.maximum(plx, t0), 0.0)
        ih = jnp.maximum(jnp.minimum(pry, t3) - jnp.maximum(ply, t1), 0.0)
        inter = iw * ih
        area_t = (t2 - t0) * (t3 - t1)
        supp = supp | (3.0 * inter > area_p + area_t)
    c = conf_ref[...]
    out_ref[...] += jnp.sum(jnp.where(supp, 0.0, c * c * 0.5)).reshape(1, 1)


def _sc_body(tgt_hbm, anc_hbm, featw_hbm, predw_hbm, confw_hbm,
             meta_out, featw_out, predw_out, confw_out,
             tgt_v, anc_v, key_v, if_v, ip_v, ic_v,
             meta_v, fw_v, pw_v, cw_v, sem):
    wid = lax.axis_index("s") * 2 + lax.axis_index("c")
    pltpu.sync_copy(anc_hbm, anc_v)
    lanes = lax.iota(jnp.int32, 16)
    tmask = lanes < _T
    lidx = jnp.minimum(lanes, _T - 1)
    for k in range(_B // _NW):
        b = wid * (_B // _NW) + k
        pltpu.sync_copy(tgt_hbm.at[b], tgt_v)
        lidx5 = lidx * 5
        t0 = plsc.load_gather(tgt_v, [lidx5])
        t1 = plsc.load_gather(tgt_v, [lidx5 + 1])
        t2 = plsc.load_gather(tgt_v, [lidx5 + 2])
        t3 = plsc.load_gather(tgt_v, [lidx5 + 3])
        tc = plsc.load_gather(tgt_v, [lidx5 + 4])
        cx = (t0 + t2) * (_F / 2.0)
        cy = (t1 + t3) * (_F / 2.0)
        tw = (t2 - t0) * float(_F)
        th = (t3 - t1) * float(_F)
        ix = cx.astype(jnp.int32)
        iy = cy.astype(jnp.int32)
        fx = cx - ix.astype(jnp.float32)
        fy = cy - iy.astype(jnp.float32)
        pos = iy * _F + ix
        area_t = tw * th
        best = jnp.full((16,), -1.0, jnp.float32)
        besta = jnp.zeros((16,), jnp.int32)
        awb = jnp.ones((16,), jnp.float32)
        ahb = jnp.ones((16,), jnp.float32)
        for a in range(_A):
            aw = anc_v[pl.ds(32 * a, 16)]
            ah = anc_v[pl.ds(32 * a + 16, 16)]
            inter = jnp.minimum(tw, aw) * jnp.minimum(th, ah)
            iou = inter / (area_t + aw * ah - inter)
            upd = iou > best
            best = jnp.where(upd, iou, best)
            besta = jnp.where(upd, a, besta)
            awb = jnp.where(upd, aw, awb)
            ahb = jnp.where(upd, ah, ahb)
        key = jnp.where(tmask, pos * _A + besta, -1 - lanes)
        key_v[...] = key
        dup = lanes < 0
        for s in range(1, _T):
            sh = plsc.load_gather(key_v, [jnp.minimum(lanes + s, 15)])
            dup = dup | ((key == sh) & (lanes + s < _T))
        win = jnp.where(tmask & jnp.logical_not(dup), 1.0, 0.0)
        q = b * _SA + pos * _A + besta
        if_v[...] = lax.shift_right_logical(q, 5)
        ip_v[...] = lax.shift_right_logical(q, 5)
        ic_v[...] = lax.shift_right_logical(q, 7)
        c3 = pltpu.async_copy(featw_hbm.at[if_v], fw_v, sem)
        c4 = pltpu.async_copy(predw_hbm.at[ip_v], pw_v, sem)
        c5 = pltpu.async_copy(confw_hbm.at[ic_v], cw_v, sem)
        meta_v[0, :] = win
        meta_v[1, :] = fx
        meta_v[2, :] = fy
        meta_v[3, :] = tw
        meta_v[4, :] = th
        meta_v[5, :] = awb
        meta_v[6, :] = ahb
        meta_v[7, :] = tc
        meta_v[8, :] = jnp.zeros((16,), jnp.float32)
        meta_v[9, :] = (q & 31).astype(jnp.float32)
        meta_v[10, :] = (q & 127).astype(jnp.float32)
        meta_v[11, :] = pos.astype(jnp.float32)
        meta_v[12, :] = besta.astype(jnp.float32)
        c3.wait()
        c4.wait()
        c5.wait()
        pltpu.sync_copy(meta_v, meta_out.at[b])
        pltpu.sync_copy(fw_v, featw_out.at[b])
        pltpu.sync_copy(pw_v, predw_out.at[b])
        pltpu.sync_copy(cw_v, confw_out.at[b])


def _final_body(win_ref, fx_ref, fy_ref, tw_ref, th_ref, aw_ref, ah_ref,
                mf_ref, mc_ref, fw_ref, pw_ref, cw_ref,
                tx1_ref, ty1_ref, tx2_ref, ty2_ref, out_ref):
    win = win_ref[...]
    i128 = jax.lax.broadcasted_iota(jnp.int32, (_B, 16, 128), 2)
    off4 = 4 * mf_ref[...].astype(jnp.int32)
    fw = fw_ref[...]
    pw = pw_ref[...]
    fs = [jnp.sum(jnp.where(i128 == (off4 + c)[:, :, None], fw, 0.0), axis=-1)
          for c in range(4)]
    ps = [jnp.sum(jnp.where(i128 == (off4 + c)[:, :, None], pw, 0.0), axis=-1)
          for c in range(4)]
    mc = mc_ref[...].astype(jnp.int32)
    c_val = jnp.sum(
        jnp.where(i128 == mc[:, :, None], cw_ref[...], 0.0), axis=-1)
    bm0 = jax.nn.sigmoid(fs[0])
    bm1 = jax.nn.sigmoid(fs[1])
    mv2 = jnp.log(tw_ref[...] / aw_ref[...])
    mv3 = jnp.log(th_ref[...] / ah_ref[...])
    loc = ((bm0 - fx_ref[...]) ** 2 + (bm1 - fy_ref[...]) ** 2
           + (fs[2] - mv2) ** 2 + (fs[3] - mv3) ** 2)
    loc_loss = jnp.sum(win * loc) * 0.5
    cx = ps[0]
    cy = ps[1]
    w = ps[2]
    h = ps[3]
    plx = cx - w * 0.5
    prx = cx + w * 0.5
    ply = cy - h * 0.5
    pry = cy + h * 0.5
    area_p = w * h
    supp = jnp.zeros(cx.shape, jnp.bool_)
    for t in range(_T):
        t0 = tx1_ref[:, t:t + 1]
        t1 = ty1_ref[:, t:t + 1]
        t2 = tx2_ref[:, t:t + 1]
        t3 = ty2_ref[:, t:t + 1]
        iw = jnp.maximum(jnp.minimum(prx, t2) - jnp.maximum(plx, t0), 0.0)
        ih = jnp.maximum(jnp.minimum(pry, t3) - jnp.maximum(ply, t1), 0.0)
        inter = iw * ih
        area_t = (t2 - t0) * (t3 - t1)
        supp = supp | (3.0 * inter > area_p + area_t)
    delta = win * (12.5 * (c_val - 1.0) ** 2
                   - jnp.where(supp, 0.0, c_val * c_val * 0.5))
    out_ref[...] = (loc_loss + jnp.sum(delta)).reshape(1, 1)


def _dense_call(px, py, pw, ph, conf, tx1, ty1, tx2, ty2):
    g = _B // _BG
    cell = pl.BlockSpec((_BG, _SA), lambda i: (i, 0))
    tgt = pl.BlockSpec((_BG, _T), lambda i: (i, 0))
    return pl.pallas_call(
        _dense_body,
        grid=(g,),
        in_specs=[cell] * 5 + [tgt] * 4,
        out_specs=pl.BlockSpec((1, 1), lambda i: (0, 0)),
        out_shape=jax.ShapeDtypeStruct((1, 1), jnp.float32),
    )(px, py, pw, ph, conf, tx1, ty1, tx2, ty2)


def _sc_call(tgt3, anchors, feat2, pred2, conf2):
    mesh = plsc.VectorSubcoreMesh(core_axis_name="c", subcore_axis_name="s")
    fn = pl.kernel(
        _sc_body,
        mesh=mesh,
        compiler_params=pltpu.CompilerParams(
            needs_layout_passes=False, use_tc_tiling_on_sc=False),
        out_type=[
            jax.ShapeDtypeStruct((_B, 16, 16), jnp.float32),
            jax.ShapeDtypeStruct((_B, 16, 128), jnp.float32),
            jax.ShapeDtypeStruct((_B, 16, 128), jnp.float32),
            jax.ShapeDtypeStruct((_B, 16, 128), jnp.float32),
        ],
        scratch_types=[
            pltpu.VMEM((56,), jnp.float32),
            pltpu.VMEM((160,), jnp.float32),
            pltpu.VMEM((16,), jnp.int32),
            pltpu.VMEM((16,), jnp.int32),
            pltpu.VMEM((16,), jnp.int32),
            pltpu.VMEM((16,), jnp.int32),
            pltpu.VMEM((16, 16), jnp.float32),
            pltpu.VMEM((16, 128), jnp.float32),
            pltpu.VMEM((16, 128), jnp.float32),
            pltpu.VMEM((16, 128), jnp.float32),
            pltpu.SemaphoreType.DMA,
        ],
    )
    return fn(tgt3, anchors, feat2, pred2, conf2)


def _class_body(prob_ref, meta_ref, out_ref):
    i = pl.program_id(0)

    @pl.when(i == 0)
    def _init():
        out_ref[...] = jnp.zeros((1, 1), jnp.float32)

    rows = []
    wins = []
    clss = []
    for t in range(_T):
        w = meta_ref[0, 0, t]
        posi = meta_ref[0, 11, t].astype(jnp.int32)
        bai = meta_ref[0, 12, t].astype(jnp.int32)
        cv = meta_ref[0, 7, t]
        rows.append(prob_ref[0, pl.ds(posi, 1), pl.ds(bai, 1), :]
                    .reshape(1, _C))
        wins.append(w)
        clss.append(cv)
    p = jnp.concatenate(rows, axis=0)
    wvec = jnp.stack(wins).reshape(_T, 1)
    cvec = jnp.stack(clss).reshape(_T, 1).astype(jnp.int32)
    m = jnp.max(p, axis=-1, keepdims=True)
    lse = m[:, 0] + jnp.log(jnp.sum(jnp.exp(p - m), axis=-1))
    sel = jax.lax.broadcasted_iota(jnp.int32, (_T, _C), 1) == cvec
    psel = jnp.sum(jnp.where(sel, p, 0.0), axis=-1)
    out_ref[...] += jnp.sum(wvec[:, 0] * (lse - psel)).reshape(1, 1)


def _class_call(box_prob, meta):
    return pl.pallas_call(
        _class_body,
        grid=(_B,),
        in_specs=[
            pl.BlockSpec((1, _S, _A, _C), lambda i: (i, 0, 0, 0)),
            pl.BlockSpec((1, 16, 16), lambda i: (i, 0, 0),
                         memory_space=pltpu.SMEM),
        ],
        out_specs=pl.BlockSpec((1, 1), lambda i: (0, 0)),
        out_shape=jax.ShapeDtypeStruct((1, 1), jnp.float32),
    )(box_prob, meta)


def _final_call(args):
    return pl.pallas_call(
        _final_body,
        out_shape=jax.ShapeDtypeStruct((1, 1), jnp.float32),
    )(*args)


def kernel(feat, box_pred, box_conf, box_prob, targets, anchors):
    featw = feat.reshape(_B * _SA * 4 // 128, 128)
    predw = box_pred.reshape(_B * _SA * 4 // 128, 128)
    confw = box_conf.reshape(_B * _SA // 128, 128)
    px = box_pred[..., 0].reshape(_B, _SA)
    py = box_pred[..., 1].reshape(_B, _SA)
    pw = box_pred[..., 2].reshape(_B, _SA)
    ph = box_pred[..., 3].reshape(_B, _SA)
    conf_flat = box_conf.reshape(_B, _SA)
    tx1 = targets[..., 0]
    ty1 = targets[..., 1]
    tx2 = targets[..., 2]
    ty2 = targets[..., 3]

    base = _dense_call(px, py, pw, ph, conf_flat, tx1, ty1, tx2, ty2)
    tgtp = jnp.pad(targets.reshape(_B, _T * 5), ((0, 0), (0, 6)))
    ancb = jnp.repeat(anchors.reshape(2 * _A), 16)
    meta, featw_r, predw_r, confw_r = _sc_call(tgtp, ancb, featw, predw, confw)
    cls_out = _class_call(box_prob, meta)

    fields = [meta[:, j, :] for j in (0, 1, 2, 3, 4, 5, 6, 9, 10)]
    cout = _final_call(
        fields + [featw_r, predw_r, confw_r, tx1, ty1, tx2, ty2])
    return (base[0, 0] + cls_out[0, 0] + cout[0, 0]) / _B

# --- scband reference (transcript-rebuilt; emitter-appended) ---
"""Pipeline reference for scband-yolo-loss-80384607912711 (READ-ONLY COPY).

The authoritative reference and input builder live on the scoring server;
editing this copy changes nothing except your own understanding.
"""

import jax, jax.numpy as jnp
import numpy as np
import math

OBJECT_SCALE = 5.0

def point_form(boxes):
    return jnp.concatenate([boxes[:, :2] - boxes[:, 2:] / 2.0, boxes[:, :2] + boxes[:, 2:] / 2.0], axis=1)

def jaccard(box_a, box_b):
    max_xy = jnp.minimum(box_a[:, None, 2:], box_b[None, :, 2:])
    min_xy = jnp.maximum(box_a[:, None, :2], box_b[None, :, :2])
    inter = jnp.prod(jnp.maximum(max_xy - min_xy, 0.0), axis=2)
    area_a = ((box_a[:, 2] - box_a[:, 0]) * (box_a[:, 3] - box_a[:, 1]))[:, None]
    area_b = ((box_b[:, 2] - box_b[:, 0]) * (box_b[:, 3] - box_b[:, 1]))[None, :]
    return inter / (area_a + area_b - inter)

def _build_mask(bp, tgt, anchors, f):
    S, A = bp.shape[0], bp.shape[1]
    bp_pf = point_form(bp.reshape(-1, 4))
    best_truth = jnp.max(jaccard(bp_pf, tgt[:, :4]), axis=1).reshape(S, A, 1)
    conf_mask = jnp.where(best_truth > 0.5, 0.0, 1.0).astype(jnp.float32)
    t_xy = (tgt[:, :2] + tgt[:, 2:4]) * f / 2.0
    t_wh = (tgt[:, 2:4] - tgt[:, :2]) * f
    xy = jnp.floor(t_xy)
    pos = (xy[:, 1] * f + xy[:, 0]).astype(jnp.int32)
    tbox = jnp.concatenate([-t_wh / 2.0, t_wh / 2.0], axis=1)
    abox = jnp.concatenate([-anchors / 2.0, anchors / 2.0], axis=1)
    bp_idx = jnp.argmax(jaccard(tbox, abox), axis=1)
    coord_mask = jnp.zeros((S, A, 1), jnp.float32).at[pos, bp_idx].set(1.0)
    pos_mask = jnp.zeros((S, A, 1), jnp.float32).at[pos, bp_idx].set(1.0)
    conf_mask = conf_mask.at[pos, bp_idx].set(OBJECT_SCALE)
    mvals = jnp.concatenate([t_xy - xy, jnp.log(t_wh / anchors[bp_idx]), tgt[:, 4:5]], axis=1)
    m_boxes = jnp.zeros((S, A, 5), jnp.float32).at[pos, bp_idx].set(mvals)
    return coord_mask, conf_mask, pos_mask, m_boxes

def _forward(feat, box_pred, box_conf, box_prob, targets, anchors):
    B, S = feat.shape[0], feat.shape[1]
    f = int(math.sqrt(S))
    box_match = jnp.concatenate([jax.nn.sigmoid(feat[..., :2]), feat[..., 2:4]], axis=-1)
    cms, cfs, pms, mbs = [], [], [], []
    for i in range(B):
        cm, cf, pm, mb = _build_mask(box_pred[i], targets[i], anchors, f)
        cms.append(cm); cfs.append(cf); pms.append(pm); mbs.append(mb)
    coord_mask = jnp.stack(cms, 0)
    conf_mask = jnp.stack(cfs, 0)
    pos_mask = jnp.stack(pms, 0)
    m_boxes = jnp.stack(mbs, 0)
    loc_loss = jnp.sum((coord_mask * box_match - coord_mask * m_boxes[..., :4]) ** 2) / 2.0
    conf_loss = jnp.sum((conf_mask * box_conf - conf_mask * pos_mask) ** 2) / 2.0
    logp = jax.nn.log_softmax(box_prob, axis=-1)
    labels = m_boxes[..., 4].astype(jnp.int32)
    ce = -jnp.take_along_axis(logp, labels[..., None], axis=-1)[..., 0]
    class_loss = jnp.sum(pos_mask[..., 0] * ce)
    return (conf_loss + class_loss + loc_loss) / B

def setup_inputs(seed: int = 0):
    key = jax.random.key(seed)
    k = jax.random.split(key, 5)
    B, S, A, C, T = 64, 676, 5, 80, 10
    feat = jax.random.normal(k[0], (B, S, A, 4), dtype=jnp.float32)
    box_pred = jax.random.uniform(k[1], (B, S, A, 4), dtype=jnp.float32)
    box_conf = jax.random.uniform(k[2], (B, S, A, 1), dtype=jnp.float32)
    box_prob = jax.random.normal(k[3], (B, S, A, C), dtype=jnp.float32)
    raw = jax.random.uniform(k[4], (B, T, 5), dtype=jnp.float32)
    cx = 0.05 + 0.9 * raw[..., 0]
    cy = 0.05 + 0.9 * raw[..., 1]
    w = 0.05 + 0.25 * raw[..., 2]
    h = 0.05 + 0.25 * raw[..., 3]
    cls = jnp.floor(raw[..., 4] * C)
    targets = jnp.stack([cx - w / 2.0, cy - h / 2.0, cx + w / 2.0, cy + h / 2.0, cls], axis=-1)
    anchors = jnp.array([[1.3221, 1.73145], [3.19275, 4.00944], [5.05587, 8.09892], [9.47112, 4.84053], [11.2364, 10.0071]], dtype=jnp.float32)
    return {"feat": feat, "box_pred": box_pred, "box_conf": box_conf, "box_prob": box_prob, "targets": targets, "anchors": anchors}

def reference(feat, box_pred, box_conf, box_prob, targets, anchors):
    return _forward(feat, box_pred, box_conf, box_prob, targets, anchors)

if __name__ == "__main__":
    import jax
    _d = setup_inputs()
    print(jax.jit(kernel)(*tuple(_d.values())))

</pallas_src>

<mosaic_0001>
#map = affine_map<(d0, d1) -> (0, 0)>
#map1 = affine_map<(d0, d1) -> (0)>
#map2 = affine_map<(d0, d1) -> (0, 0, 0)>
module attributes {stable_mosaic.version = 14 : i64} {
  func.func @_sc_body(%arg0: i32, %arg1: i32, %arg2: memref<64x56xf32, #tpu.memory_space<hbm>>, %arg3: memref<160xf32, #tpu.memory_space<hbm>>, %arg4: memref<6760x128xf32, #tpu.memory_space<hbm>>, %arg5: memref<6760x128xf32, #tpu.memory_space<hbm>>, %arg6: memref<1690x128xf32, #tpu.memory_space<hbm>>, %arg7: memref<64x16x16xf32, #tpu.memory_space<hbm>>, %arg8: memref<64x16x128xf32, #tpu.memory_space<hbm>>, %arg9: memref<64x16x128xf32, #tpu.memory_space<hbm>>, %arg10: memref<64x16x128xf32, #tpu.memory_space<hbm>>, %arg11: memref<56xf32, #tpu.memory_space<vmem>>, %arg12: memref<160xf32, #tpu.memory_space<vmem>>, %arg13: memref<16xi32, #tpu.memory_space<vmem>>, %arg14: memref<16xi32, #tpu.memory_space<vmem>>, %arg15: memref<16xi32, #tpu.memory_space<vmem>>, %arg16: memref<16xi32, #tpu.memory_space<vmem>>, %arg17: memref<16x16xf32, #tpu.memory_space<vmem>>, %arg18: memref<16x128xf32, #tpu.memory_space<vmem>>, %arg19: memref<16x128xf32, #tpu.memory_space<vmem>>, %arg20: memref<16x128xf32, #tpu.memory_space<vmem>>, %arg21: memref<!tpu.dma_semaphore, #tpu.memory_space<semaphore_mem>>) attributes {dimension_semantics = [#tpu.dimension_semantics<core_parallel>, #tpu.dimension_semantics<subcore_parallel>], iteration_bounds = array<i64: 2, 16>, scalar_prefetch = 0 : i64, scratch_operands = 11 : i64, tpu.core_type = #tpu.core_type<sc_vector_subcore>, window_params = [{transform_indices = #map}, {transform_indices = #map1}, {transform_indices = #map}, {transform_indices = #map}, {transform_indices = #map}, {transform_indices = #map2}, {transform_indices = #map2}, {transform_indices = #map2}, {transform_indices = #map2}]} {
    %mul3A = arith.constant 2 : i32
    %mul3A_0 = arith.muli %arg1, %mul3A : i32
    %add3A = arith.addi %mul3A_0, %arg0 : i32
    "tpu.region"() ({
      %run_scoped3A = tpu.sem_alloc : memref<!tpu.dma_semaphore, #tpu.memory_space<semaphore_mem>>
      tpu.enqueue_dma source(%arg3 : memref<160xf32, #tpu.memory_space<hbm>>) target(%arg12 : memref<160xf32, #tpu.memory_space<vmem>>) target_semaphore(%run_scoped3A : memref<!tpu.dma_semaphore, #tpu.memory_space<semaphore_mem>>)
      tpu.wait_dma2 semaphore(%run_scoped3A : memref<!tpu.dma_semaphore, #tpu.memory_space<semaphore_mem>>) src(%arg3 : memref<160xf32, #tpu.memory_space<hbm>>) dst(%arg12 : memref<160xf32, #tpu.memory_space<vmem>>)
      tpu.yield
    }) : () -> ()
    %iota3A = tpu.iota {dimensions = array<i32: 0>} : vector<16xi32>
    %lt3A = arith.constant 10 : i32
    %lt3A_1 = vector.broadcast %lt3A : i32 to vector<16xi32>
    %lt3A_2 = arith.cmpi slt, %iota3A, %lt3A_1 : vector<16xi32>
    %min3A = arith.constant 9 : i32
    %min3A_3 = vector.broadcast %min3A : i32 to vector<16xi32>
    %min3A_4 = arith.minsi %iota3A, %min3A_3 : vector<16xi32>
    %mul3A_5 = arith.constant 2 : i32
    %mul3A_6 = arith.muli %add3A, %mul3A_5 : i32
    %add3A_7 = arith.constant 0 : i32
    %add3A_8 = arith.addi %mul3A_6, %add3A_7 : i32
    "tpu.region"() ({
      %run_scoped3A = tpu.sem_alloc : memref<!tpu.dma_semaphore, #tpu.memory_space<semaphore_mem>>
      %dma_start3A_826 = arith.constant 0 : i32
      %dma_start3A_827 = tpu.memref_slice %arg2[%add3A_8, %dma_start3A_826] : memref<64x56xf32, #tpu.memory_space<hbm>> -> memref<1x56xf32, #tpu.memory_space<hbm>>
      %dma_start3A_828 = tpu.memref_squeeze %dma_start3A_827 : memref<1x56xf32, #tpu.memory_space<hbm>> -> memref<56xf32, #tpu.memory_space<hbm>>
      %dma_start3A_829 = arith.constant 0 : i32
      %dma_start3A_830 = tpu.memref_slice %arg2[%add3A_8, %dma_start3A_829] : memref<64x56xf32, #tpu.memory_space<hbm>> -> memref<1x56xf32, #tpu.memory_space<hbm>>
      %dma_start3A_831 = tpu.memref_squeeze %dma_start3A_830 : memref<1x56xf32, #tpu.memory_space<hbm>> -> memref<56xf32, #tpu.memory_space<hbm>>
      tpu.enqueue_dma source(%dma_start3A_831 : memref<56xf32, #tpu.memory_space<hbm>>) target(%arg11 : memref<56xf32, #tpu.memory_space<vmem>>) target_semaphore(%run_scoped3A : memref<!tpu.dma_semaphore, #tpu.memory_space<semaphore_mem>>)
      %dma_wait3A_832 = arith.constant 0 : i32
      %dma_wait3A_833 = tpu.memref_slice %arg2[%add3A_8, %dma_wait3A_832] : memref<64x56xf32, #tpu.memory_space<hbm>> -> memref<1x56xf32, #tpu.memory_space<hbm>>
      %dma_wait3A_834 = tpu.memref_squeeze %dma_wait3A_833 : memref<1x56xf32, #tpu.memory_space<hbm>> -> memref<56xf32, #tpu.memory_space<hbm>>
      %dma_wait3A_835 = arith.constant 0 : i32
      %dma_wait3A_836 = tpu.memref_slice %arg2[%add3A_8, %dma_wait3A_835] : memref<64x56xf32, #tpu.memory_space<hbm>> -> memref<1x56xf32, #tpu.memory_space<hbm>>
      %dma_wait3A_837 = tpu.memref_squeeze %dma_wait3A_836 : memref<1x56xf32, #tpu.memory_space<hbm>> -> memref<56xf32, #tpu.memory_space<hbm>>
      tpu.wait_dma2 semaphore(%run_scoped3A : memref<!tpu.dma_semaphore, #tpu.memory_space<semaphore_mem>>) src(%dma_wait3A_837 : memref<56xf32, #tpu.memory_space<hbm>>) dst(%arg11 : memref<56xf32, #tpu.memory_space<vmem>>)
      tpu.yield
    }) : () -> ()
    %mul3A_9 = arith.constant 5 : i32
    %mul3A_10 = vector.broadcast %mul3A_9 : i32 to vector<16xi32>
    %mul3A_11 = arith.muli %min3A_4, %mul3A_10 : vector<16xi32>
    %gather3A = tpu.vector_load_idx %arg11[%mul3A_11] : memref<56xf32, #tpu.memory_space<vmem>>[vector<16xi32>], vector<16xf32>,
    %add3A_12 = arith.constant 1 : i32
    %add3A_13 = vector.broadcast %add3A_12 : i32 to vector<16xi32>
    %add3A_14 = arith.addi %mul3A_11, %add3A_13 : vector<16xi32>
    %gather3A_15 = tpu.vector_load_idx %arg11[%add3A_14] : memref<56xf32, #tpu.memory_space<vmem>>[vector<16xi32>], vector<16xf32>,
    %add3A_16 = arith.constant 2 : i32
    %add3A_17 = vector.broadcast %add3A_16 : i32 to vector<16xi32>
    %add3A_18 = arith.addi %mul3A_11, %add3A_17 : vector<16xi32>
    %gather3A_19 = tpu.vector_load_idx %arg11[%add3A_18] : memref<56xf32, #tpu.memory_space<vmem>>[vector<16xi32>], vector<16xf32>,
    %add3A_20 = arith.constant 3 : i32
    %add3A_21 = vector.broadcast %add3A_20 : i32 to vector<16xi32>
    %add3A_22 = arith.addi %mul3A_11, %add3A_21 : vector<16xi32>
    %gather3A_23 = tpu.vector_load_idx %arg11[%add3A_22] : memref<56xf32, #tpu.memory_space<vmem>>[vector<16xi32>], vector<16xf32>,
    %add3A_24 = arith.constant 4 : i32
    %add3A_25 = vector.broadcast %add3A_24 : i32 to vector<16xi32>
    %add3A_26 = arith.addi %mul3A_11, %add3A_25 : vector<16xi32>
    %gather3A_27 = tpu.vector_load_idx %arg11[%add3A_26] : memref<56xf32, #tpu.memory_space<vmem>>[vector<16xi32>], vector<16xf32>,
    %add3A_28 = arith.addf %gather3A, %gather3A_19 : vector<16xf32>
    %mul3A_29 = arith.constant 1.300000e+01 : f32
    %mul3A_30 = vector.broadcast %mul3A_29 : f32 to vector<16xf32>
    %mul3A_31 = arith.mulf %add3A_28, %mul3A_30 : vector<16xf32>
    %add3A_32 = arith.addf %gather3A_15, %gather3A_23 : vector<16xf32>
    %mul3A_33 = arith.constant 1.300000e+01 : f32
    %mul3A_34 = vector.broadcast %mul3A_33 : f32 to vector<16xf32>
    %mul3A_35 = arith.mulf %add3A_32, %mul3A_34 : vector<16xf32>
    %sub3A = arith.subf %gather3A_19, %gather3A : vector<16xf32>
    %mul3A_36 = arith.constant 2.600000e+01 : f32
    %mul3A_37 = vector.broadcast %mul3A_36 : f32 to vector<16xf32>
    %mul3A_38 = arith.mulf %sub3A, %mul3A_37 : vector<16xf32>
    %sub3A_39 = arith.subf %gather3A_23, %gather3A_15 : vector<16xf32>
    %mul3A_40 = arith.constant 2.600000e+01 : f32
    %mul3A_41 = vector.broadcast %mul3A_40 : f32 to vector<16xf32>
    %mul3A_42 = arith.mulf %sub3A_39, %mul3A_41 : vector<16xf32>
    %convert_element_type3A = arith.fptosi %mul3A_31 : vector<16xf32> to vector<16xi32>
    %convert_element_type3A_43 = arith.fptosi %mul3A_35 : vector<16xf32> to vector<16xi32>
    %convert_element_type3A_44 = arith.sitofp %convert_element_type3A : vector<16xi32> to vector<16xf32>
    %sub3A_45 = arith.subf %mul3A_31, %convert_element_type3A_44 : vector<16xf32>
    %convert_element_type3A_46 = arith.sitofp %convert_element_type3A_43 : vector<16xi32> to vector<16xf32>
    %sub3A_47 = arith.subf %mul3A_35, %convert_element_type3A_46 : vector<16xf32>
    %mul3A_48 = arith.constant 26 : i32
    %mul3A_49 = vector.broadcast %mul3A_48 : i32 to vector<16xi32>
    %mul3A_50 = arith.muli %convert_element_type3A_43, %mul3A_49 : vector<16xi32>
    %add3A_51 = arith.addi %mul3A_50, %convert_element_type3A : vector<16xi32>
    %mul3A_52 = arith.mulf %mul3A_38, %mul3A_42 : vector<16xf32>
    %broadcast_in_dim3A = arith.constant -1.000000e+00 : f32
    %broadcast_in_dim3A_53 = vector.broadcast %broadcast_in_dim3A : f32 to vector<16xf32>
    %broadcast_in_dim3A_54 = arith.constant 0 : i32
    %broadcast_in_dim3A_55 = vector.broadcast %broadcast_in_dim3A_54 : i32 to vector<16xi32>
    %broadcast_in_dim3A_56 = arith.constant 1.000000e+00 : f32
    %broadcast_in_dim3A_57 = vector.broadcast %broadcast_in_dim3A_56 : f32 to vector<16xf32>
    %broadcast_in_dim3A_58 = arith.constant 1.000000e+00 : f32
    %broadcast_in_dim3A_59 = vector.broadcast %broadcast_in_dim3A_58 : f32 to vector<16xf32>
    %get3A = arith.constant 0 : index
    %get3A_60 = tpu.vector_load %arg12[%get3A] {strides = array<i32>} : memref<160xf32, #tpu.memory_space<vmem>>, vector<16xf32>,
    %get3A_61 = arith.constant 16 : index
    %get3A_62 = tpu.vector_load %arg12[%get3A_61] {strides = array<i32>} : memref<160xf32, #tpu.memory_space<vmem>>, vector<16xf32>,
    %min3A_63 = arith.minimumf %mul3A_38, %get3A_60 : vector<16xf32>
    %min3A_64 = arith.minimumf %mul3A_42, %get3A_62 : vector<16xf32>
    %mul3A_65 = arith.mulf %min3A_63, %min3A_64 : vector<16xf32>
    %mul3A_66 = arith.mulf %get3A_60, %get3A_62 : vector<16xf32>
    %add3A_67 = arith.addf %mul3A_52, %mul3A_66 : vector<16xf32>
    %sub3A_68 = arith.subf %add3A_67, %mul3A_65 : vector<16xf32>
    %div3A = arith.divf %mul3A_65, %sub3A_68 : vector<16xf32>
    %gt3A = arith.cmpf ogt, %div3A, %broadcast_in_dim3A_53 : vector<16xf32>
    %select_n3A = arith.select %gt3A, %div3A, %broadcast_in_dim3A_53 : vector<16xi1>, vector<16xf32>
    %jit3A = arith.constant 0 : i32
    %broadcast_in_dim3A_69 = vector.broadcast %jit3A : i32 to vector<16xi32>
    %select_n3A_70 = arith.select %gt3A, %broadcast_in_dim3A_69, %broadcast_in_dim3A_55 : vector<16xi1>, vector<16xi32>
    %select_n3A_71 = arith.select %gt3A, %get3A_60, %broadcast_in_dim3A_57 : vector<16xi1>, vector<16xf32>
    %select_n3A_72 = arith.select %gt3A, %get3A_62, %broadcast_in_dim3A_59 : vector<16xi1>, vector<16xf32>
    %get3A_73 = arith.constant 32 : index
    %get3A_74 = tpu.vector_load %arg12[%get3A_73] {strides = array<i32>} : memref<160xf32, #tpu.memory_space<vmem>>, vector<16xf32>,
    %get3A_75 = arith.constant 48 : index
    %get3A_76 = tpu.vector_load %arg12[%get3A_75] {strides = array<i32>} : memref<160xf32, #tpu.memory_space<vmem>>, vector<16xf32>,
    %min3A_77 = arith.minimumf %mul3A_38, %get3A_74 : vector<16xf32>
    %min3A_78 = arith.minimumf %mul3A_42, %get3A_76 : vector<16xf32>
    %mul3A_79 = arith.mulf %min3A_77, %min3A_78 : vector<16xf32>
    %mul3A_80 = arith.mulf %get3A_74, %get3A_76 : vector<16xf32>
    %add3A_81 = arith.addf %mul3A_52, %mul3A_80 : vector<16xf32>
    %sub3A_82 = arith.subf %add3A_81, %mul3A_79 : vector<16xf32>
    %div3A_83 = arith.divf %mul3A_79, %sub3A_82 : vector<16xf32>
    %gt3A_84 = arith.cmpf ogt, %div3A_83, %select_n3A : vector<16xf32>
    %select_n3A_85 = arith.select %gt3A_84, %div3A_83, %select_n3A : vector<16xi1>, vector<16xf32>
    %jit3A_86 = arith.constant 1 : i32
    %broadcast_in_dim3A_87 = vector.broadcast %jit3A_86 : i32 to vector<16xi32>
    %select_n3A_88 = arith.select %gt3A_84, %broadcast_in_dim3A_87, %select_n3A_70 : vector<16xi1>, vector<16xi32>
    %select_n3A_89 = arith.select %gt3A_84, %get3A_74, %select_n3A_71 : vector<16xi1>, vector<16xf32>
    %select_n3A_90 = arith.select %gt3A_84, %get3A_76, %select_n3A_72 : vector<16xi1>, vector<16xf32>
    %get3A_91 = arith.constant 64 : index
    %get3A_92 = tpu.vector_load %arg12[%get3A_91] {strides = array<i32>} : memref<160xf32, #tpu.memory_space<vmem>>, vector<16xf32>,
    %get3A_93 = arith.constant 80 : index
    %get3A_94 = tpu.vector_load %arg12[%get3A_93] {strides = array<i32>} : memref<160xf32, #tpu.memory_space<vmem>>, vector<16xf32>,
    %min3A_95 = arith.minimumf %mul3A_38, %get3A_92 : vector<16xf32>
    %min3A_96 = arith.minimumf %mul3A_42, %get3A_94 : vector<16xf32>
    %mul3A_97 = arith.mulf %min3A_95, %min3A_96 : vector<16xf32>
    %mul3A_98 = arith.mulf %get3A_92, %get3A_94 : vector<16xf32>
    %add3A_99 = arith.addf %mul3A_52, %mul3A_98 : vector<16xf32>
    %sub3A_100 = arith.subf %add3A_99, %mul3A_97 : vector<16xf32>
    %div3A_101 = arith.divf %mul3A_97, %sub3A_100 : vector<16xf32>
    %gt3A_102 = arith.cmpf ogt, %div3A_101, %select_n3A_85 : vector<16xf32>
    %select_n3A_103 = arith.select %gt3A_102, %div3A_101, %select_n3A_85 : vector<16xi1>, vector<16xf32>
    %jit3A_104 = arith.constant 2 : i32
    %broadcast_in_dim3A_105 = vector.broadcast %jit3A_104 : i32 to vector<16xi32>
    %select_n3A_106 = arith.select %gt3A_102, %broadcast_in_dim3A_105, %select_n3A_88 : vector<16xi1>, vector<16xi32>
    %select_n3A_107 = arith.select %gt3A_102, %get3A_92, %select_n3A_89 : vector<16xi1>, vector<16xf32>
    %select_n3A_108 = arith.select %gt3A_102, %get3A_94, %select_n3A_90 : vector<16xi1>, vector<16xf32>
    %get3A_109 = arith.constant 96 : index
    %get3A_110 = tpu.vector_load %arg12[%get3A_109] {strides = array<i32>} : memref<160xf32, #tpu.memory_space<vmem>>, vector<16xf32>,
    %get3A_111 = arith.constant 112 : index
    %get3A_112 = tpu.vector_load %arg12[%get3A_111] {strides = array<i32>} : memref<160xf32, #tpu.memory_space<vmem>>, vector<16xf32>,
    %min3A_113 = arith.minimumf %mul3A_38, %get3A_110 : vector<16xf32>
    %min3A_114 = arith.minimumf %mul3A_42, %get3A_112 : vector<16xf32>
    %mul3A_115 = arith.mulf %min3A_113, %min3A_114 : vector<16xf32>
    %mul3A_116 = arith.mulf %get3A_110, %get3A_112 : vector<16xf32>
    %add3A_117 = arith.addf %mul3A_52, %mul3A_116 : vector<16xf32>
    %sub3A_118 = arith.subf %add3A_117, %mul3A_115 : vector<16xf32>
    %div3A_119 = arith.divf %mul3A_115, %sub3A_118 : vector<16xf32>
    %gt3A_120 = arith.cmpf ogt, %div3A_119, %select_n3A_103 : vector<16xf32>
    %select_n3A_121 = arith.select %gt3A_120, %div3A_119, %select_n3A_103 : vector<16xi1>, vector<16xf32>
    %jit3A_122 = arith.constant 3 : i32
    %broadcast_in_dim3A_123 = vector.broadcast %jit3A_122 : i32 to vector<16xi32>
    %select_n3A_124 = arith.select %gt3A_120, %broadcast_in_dim3A_123, %select_n3A_106 : vector<16xi1>, vector<16xi32>
    %select_n3A_125 = arith.select %gt3A_120, %get3A_110, %select_n3A_107 : vector<16xi1>, vector<16xf32>
    %select_n3A_126 = arith.select %gt3A_120, %get3A_112, %select_n3A_108 : vector<16xi1>, vector<16xf32>
    %get3A_127 = arith.constant 128 : index
    %get3A_128 = tpu.vector_load %arg12[%get3A_127] {strides = array<i32>} : memref<160xf32, #tpu.memory_space<vmem>>, vector<16xf32>,
    %get3A_129 = arith.constant 144 : index
    %get3A_130 = tpu.vector_load %arg12[%get3A_129] {strides = array<i32>} : memref<160xf32, #tpu.memory_space<vmem>>, vector<16xf32>,
    %min3A_131 = arith.minimumf %mul3A_38, %get3A_128 : vector<16xf32>
    %min3A_132 = arith.minimumf %mul3A_42, %get3A_130 : vector<16xf32>
    %mul3A_133 = arith.mulf %min3A_131, %min3A_132 : vector<16xf32>
    %mul3A_134 = arith.mulf %get3A_128, %get3A_130 : vector<16xf32>
    %add3A_135 = arith.addf %mul3A_52, %mul3A_134 : vector<16xf32>
    %sub3A_136 = arith.subf %add3A_135, %mul3A_133 : vector<16xf32>
    %div3A_137 = arith.divf %mul3A_133, %sub3A_136 : vector<16xf32>
    %gt3A_138 = arith.cmpf ogt, %div3A_137, %select_n3A_121 : vector<16xf32>
    %select_n3A_139 = arith.select %gt3A_138, %div3A_137, %select_n3A_121 : vector<16xi1>, vector<16xf32>
    %jit3A_140 = arith.constant 4 : i32
    %broadcast_in_dim3A_141 = vector.broadcast %jit3A_140 : i32 to vector<16xi32>
    %select_n3A_142 = arith.select %gt3A_138, %broadcast_in_dim3A_141, %select_n3A_124 : vector<16xi1>, vector<16xi32>
    %select_n3A_143 = arith.select %gt3A_138, %get3A_128, %select_n3A_125 : vector<16xi1>, vector<16xf32>
    %select_n3A_144 = arith.select %gt3A_138, %get3A_130, %select_n3A_126 : vector<16xi1>, vector<16xf32>
    %mul3A_145 = arith.constant 5 : i32
    %mul3A_146 = vector.broadcast %mul3A_145 : i32 to vector<16xi32>
    %mul3A_147 = arith.muli %add3A_51, %mul3A_146 : vector<16xi32>
    %add3A_148 = arith.addi %mul3A_147, %select_n3A_142 : vector<16xi32>
    %sub3A_149 = arith.constant -1 : i32
    %sub3A_150 = vector.broadcast %sub3A_149 : i32 to vector<16xi32>
    %sub3A_151 = arith.subi %sub3A_150, %iota3A : vector<16xi32>
    %select_n3A_152 = arith.select %lt3A_2, %add3A_148, %sub3A_151 : vector<16xi1>, vector<16xi32>
    %swap3A = arith.constant 0 : index
    %swap3A_153 = tpu.vector_load %arg13[%swap3A] {strides = array<i32>} : memref<16xi32, #tpu.memory_space<vmem>>, vector<16xi32>,
    tpu.vector_store %arg13[%swap3A], %select_n3A_152 {strides = array<i32>} : memref<16xi32, #tpu.memory_space<vmem>>, vector<16xi32>,
    %lt3A_154 = arith.constant 0 : i32
    %lt3A_155 = vector.broadcast %lt3A_154 : i32 to vector<16xi32>
    %lt3A_156 = arith.cmpi slt, %iota3A, %lt3A_155 : vector<16xi32>
    %add3A_157 = arith.constant 1 : i32
    %add3A_158 = vector.broadcast %add3A_157 : i32 to vector<16xi32>
    %add3A_159 = arith.addi %iota3A, %add3A_158 : vector<16xi32>
    %min3A_160 = arith.constant 15 : i32
    %min3A_161 = vector.broadcast %min3A_160 : i32 to vector<16xi32>
    %min3A_162 = arith.minsi %add3A_159, %min3A_161 : vector<16xi32>
    %gather3A_163 = tpu.vector_load_idx %arg13[%min3A_162] : memref<16xi32, #tpu.memory_space<vmem>>[vector<16xi32>], vector<16xi32>,
    %eq3A = arith.cmpi eq, %select_n3A_152, %gather3A_163 : vector<16xi32>
    %add3A_164 = arith.constant 1 : i32
    %add3A_165 = vector.broadcast %add3A_164 : i32 to vector<16xi32>
    %add3A_166 = arith.addi %iota3A, %add3A_165 : vector<16xi32>
    %lt3A_167 = arith.constant 10 : i32
    %lt3A_168 = vector.broadcast %lt3A_167 : i32 to vector<16xi32>
    %lt3A_169 = arith.cmpi slt, %add3A_166, %lt3A_168 : vector<16xi32>
    %and3A = arith.andi %eq3A, %lt3A_169 : vector<16xi1>
    %or3A = arith.ori %lt3A_156, %and3A : vector<16xi1>
    %add3A_170 = arith.constant 2 : i32
    %add3A_171 = vector.broadcast %add3A_170 : i32 to vector<16xi32>
    %add3A_172 = arith.addi %iota3A, %add3A_171 : vector<16xi32>
    %min3A_173 = arith.constant 15 : i32
    %min3A_174 = vector.broadcast %min3A_173 : i32 to vector<16xi32>
    %min3A_175 = arith.minsi %add3A_172, %min3A_174 : vector<16xi32>
    %gather3A_176 = tpu.vector_load_idx %arg13[%min3A_175] : memref<16xi32, #tpu.memory_space<vmem>>[vector<16xi32>], vector<16xi32>,
    %eq3A_177 = arith.cmpi eq, %select_n3A_152, %gather3A_176 : vector<16xi32>
    %add3A_178 = arith.constant 2 : i32
    %add3A_179 = vector.broadcast %add3A_178 : i32 to vector<16xi32>
    %add3A_180 = arith.addi %iota3A, %add3A_179 : vector<16xi32>
    %lt3A_181 = arith.constant 10 : i32
    %lt3A_182 = vector.broadcast %lt3A_181 : i32 to vector<16xi32>
    %lt3A_183 = arith.cmpi slt, %add3A_180, %lt3A_182 : vector<16xi32>
    %and3A_184 = arith.andi %eq3A_177, %lt3A_183 : vector<16xi1>
    %or3A_185 = arith.ori %or3A, %and3A_184 : vector<16xi1>
    %add3A_186 = arith.constant 3 : i32
    %add3A_187 = vector.broadcast %add3A_186 : i32 to vector<16xi32>
    %add3A_188 = arith.addi %iota3A, %add3A_187 : vector<16xi32>
    %min3A_189 = arith.constant 15 : i32
    %min3A_190 = vector.broadcast %min3A_189 : i32 to vector<16xi32>
    %min3A_191 = arith.minsi %add3A_188, %min3A_190 : vector<16xi32>
    %gather3A_192 = tpu.vector_load_idx %arg13[%min3A_191] : memref<16xi32, #tpu.memory_space<vmem>>[vector<16xi32>], vector<16xi32>,
    %eq3A_193 = arith.cmpi eq, %select_n3A_152, %gather3A_192 : vector<16xi32>
    %add3A_194 = arith.constant 3 : i32
    %add3A_195 = vector.broadcast %add3A_194 : i32 to vector<16xi32>
    %add3A_196 = arith.addi %iota3A, %add3A_195 : vector<16xi32>
    %lt3A_197 = arith.constant 10 : i32
    %lt3A_198 = vector.broadcast %lt3A_197 : i32 to vector<16xi32>
    %lt3A_199 = arith.cmpi slt, %add3A_196, %lt3A_198 : vector<16xi32>
    %and3A_200 = arith.andi %eq3A_193, %lt3A_199 : vector<16xi1>
    %or3A_201 = arith.ori %or3A_185, %and3A_200 : vector<16xi1>
    %add3A_202 = arith.constant 4 : i32
    %add3A_203 = vector.broadcast %add3A_202 : i32 to vector<16xi32>
    %add3A_204 = arith.addi %iota3A, %add3A_203 : vector<16xi32>
    %min3A_205 = arith.constant 15 : i32
    %min3A_206 = vector.broadcast %min3A_205 : i32 to vector<16xi32>
    %min3A_207 = arith.minsi %add3A_204, %min3A_206 : vector<16xi32>
    %gather3A_208 = tpu.vector_load_idx %arg13[%min3A_207] : memref<16xi32, #tpu.memory_space<vmem>>[vector<16xi32>], vector<16xi32>,
    %eq3A_209 = arith.cmpi eq, %select_n3A_152, %gather3A_208 : vector<16xi32>
    %add3A_210 = arith.constant 4 : i32
    %add3A_211 = vector.broadcast %add3A_210 : i32 to vector<16xi32>
    %add3A_212 = arith.addi %iota3A, %add3A_211 : vector<16xi32>
    %lt3A_213 = arith.constant 10 : i32
    %lt3A_214 = vector.broadcast %lt3A_213 : i32 to vector<16xi32>
    %lt3A_215 = arith.cmpi slt, %add3A_212, %lt3A_214 : vector<16xi32>
    %and3A_216 = arith.andi %eq3A_209, %lt3A_215 : vector<16xi1>
    %or3A_217 = arith.ori %or3A_201, %and3A_216 : vector<16xi1>
    %add3A_218 = arith.constant 5 : i32
    %add3A_219 = vector.broadcast %add3A_218 : i32 to vector<16xi32>
    %add3A_220 = arith.addi %iota3A, %add3A_219 : vector<16xi32>
    %min3A_221 = arith.constant 15 : i32
    %min3A_222 = vector.broadcast %min3A_221 : i32 to vector<16xi32>
    %min3A_223 = arith.minsi %add3A_220, %min3A_222 : vector<16xi32>
    %gather3A_224 = tpu.vector_load_idx %arg13[%min3A_223] : memref<16xi32, #tpu.memory_space<vmem>>[vector<16xi32>], vector<16xi32>,
    %eq3A_225 = arith.cmpi eq, %select_n3A_152, %gather3A_224 : vector<16xi32>
    %add3A_226 = arith.constant 5 : i32
    %add3A_227 = vector.broadcast %add3A_226 : i32 to vector<16xi32>
    %add3A_228 = arith.addi %iota3A, %add3A_227 : vector<16xi32>
    %lt3A_229 = arith.constant 10 : i32
    %lt3A_230 = vector.broadcast %lt3A_229 : i32 to vector<16xi32>
    %lt3A_231 = arith.cmpi slt, %add3A_228, %lt3A_230 : vector<16xi32>
    %and3A_232 = arith.andi %eq3A_225, %lt3A_231 : vector<16xi1>
    %or3A_233 = arith.ori %or3A_217, %and3A_232 : vector<16xi1>
    %add3A_234 = arith.constant 6 : i32
    %add3A_235 = vector.broadcast %add3A_234 : i32 to vector<16xi32>
    %add3A_236 = arith.addi %iota3A, %add3A_235 : vector<16xi32>
    %min3A_237 = arith.constant 15 : i32
    %min3A_238 = vector.broadcast %min3A_237 : i32 to vector<16xi32>
    %min3A_239 = arith.minsi %add3A_236, %min3A_238 : vector<16xi32>
    %gather3A_240 = tpu.vector_load_idx %arg13[%min3A_239] : memref<16xi32, #tpu.memory_space<vmem>>[vector<16xi32>], vector<16xi32>,
    %eq3A_241 = arith.cmpi eq, %select_n3A_152, %gather3A_240 : vector<16xi32>
    %add3A_242 = arith.constant 6 : i32
    %add3A_243 = vector.broadcast %add3A_242 : i32 to vector<16xi32>
    %add3A_244 = arith.addi %iota3A, %add3A_243 : vector<16xi32>
    %lt3A_245 = arith.constant 10 : i32
    %lt3A_246 = vector.broadcast %lt3A_245 : i32 to vector<16xi32>
    %lt3A_247 = arith.cmpi slt, %add3A_244, %lt3A_246 : vector<16xi32>
    %and3A_248 = arith.andi %eq3A_241, %lt3A_247 : vector<16xi1>
    %or3A_249 = arith.ori %or3A_233, %and3A_248 : vector<16xi1>
    %add3A_250 = arith.constant 7 : i32
    %add3A_251 = vector.broadcast %add3A_250 : i32 to vector<16xi32>
    %add3A_252 = arith.addi %iota3A, %add3A_251 : vector<16xi32>
    %min3A_253 = arith.constant 15 : i32
    %min3A_254 = vector.broadcast %min3A_253 : i32 to vector<16xi32>
    %min3A_255 = arith.minsi %add3A_252, %min3A_254 : vector<16xi32>
    %gather3A_256 = tpu.vector_load_idx %arg13[%min3A_255] : memref<16xi32, #tpu.memory_space<vmem>>[vector<16xi32>], vector<16xi32>,
    %eq3A_257 = arith.cmpi eq, %select_n3A_152, %gather3A_256 : vector<16xi32>
    %add3A_258 = arith.constant 7 : i32
    %add3A_259 = vector.broadcast %add3A_258 : i32 to vector<16xi32>
    %add3A_260 = arith.addi %iota3A, %add3A_259 : vector<16xi32>
    %lt3A_261 = arith.constant 10 : i32
    %lt3A_262 = vector.broadcast %lt3A_261 : i32 to vector<16xi32>
    %lt3A_263 = arith.cmpi slt, %add3A_260, %lt3A_262 : vector<16xi32>
    %and3A_264 = arith.andi %eq3A_257, %lt3A_263 : vector<16xi1>
    %or3A_265 = arith.ori %or3A_249, %and3A_264 : vector<16xi1>
    %add3A_266 = arith.constant 8 : i32
    %add3A_267 = vector.broadcast %add3A_266 : i32 to vector<16xi32>
    %add3A_268 = arith.addi %iota3A, %add3A_267 : vector<16xi32>
    %min3A_269 = arith.constant 15 : i32
    %min3A_270 = vector.broadcast %min3A_269 : i32 to vector<16xi32>
    %min3A_271 = arith.minsi %add3A_268, %min3A_270 : vector<16xi32>
    %gather3A_272 = tpu.vector_load_idx %arg13[%min3A_271] : memref<16xi32, #tpu.memory_space<vmem>>[vector<16xi32>], vector<16xi32>,
    %eq3A_273 = arith.cmpi eq, %select_n3A_152, %gather3A_272 : vector<16xi32>
    %add3A_274 = arith.constant 8 : i32
    %add3A_275 = vector.broadcast %add3A_274 : i32 to vector<16xi32>
    %add3A_276 = arith.addi %iota3A, %add3A_275 : vector<16xi32>
    %lt3A_277 = arith.constant 10 : i32
    %lt3A_278 = vector.broadcast %lt3A_277 : i32 to vector<16xi32>
    %lt3A_279 = arith.cmpi slt, %add3A_276, %lt3A_278 : vector<16xi32>
    %and3A_280 = arith.andi %eq3A_273, %lt3A_279 : vector<16xi1>
    %or3A_281 = arith.ori %or3A_265, %and3A_280 : vector<16xi1>
    %add3A_282 = arith.constant 9 : i32
    %add3A_283 = vector.broadcast %add3A_282 : i32 to vector<16xi32>
    %add3A_284 = arith.addi %iota3A, %add3A_283 : vector<16xi32>
    %min3A_285 = arith.constant 15 : i32
    %min3A_286 = vector.broadcast %min3A_285 : i32 to vector<16xi32>
    %min3A_287 = arith.minsi %add3A_284, %min3A_286 : vector<16xi32>
    %gather3A_288 = tpu.vector_load_idx %arg13[%min3A_287] : memref<16xi32, #tpu.memory_space<vmem>>[vector<16xi32>], vector<16xi32>,
    %eq3A_289 = arith.cmpi eq, %select_n3A_152, %gather3A_288 : vector<16xi32>
    %add3A_290 = arith.constant 9 : i32
    %add3A_291 = vector.broadcast %add3A_290 : i32 to vector<16xi32>
    %add3A_292 = arith.addi %iota3A, %add3A_291 : vector<16xi32>
    %lt3A_293 = arith.constant 10 : i32
    %lt3A_294 = vector.broadcast %lt3A_293 : i32 to vector<16xi32>
    %lt3A_295 = arith.cmpi slt, %add3A_292, %lt3A_294 : vector<16xi32>
    %and3A_296 = arith.andi %eq3A_289, %lt3A_295 : vector<16xi1>
    %or3A_297 = arith.ori %or3A_281, %and3A_296 : vector<16xi1>
    %not3A = arith.constant dense<true> : vector<16xi1>
    %not3A_298 = arith.xori %or3A_297, %not3A : vector<16xi1>
    %and3A_299 = arith.andi %lt3A_2, %not3A_298 : vector<16xi1>
    %jit3A_300 = arith.constant 1.000000e+00 : f32
    %jit3A_301 = arith.constant 0.000000e+00 : f32
    %broadcast_in_dim3A_302 = vector.broadcast %jit3A_300 : f32 to vector<16xf32>
    %broadcast_in_dim3A_303 = vector.broadcast %jit3A_301 : f32 to vector<16xf32>
    %select_n3A_304 = arith.select %and3A_299, %broadcast_in_dim3A_302, %broadcast_in_dim3A_303 : vector<16xi1>, vector<16xf32>
    %mul3A_305 = arith.constant 3380 : i32
    %mul3A_306 = arith.muli %add3A_8, %mul3A_305 : i32
    %mul3A_307 = arith.constant 5 : i32
    %mul3A_308 = vector.broadcast %mul3A_307 : i32 to vector<16xi32>
    %mul3A_309 = arith.muli %add3A_51, %mul3A_308 : vector<16xi32>
    %add3A_310 = vector.broadcast %mul3A_306 : i32 to vector<16xi32>
    %add3A_311 = arith.addi %add3A_310, %mul3A_309 : vector<16xi32>
    %add3A_312 = arith.addi %add3A_311, %select_n3A_142 : vector<16xi32>
    %shift_right_logical3A = arith.constant 5 : i32
    %shift_right_logical3A_313 = vector.broadcast %shift_right_logical3A : i32 to vector<16xi32>
    %shift_right_logical3A_314 = arith.shrui %add3A_312, %shift_right_logical3A_313 : vector<16xi32>
    %swap3A_315 = arith.constant 0 : index
    %swap3A_316 = tpu.vector_load %arg14[%swap3A_315] {strides = array<i32>} : memref<16xi32, #tpu.memory_space<vmem>>, vector<16xi32>,
    tpu.vector_store %arg14[%swap3A_315], %shift_right_logical3A_314 {strides = array<i32>} : memref<16xi32, #tpu.memory_space<vmem>>, vector<16xi32>,
    %shift_right_logical3A_317 = arith.constant 5 : i32
    %shift_right_logical3A_318 = vector.broadcast %shift_right_logical3A_317 : i32 to vector<16xi32>
    %shift_right_logical3A_319 = arith.shrui %add3A_312, %shift_right_logical3A_318 : vector<16xi32>
    %swap3A_320 = arith.constant 0 : index
    %swap3A_321 = tpu.vector_load %arg15[%swap3A_320] {strides = array<i32>} : memref<16xi32, #tpu.memory_space<vmem>>, vector<16xi32>,
    tpu.vector_store %arg15[%swap3A_320], %shift_right_logical3A_319 {strides = array<i32>} : memref<16xi32, #tpu.memory_space<vmem>>, vector<16xi32>,
    %shift_right_logical3A_322 = arith.constant 7 : i32
    %shift_right_logical3A_323 = vector.broadcast %shift_right_logical3A_322 : i32 to vector<16xi32>
    %shift_right_logical3A_324 = arith.shrui %add3A_312, %shift_right_logical3A_323 : vector<16xi32>
    %swap3A_325 = arith.constant 0 : index
    %swap3A_326 = tpu.vector_load %arg16[%swap3A_325] {strides = array<i32>} : memref<16xi32, #tpu.memory_space<vmem>>, vector<16xi32>,
    tpu.vector_store %arg16[%swap3A_325], %shift_right_logical3A_324 {strides = array<i32>} : memref<16xi32, #tpu.memory_space<vmem>>, vector<16xi32>,
    %dma_start3A = arith.constant 0 : i32
    %dma_start3A_327 = arith.constant 0 : i32
    %dma_start3A_328 = tpu.memref_slice %arg4[%dma_start3A, %dma_start3A_327] : memref<6760x128xf32, #tpu.memory_space<hbm>> -> memref<6760x128xf32, #tpu.memory_space<hbm>>
    tpu.enqueue_indirect_dma source(%dma_start3A_328 : memref<6760x128xf32, #tpu.memory_space<hbm>>) target(%arg18 : memref<16x128xf32, #tpu.memory_space<vmem>>) offsets(%arg14 : memref<16xi32, #tpu.memory_space<vmem>>) semaphore(%arg21 : memref<!tpu.dma_semaphore, #tpu.memory_space<semaphore_mem>>)
    %dma_start3A_329 = arith.constant 0 : i32
    %dma_start3A_330 = arith.constant 0 : i32
    %dma_start3A_331 = tpu.memref_slice %arg5[%dma_start3A_329, %dma_start3A_330] : memref<6760x128xf32, #tpu.memory_space<hbm>> -> memref<6760x128xf32, #tpu.memory_space<hbm>>
    tpu.enqueue_indirect_dma source(%dma_start3A_331 : memref<6760x128xf32, #tpu.memory_space<hbm>>) target(%arg19 : memref<16x128xf32, #tpu.memory_space<vmem>>) offsets(%arg15 : memref<16xi32, #tpu.memory_space<vmem>>) semaphore(%arg21 : memref<!tpu.dma_semaphore, #tpu.memory_space<semaphore_mem>>)
    %dma_start3A_332 = arith.constant 0 : i32
    %dma_start3A_333 = arith.constant 0 : i32
    %dma_start3A_334 = tpu.memref_slice %arg6[%dma_start3A_332, %dma_start3A_333] : memref<1690x128xf32, #tpu.memory_space<hbm>> -> memref<1690x128xf32, #tpu.memory_space<hbm>>
    tpu.enqueue_indirect_dma source(%dma_start3A_334 : memref<1690x128xf32, #tpu.memory_space<hbm>>) target(%arg20 : memref<16x128xf32, #tpu.memory_space<vmem>>) offsets(%arg16 : memref<16xi32, #tpu.memory_space<vmem>>) semaphore(%arg21 : memref<!tpu.dma_semaphore, #tpu.memory_space<semaphore_mem>>)
    %swap3A_335 = arith.constant 0 : i32
    %swap3A_336 = arith.index_cast %swap3A_335 : i32 to index
    %swap3A_337 = arith.constant 0 : index
    %swap3A_338 = tpu.vector_load %arg17[%swap3A_336, %swap3A_337] {strides = array<i32>} : memref<16x16xf32, #tpu.memory_space<vmem>>, vector<16xf32>,
    tpu.vector_store %arg17[%swap3A_336, %swap3A_337], %select_n3A_304 {strides = array<i32>} : memref<16x16xf32, #tpu.memory_space<vmem>>, vector<16xf32>,
    %swap3A_339 = arith.constant 1 : i32
    %swap3A_340 = arith.index_cast %swap3A_339 : i32 to index
    %swap3A_341 = arith.constant 0 : index
    %swap3A_342 = tpu.vector_load %arg17[%swap3A_340, %swap3A_341] {strides = array<i32>} : memref<16x16xf32, #tpu.memory_space<vmem>>, vector<16xf32>,
    tpu.vector_store %arg17[%swap3A_340, %swap3A_341], %sub3A_45 {strides = array<i32>} : memref<16x16xf32, #tpu.memory_space<vmem>>, vector<16xf32>,
    %swap3A_343 = arith.constant 2 : i32
    %swap3A_344 = arith.index_cast %swap3A_343 : i32 to index
    %swap3A_345 = arith.constant 0 : index
    %swap3A_346 = tpu.vector_load %arg17[%swap3A_344, %swap3A_345] {strides = array<i32>} : memref<16x16xf32, #tpu.memory_space<vmem>>, vector<16xf32>,
    tpu.vector_store %arg17[%swap3A_344, %swap3A_345], %sub3A_47 {strides = array<i32>} : memref<16x16xf32, #tpu.memory_space<vmem>>, vector<16xf32>,
    %swap3A_347 = arith.constant 3 : i32
    %swap3A_348 = arith.index_cast %swap3A_347 : i32 to index
    %swap3A_349 = arith.constant 0 : index
    %swap3A_350 = tpu.vector_load %arg17[%swap3A_348, %swap3A_349] {strides = array<i32>} : memref<16x16xf32, #tpu.memory_space<vmem>>, vector<16xf32>,
    tpu.vector_store %arg17[%swap3A_348, %swap3A_349], %mul3A_38 {strides = array<i32>} : memref<16x16xf32, #tpu.memory_space<vmem>>, vector<16xf32>,
    %swap3A_351 = arith.constant 4 : i32
    %swap3A_352 = arith.index_cast %swap3A_351 : i32 to index
    %swap3A_353 = arith.constant 0 : index
    %swap3A_354 = tpu.vector_load %arg17[%swap3A_352, %swap3A_353] {strides = array<i32>} : memref<16x16xf32, #tpu.memory_space<vmem>>, vector<16xf32>,
    tpu.vector_store %arg17[%swap3A_352, %swap3A_353], %mul3A_42 {strides = array<i32>} : memref<16x16xf32, #tpu.memory_space<vmem>>, vector<16xf32>,
    %swap3A_355 = arith.constant 5 : i32
    %swap3A_356 = arith.index_cast %swap3A_355 : i32 to index
    %swap3A_357 = arith.constant 0 : index
    %swap3A_358 = tpu.vector_load %arg17[%swap3A_356, %swap3A_357] {strides = array<i32>} : memref<16x16xf32, #tpu.memory_space<vmem>>, vector<16xf32>,
    tpu.vector_store %arg17[%swap3A_356, %swap3A_357], %select_n3A_143 {strides = array<i32>} : memref<16x16xf32, #tpu.memory_space<vmem>>, vector<16xf32>,
    %swap3A_359 = arith.constant 6 : i32
    %swap3A_360 = arith.index_cast %swap3A_359 : i32 to index
    %swap3A_361 = arith.constant 0 : index
    %swap3A_362 = tpu.vector_load %arg17[%swap3A_360, %swap3A_361] {strides = array<i32>} : memref<16x16xf32, #tpu.memory_space<vmem>>, vector<16xf32>,
    tpu.vector_store %arg17[%swap3A_360, %swap3A_361], %select_n3A_144 {strides = array<i32>} : memref<16x16xf32, #tpu.memory_space<vmem>>, vector<16xf32>,
    %swap3A_363 = arith.constant 7 : i32
    %swap3A_364 = arith.index_cast %swap3A_363 : i32 to index
    %swap3A_365 = arith.constant 0 : index
    %swap3A_366 = tpu.vector_load %arg17[%swap3A_364, %swap3A_365] {strides = array<i32>} : memref<16x16xf32, #tpu.memory_space<vmem>>, vector<16xf32>,
    tpu.vector_store %arg17[%swap3A_364, %swap3A_365], %gather3A_27 {strides = array<i32>} : memref<16x16xf32, #tpu.memory_space<vmem>>, vector<16xf32>,
    %broadcast_in_dim3A_367 = arith.constant 0.000000e+00 : f32
    %broadcast_in_dim3A_368 = vector.broadcast %broadcast_in_dim3A_367 : f32 to vector<16xf32>
    %swap3A_369 = arith.constant 8 : i32
    %swap3A_370 = arith.index_cast %swap3A_369 : i32 to index
    %swap3A_371 = arith.constant 0 : index
    %swap3A_372 = tpu.vector_load %arg17[%swap3A_370, %swap3A_371] {strides = array<i32>} : memref<16x16xf32, #tpu.memory_space<vmem>>, vector<16xf32>,
    tpu.vector_store %arg17[%swap3A_370, %swap3A_371], %broadcast_in_dim3A_368 {strides = array<i32>} : memref<16x16xf32, #tpu.memory_space<vmem>>, vector<16xf32>,
    %and3A_373 = arith.constant 31 : i32
    %and3A_374 = vector.broadcast %and3A_373 : i32 to vector<16xi32>
    %and3A_375 = arith.andi %add3A_312, %and3A_374 : vector<16xi32>
    %convert_element_type3A_376 = arith.sitofp %and3A_375 : vector<16xi32> to vector<16xf32>
    %swap3A_377 = arith.constant 9 : i32
    %swap3A_378 = arith.index_cast %swap3A_377 : i32 to index
    %swap3A_379 = arith.constant 0 : index
    %swap3A_380 = tpu.vector_load %arg17[%swap3A_378, %swap3A_379] {strides = array<i32>} : memref<16x16xf32, #tpu.memory_space<vmem>>, vector<16xf32>,
    tpu.vector_store %arg17[%swap3A_378, %swap3A_379], %convert_element_type3A_376 {strides = array<i32>} : memref<16x16xf32, #tpu.memory_space<vmem>>, vector<16xf32>,
    %and3A_381 = arith.constant 127 : i32
    %and3A_382 = vector.broadcast %and3A_381 : i32 to vector<16xi32>
    %and3A_383 = arith.andi %add3A_312, %and3A_382 : vector<16xi32>
    %convert_element_type3A_384 = arith.sitofp %and3A_383 : vector<16xi32> to vector<16xf32>
    %swap3A_385 = arith.constant 10 : i32
    %swap3A_386 = arith.index_cast %swap3A_385 : i32 to index
    %swap3A_387 = arith.constant 0 : index
    %swap3A_388 = tpu.vector_load %arg17[%swap3A_386, %swap3A_387] {strides = array<i32>} : memref<16x16xf32, #tpu.memory_space<vmem>>, vector<16xf32>,
    tpu.vector_store %arg17[%swap3A_386, %swap3A_387], %convert_element_type3A_384 {strides = array<i32>} : memref<16x16xf32, #tpu.memory_space<vmem>>, vector<16xf32>,
    %convert_element_type3A_389 = arith.sitofp %add3A_51 : vector<16xi32> to vector<16xf32>
    %swap3A_390 = arith.constant 11 : i32
    %swap3A_391 = arith.index_cast %swap3A_390 : i32 to index
    %swap3A_392 = arith.constant 0 : index
    %swap3A_393 = tpu.vector_load %arg17[%swap3A_391, %swap3A_392] {strides = array<i32>} : memref<16x16xf32, #tpu.memory_space<vmem>>, vector<16xf32>,
    tpu.vector_store %arg17[%swap3A_391, %swap3A_392], %convert_element_type3A_389 {strides = array<i32>} : memref<16x16xf32, #tpu.memory_space<vmem>>, vector<16xf32>,
    %convert_element_type3A_394 = arith.sitofp %select_n3A_142 : vector<16xi32> to vector<16xf32>
    %swap3A_395 = arith.constant 12 : i32
    %swap3A_396 = arith.index_cast %swap3A_395 : i32 to index
    %swap3A_397 = arith.constant 0 : index
    %swap3A_398 = tpu.vector_load %arg17[%swap3A_396, %swap3A_397] {strides = array<i32>} : memref<16x16xf32, #tpu.memory_space<vmem>>, vector<16xf32>,
    tpu.vector_store %arg17[%swap3A_396, %swap3A_397], %convert_element_type3A_394 {strides = array<i32>} : memref<16x16xf32, #tpu.memory_space<vmem>>, vector<16xf32>,
    %dma_wait3A = arith.constant 0 : i32
    %dma_wait3A_399 = arith.constant 0 : i32
    %dma_wait3A_400 = tpu.memref_slice %arg4[%dma_wait3A, %dma_wait3A_399] : memref<6760x128xf32, #tpu.memory_space<hbm>> -> memref<6760x128xf32, #tpu.memory_space<hbm>>
    tpu.wait_indirect_dma semaphore(%arg21 : memref<!tpu.dma_semaphore, #tpu.memory_space<semaphore_mem>>) src(%dma_wait3A_400 : memref<6760x128xf32, #tpu.memory_space<hbm>>) dst(%arg18 : memref<16x128xf32, #tpu.memory_space<vmem>>)
    %dma_wait3A_401 = arith.constant 0 : i32
    %dma_wait3A_402 = arith.constant 0 : i32
    %dma_wait3A_403 = tpu.memref_slice %arg5[%dma_wait3A_401, %dma_wait3A_402] : memref<6760x128xf32, #tpu.memory_space<hbm>> -> memref<6760x128xf32, #tpu.memory_space<hbm>>
    tpu.wait_indirect_dma semaphore(%arg21 : memref<!tpu.dma_semaphore, #tpu.memory_space<semaphore_mem>>) src(%dma_wait3A_403 : memref<6760x128xf32, #tpu.memory_space<hbm>>) dst(%arg19 : memref<16x128xf32, #tpu.memory_space<vmem>>)
    %dma_wait3A_404 = arith.constant 0 : i32
    %dma_wait3A_405 = arith.constant 0 : i32
    %dma_wait3A_406 = tpu.memref_slice %arg6[%dma_wait3A_404, %dma_wait3A_405] : memref<1690x128xf32, #tpu.memory_space<hbm>> -> memref<1690x128xf32, #tpu.memory_space<hbm>>
    tpu.wait_indirect_dma semaphore(%arg21 : memref<!tpu.dma_semaphore, #tpu.memory_space<semaphore_mem>>) src(%dma_wait3A_406 : memref<1690x128xf32, #tpu.memory_space<hbm>>) dst(%arg20 : memref<16x128xf32, #tpu.memory_space<vmem>>)
    "tpu.region"() ({
      %run_scoped3A = tpu.sem_alloc : memref<!tpu.dma_semaphore, #tpu.memory_space<semaphore_mem>>
      %dma_start3A_826 = arith.constant 0 : i32
      %dma_start3A_827 = arith.constant 0 : i32
      %dma_start3A_828 = tpu.memref_slice %arg7[%add3A_8, %dma_start3A_826, %dma_start3A_827] : memref<64x16x16xf32, #tpu.memory_space<hbm>> -> memref<1x16x16xf32, #tpu.memory_space<hbm>>
      %dma_start3A_829 = tpu.memref_squeeze %dma_start3A_828 : memref<1x16x16xf32, #tpu.memory_space<hbm>> -> memref<16x16xf32, #tpu.memory_space<hbm>>
      %dma_start3A_830 = arith.constant 0 : i32
      %dma_start3A_831 = arith.constant 0 : i32
      %dma_start3A_832 = tpu.memref_slice %arg7[%add3A_8, %dma_start3A_830, %dma_start3A_831] : memref<64x16x16xf32, #tpu.memory_space<hbm>> -> memref<1x16x16xf32, #tpu.memory_space<hbm>>
      %dma_start3A_833 = tpu.memref_squeeze %dma_start3A_832 : memref<1x16x16xf32, #tpu.memory_space<hbm>> -> memref<16x16xf32, #tpu.memory_space<hbm>>
      tpu.enqueue_dma source(%arg17 : memref<16x16xf32, #tpu.memory_space<vmem>>) target(%dma_start3A_833 : memref<16x16xf32, #tpu.memory_space<hbm>>) target_semaphore(%run_scoped3A : memref<!tpu.dma_semaphore, #tpu.memory_space<semaphore_mem>>)
      %dma_wait3A_834 = arith.constant 0 : i32
      %dma_wait3A_835 = arith.constant 0 : i32
      %dma_wait3A_836 = tpu.memref_slice %arg7[%add3A_8, %dma_wait3A_834, %dma_wait3A_835] : memref<64x16x16xf32, #tpu.memory_space<hbm>> -> memref<1x16x16xf32, #tpu.memory_space<hbm>>
      %dma_wait3A_837 = tpu.memref_squeeze %dma_wait3A_836 : memref<1x16x16xf32, #tpu.memory_space<hbm>> -> memref<16x16xf32, #tpu.memory_space<hbm>>
      %dma_wait3A_838 = arith.constant 0 : i32
      %dma_wait3A_839 = arith.constant 0 : i32
      %dma_wait3A_840 = tpu.memref_slice %arg7[%add3A_8, %dma_wait3A_838, %dma_wait3A_839] : memref<64x16x16xf32, #tpu.memory_space<hbm>> -> memref<1x16x16xf32, #tpu.memory_space<hbm>>
      %dma_wait3A_841 = tpu.memref_squeeze %dma_wait3A_840 : memref<1x16x16xf32, #tpu.memory_space<hbm>> -> memref<16x16xf32, #tpu.memory_space<hbm>>
      tpu.wait_dma2 semaphore(%run_scoped3A : memref<!tpu.dma_semaphore, #tpu.memory_space<semaphore_mem>>) src(%arg17 : memref<16x16xf32, #tpu.memory_space<vmem>>) dst(%dma_wait3A_841 : memref<16x16xf32, #tpu.memory_space<hbm>>)
      tpu.yield
    }) : () -> ()
    "tpu.region"() ({
      %run_scoped3A = tpu.sem_alloc : memref<!tpu.dma_semaphore, #tpu.memory_space<semaphore_mem>>
      %dma_start3A_826 = arith.constant 0 : i32
      %dma_start3A_827 = arith.constant 0 : i32
      %dma_start3A_828 = tpu.memref_slice %arg8[%add3A_8, %dma_start3A_826, %dma_start3A_827] : memref<64x16x128xf32, #tpu.memory_space<hbm>> -> memref<1x16x128xf32, #tpu.memory_space<hbm>>
      %dma_start3A_829 = tpu.memref_squeeze %dma_start3A_828 : memref<1x16x128xf32, #tpu.memory_space<hbm>> -> memref<16x128xf32, #tpu.memory_space<hbm>>
      %dma_start3A_830 = arith.constant 0 : i32
      %dma_start3A_831 = arith.constant 0 : i32
      %dma_start3A_832 = tpu.memref_slice %arg8[%add3A_8, %dma_start3A_830, %dma_start3A_831] : memref<64x16x128xf32, #tpu.memory_space<hbm>> -> memref<1x16x128xf32, #tpu.memory_space<hbm>>
      %dma_start3A_833 = tpu.memref_squeeze %dma_start3A_832 : memref<1x16x128xf32, #tpu.memory_space<hbm>> -> memref<16x128xf32, #tpu.memory_space<hbm>>
      tpu.enqueue_dma source(%arg18 : memref<16x128xf32, #tpu.memory_space<vmem>>) target(%dma_start3A_833 : memref<16x128xf32, #tpu.memory_space<hbm>>) target_semaphore(%run_scoped3A : memref<!tpu.dma_semaphore, #tpu.memory_space<semaphore_mem>>)
      %dma_wait3A_834 = arith.constant 0 : i32
      %dma_wait3A_835 = arith.constant 0 : i32
      %dma_wait3A_836 = tpu.memref_slice %arg8[%add3A_8, %dma_wait3A_834, %dma_wait3A_835] : memref<64x16x128xf32, #tpu.memory_space<hbm>> -> memref<1x16x128xf32, #tpu.memory_space<hbm>>
      %dma_wait3A_837 = tpu.memref_squeeze %dma_wait3A_836 : memref<1x16x128xf32, #tpu.memory_space<hbm>> -> memref<16x128xf32, #tpu.memory_space<hbm>>
      %dma_wait3A_838 = arith.constant 0 : i32
      %dma_wait3A_839 = arith.constant 0 : i32
      %dma_wait3A_840 = tpu.memref_slice %arg8[%add3A_8, %dma_wait3A_838, %dma_wait3A_839] : memref<64x16x128xf32, #tpu.memory_space<hbm>> -> memref<1x16x128xf32, #tpu.memory_space<hbm>>
      %dma_wait3A_841 = tpu.memref_squeeze %dma_wait3A_840 : memref<1x16x128xf32, #tpu.memory_space<hbm>> -> memref<16x128xf32, #tpu.memory_space<hbm>>
      tpu.wait_dma2 semaphore(%run_scoped3A : memref<!tpu.dma_semaphore, #tpu.memory_space<semaphore_mem>>) src(%arg18 : memref<16x128xf32, #tpu.memory_space<vmem>>) dst(%dma_wait3A_841 : memref<16x128xf32, #tpu.memory_space<hbm>>)
      tpu.yield
    }) : () -> ()
    "tpu.region"() ({
      %run_scoped3A = tpu.sem_alloc : memref<!tpu.dma_semaphore, #tpu.memory_space<semaphore_mem>>
      %dma_start3A_826 = arith.constant 0 : i32
      %dma_start3A_827 = arith.constant 0 : i32
      %dma_start3A_828 = tpu.memref_slice %arg9[%add3A_8, %dma_start3A_826, %dma_start3A_827] : memref<64x16x128xf32, #tpu.memory_space<hbm>> -> memref<1x16x128xf32, #tpu.memory_space<hbm>>
      %dma_start3A_829 = tpu.memref_squeeze %dma_start3A_828 : memref<1x16x128xf32, #tpu.memory_space<hbm>> -> memref<16x128xf32, #tpu.memory_space<hbm>>
      %dma_start3A_830 = arith.constant 0 : i32
      %dma_start3A_831 = arith.constant 0 : i32
      %dma_start3A_832 = tpu.memref_slice %arg9[%add3A_8, %dma_start3A_830, %dma_start3A_831] : memref<64x16x128xf32, #tpu.memory_space<hbm>> -> memref<1x16x128xf32, #tpu.memory_space<hbm>>
      %dma_start3A_833 = tpu.memref_squeeze %dma_start3A_832 : memref<1x16x128xf32, #tpu.memory_space<hbm>> -> memref<16x128xf32, #tpu.memory_space<hbm>>
      tpu.enqueue_dma source(%arg19 : memref<16x128xf32, #tpu.memory_space<vmem>>) target(%dma_start3A_833 : memref<16x128xf32, #tpu.memory_space<hbm>>) target_semaphore(%run_scoped3A : memref<!tpu.dma_semaphore, #tpu.memory_space<semaphore_mem>>)
      %dma_wait3A_834 = arith.constant 0 : i32
      %dma_wait3A_835 = arith.constant 0 : i32
      %dma_wait3A_836 = tpu.memref_slice %arg9[%add3A_8, %dma_wait3A_834, %dma_wait3A_835] : memref<64x16x128xf32, #tpu.memory_space<hbm>> -> memref<1x16x128xf32, #tpu.memory_space<hbm>>
      %dma_wait3A_837 = tpu.memref_squeeze %dma_wait3A_836 : memref<1x16x128xf32, #tpu.memory_space<hbm>> -> memref<16x128xf32, #tpu.memory_space<hbm>>
      %dma_wait3A_838 = arith.constant 0 : i32
      %dma_wait3A_839 = arith.constant 0 : i32
      %dma_wait3A_840 = tpu.memref_slice %arg9[%add3A_8, %dma_wait3A_838, %dma_wait3A_839] : memref<64x16x128xf32, #tpu.memory_space<hbm>> -> memref<1x16x128xf32, #tpu.memory_space<hbm>>
      %dma_wait3A_841 = tpu.memref_squeeze %dma_wait3A_840 : memref<1x16x128xf32, #tpu.memory_space<hbm>> -> memref<16x128xf32, #tpu.memory_space<hbm>>
      tpu.wait_dma2 semaphore(%run_scoped3A : memref<!tpu.dma_semaphore, #tpu.memory_space<semaphore_mem>>) src(%arg19 : memref<16x128xf32, #tpu.memory_space<vmem>>) dst(%dma_wait3A_841 : memref<16x128xf32, #tpu.memory_space<hbm>>)
      tpu.yield
    }) : () -> ()
    "tpu.region"() ({
      %run_scoped3A = tpu.sem_alloc : memref<!tpu.dma_semaphore, #tpu.memory_space<semaphore_mem>>
      %dma_start3A_826 = arith.constant 0 : i32
      %dma_start3A_827 = arith.constant 0 : i32
      %dma_start3A_828 = tpu.memref_slice %arg10[%add3A_8, %dma_start3A_826, %dma_start3A_827] : memref<64x16x128xf32, #tpu.memory_space<hbm>> -> memref<1x16x128xf32, #tpu.memory_space<hbm>>
      %dma_start3A_829 = tpu.memref_squeeze %dma_start3A_828 : memref<1x16x128xf32, #tpu.memory_space<hbm>> -> memref<16x128xf32, #tpu.memory_space<hbm>>
      %dma_start3A_830 = arith.constant 0 : i32
      %dma_start3A_831 = arith.constant 0 : i32
      %dma_start3A_832 = tpu.memref_slice %arg10[%add3A_8, %dma_start3A_830, %dma_start3A_831] : memref<64x16x128xf32, #tpu.memory_space<hbm>> -> memref<1x16x128xf32, #tpu.memory_space<hbm>>
      %dma_start3A_833 = tpu.memref_squeeze %dma_start3A_832 : memref<1x16x128xf32, #tpu.memory_space<hbm>> -> memref<16x128xf32, #tpu.memory_space<hbm>>
      tpu.enqueue_dma source(%arg20 : memref<16x128xf32, #tpu.memory_space<vmem>>) target(%dma_start3A_833 : memref<16x128xf32, #tpu.memory_space<hbm>>) target_semaphore(%run_scoped3A : memref<!tpu.dma_semaphore, #tpu.memory_space<semaphore_mem>>)
      %dma_wait3A_834 = arith.constant 0 : i32
      %dma_wait3A_835 = arith.constant 0 : i32
      %dma_wait3A_836 = tpu.memref_slice %arg10[%add3A_8, %dma_wait3A_834, %dma_wait3A_835] : memref<64x16x128xf32, #tpu.memory_space<hbm>> -> memref<1x16x128xf32, #tpu.memory_space<hbm>>
      %dma_wait3A_837 = tpu.memref_squeeze %dma_wait3A_836 : memref<1x16x128xf32, #tpu.memory_space<hbm>> -> memref<16x128xf32, #tpu.memory_space<hbm>>
      %dma_wait3A_838 = arith.constant 0 : i32
      %dma_wait3A_839 = arith.constant 0 : i32
      %dma_wait3A_840 = tpu.memref_slice %arg10[%add3A_8, %dma_wait3A_838, %dma_wait3A_839] : memref<64x16x128xf32, #tpu.memory_space<hbm>> -> memref<1x16x128xf32, #tpu.memory_space<hbm>>
      %dma_wait3A_841 = tpu.memref_squeeze %dma_wait3A_840 : memref<1x16x128xf32, #tpu.memory_space<hbm>> -> memref<16x128xf32, #tpu.memory_space<hbm>>
      tpu.wait_dma2 semaphore(%run_scoped3A : memref<!tpu.dma_semaphore, #tpu.memory_space<semaphore_mem>>) src(%arg20 : memref<16x128xf32, #tpu.memory_space<vmem>>) dst(%dma_wait3A_841 : memref<16x128xf32, #tpu.memory_space<hbm>>)
      tpu.yield
    }) : () -> ()
    %mul3A_407 = arith.constant 2 : i32
    %mul3A_408 = arith.muli %add3A, %mul3A_407 : i32
    %add3A_409 = arith.constant 1 : i32
    %add3A_410 = arith.addi %mul3A_408, %add3A_409 : i32
    "tpu.region"() ({
      %run_scoped3A = tpu.sem_alloc : memref<!tpu.dma_semaphore, #tpu.memory_space<semaphore_mem>>
      %dma_start3A_826 = arith.constant 0 : i32
      %dma_start3A_827 = tpu.memref_slice %arg2[%add3A_410, %dma_start3A_826] : memref<64x56xf32, #tpu.memory_space<hbm>> -> memref<1x56xf32, #tpu.memory_space<hbm>>
      %dma_start3A_828 = tpu.memref_squeeze %dma_start3A_827 : memref<1x56xf32, #tpu.memory_space<hbm>> -> memref<56xf32, #tpu.memory_space<hbm>>
      %dma_start3A_829 = arith.constant 0 : i32
      %dma_start3A_830 = tpu.memref_slice %arg2[%add3A_410, %dma_start3A_829] : memref<64x56xf32, #tpu.memory_space<hbm>> -> memref<1x56xf32, #tpu.memory_space<hbm>>
      %dma_start3A_831 = tpu.memref_squeeze %dma_start3A_830 : memref<1x56xf32, #tpu.memory_space<hbm>> -> memref<56xf32, #tpu.memory_space<hbm>>
      tpu.enqueue_dma source(%dma_start3A_831 : memref<56xf32, #tpu.memory_space<hbm>>) target(%arg11 : memref<56xf32, #tpu.memory_space<vmem>>) target_semaphore(%run_scoped3A : memref<!tpu.dma_semaphore, #tpu.memory_space<semaphore_mem>>)
      %dma_wait3A_832 = arith.constant 0 : i32
      %dma_wait3A_833 = tpu.memref_slice %arg2[%add3A_410, %dma_wait3A_832] : memref<64x56xf32, #tpu.memory_space<hbm>> -> memref<1x56xf32, #tpu.memory_space<hbm>>
      %dma_wait3A_834 = tpu.memref_squeeze %dma_wait3A_833 : memref<1x56xf32, #tpu.memory_space<hbm>> -> memref<56xf32, #tpu.memory_space<hbm>>
      %dma_wait3A_835 = arith.constant 0 : i32
      %dma_wait3A_836 = tpu.memref_slice %arg2[%add3A_410, %dma_wait3A_835] : memref<64x56xf32, #tpu.memory_space<hbm>> -> memref<1x56xf32, #tpu.memory_space<hbm>>
      %dma_wait3A_837 = tpu.memref_squeeze %dma_wait3A_836 : memref<1x56xf32, #tpu.memory_space<hbm>> -> memref<56xf32, #tpu.memory_space<hbm>>
      tpu.wait_dma2 semaphore(%run_scoped3A : memref<!tpu.dma_semaphore, #tpu.memory_space<semaphore_mem>>) src(%dma_wait3A_837 : memref<56xf32, #tpu.memory_space<hbm>>) dst(%arg11 : memref<56xf32, #tpu.memory_space<vmem>>)
      tpu.yield
    }) : () -> ()
    %mul3A_411 = arith.constant 5 : i32
    %mul3A_412 = vector.broadcast %mul3A_411 : i32 to vector<16xi32>
    %mul3A_413 = arith.muli %min3A_4, %mul3A_412 : vector<16xi32>
    %gather3A_414 = tpu.vector_load_idx %arg11[%mul3A_413] : memref<56xf32, #tpu.memory_space<vmem>>[vector<16xi32>], vector<16xf32>,
    %add3A_415 = arith.constant 1 : i32
    %add3A_416 = vector.broadcast %add3A_415 : i32 to vector<16xi32>
    %add3A_417 = arith.addi %mul3A_413, %add3A_416 : vector<16xi32>
    %gather3A_418 = tpu.vector_load_idx %arg11[%add3A_417] : memref<56xf32, #tpu.memory_space<vmem>>[vector<16xi32>], vector<16xf32>,
    %add3A_419 = arith.constant 2 : i32
    %add3A_420 = vector.broadcast %add3A_419 : i32 to vector<16xi32>
    %add3A_421 = arith.addi %mul3A_413, %add3A_420 : vector<16xi32>
    %gather3A_422 = tpu.vector_load_idx %arg11[%add3A_421] : memref<56xf32, #tpu.memory_space<vmem>>[vector<16xi32>], vector<16xf32>,
    %add3A_423 = arith.constant 3 : i32
    %add3A_424 = vector.broadcast %add3A_423 : i32 to vector<16xi32>
    %add3A_425 = arith.addi %mul3A_413, %add3A_424 : vector<16xi32>
    %gather3A_426 = tpu.vector_load_idx %arg11[%add3A_425] : memref<56xf32, #tpu.memory_space<vmem>>[vector<16xi32>], vector<16xf32>,
    %add3A_427 = arith.constant 4 : i32
    %add3A_428 = vector.broadcast %add3A_427 : i32 to vector<16xi32>
    %add3A_429 = arith.addi %mul3A_413, %add3A_428 : vector<16xi32>
    %gather3A_430 = tpu.vector_load_idx %arg11[%add3A_429] : memref<56xf32, #tpu.memory_space<vmem>>[vector<16xi32>], vector<16xf32>,
    %add3A_431 = arith.addf %gather3A_414, %gather3A_422 : vector<16xf32>
    %mul3A_432 = arith.constant 1.300000e+01 : f32
    %mul3A_433 = vector.broadcast %mul3A_432 : f32 to vector<16xf32>
    %mul3A_434 = arith.mulf %add3A_431, %mul3A_433 : vector<16xf32>
    %add3A_435 = arith.addf %gather3A_418, %gather3A_426 : vector<16xf32>
    %mul3A_436 = arith.constant 1.300000e+01 : f32
    %mul3A_437 = vector.broadcast %mul3A_436 : f32 to vector<16xf32>
    %mul3A_438 = arith.mulf %add3A_435, %mul3A_437 : vector<16xf32>
    %sub3A_439 = arith.subf %gather3A_422, %gather3A_414 : vector<16xf32>
    %mul3A_440 = arith.constant 2.600000e+01 : f32
    %mul3A_441 = vector.broadcast %mul3A_440 : f32 to vector<16xf32>
    %mul3A_442 = arith.mulf %sub3A_439, %mul3A_441 : vector<16xf32>
    %sub3A_443 = arith.subf %gather3A_426, %gather3A_418 : vector<16xf32>
    %mul3A_444 = arith.constant 2.600000e+01 : f32
    %mul3A_445 = vector.broadcast %mul3A_444 : f32 to vector<16xf32>
    %mul3A_446 = arith.mulf %sub3A_443, %mul3A_445 : vector<16xf32>
    %convert_element_type3A_447 = arith.fptosi %mul3A_434 : vector<16xf32> to vector<16xi32>
    %convert_element_type3A_448 = arith.fptosi %mul3A_438 : vector<16xf32> to vector<16xi32>
    %convert_element_type3A_449 = arith.sitofp %convert_element_type3A_447 : vector<16xi32> to vector<16xf32>
    %sub3A_450 = arith.subf %mul3A_434, %convert_element_type3A_449 : vector<16xf32>
    %convert_element_type3A_451 = arith.sitofp %convert_element_type3A_448 : vector<16xi32> to vector<16xf32>
    %sub3A_452 = arith.subf %mul3A_438, %convert_element_type3A_451 : vector<16xf32>
    %mul3A_453 = arith.constant 26 : i32
    %mul3A_454 = vector.broadcast %mul3A_453 : i32 to vector<16xi32>
    %mul3A_455 = arith.muli %convert_element_type3A_448, %mul3A_454 : vector<16xi32>
    %add3A_456 = arith.addi %mul3A_455, %convert_element_type3A_447 : vector<16xi32>
    %mul3A_457 = arith.mulf %mul3A_442, %mul3A_446 : vector<16xf32>
    %broadcast_in_dim3A_458 = arith.constant -1.000000e+00 : f32
    %broadcast_in_dim3A_459 = vector.broadcast %broadcast_in_dim3A_458 : f32 to vector<16xf32>
    %broadcast_in_dim3A_460 = arith.constant 0 : i32
    %broadcast_in_dim3A_461 = vector.broadcast %broadcast_in_dim3A_460 : i32 to vector<16xi32>
    %broadcast_in_dim3A_462 = arith.constant 1.000000e+00 : f32
    %broadcast_in_dim3A_463 = vector.broadcast %broadcast_in_dim3A_462 : f32 to vector<16xf32>
    %broadcast_in_dim3A_464 = arith.constant 1.000000e+00 : f32
    %broadcast_in_dim3A_465 = vector.broadcast %broadcast_in_dim3A_464 : f32 to vector<16xf32>
    %get3A_466 = arith.constant 0 : index
    %get3A_467 = tpu.vector_load %arg12[%get3A_466] {strides = array<i32>} : memref<160xf32, #tpu.memory_space<vmem>>, vector<16xf32>,
    %get3A_468 = arith.constant 16 : index
    %get3A_469 = tpu.vector_load %arg12[%get3A_468] {strides = array<i32>} : memref<160xf32, #tpu.memory_space<vmem>>, vector<16xf32>,
    %min3A_470 = arith.minimumf %mul3A_442, %get3A_467 : vector<16xf32>
    %min3A_471 = arith.minimumf %mul3A_446, %get3A_469 : vector<16xf32>
    %mul3A_472 = arith.mulf %min3A_470, %min3A_471 : vector<16xf32>
    %mul3A_473 = arith.mulf %get3A_467, %get3A_469 : vector<16xf32>
    %add3A_474 = arith.addf %mul3A_457, %mul3A_473 : vector<16xf32>
    %sub3A_475 = arith.subf %add3A_474, %mul3A_472 : vector<16xf32>
    %div3A_476 = arith.divf %mul3A_472, %sub3A_475 : vector<16xf32>
    %gt3A_477 = arith.cmpf ogt, %div3A_476, %broadcast_in_dim3A_459 : vector<16xf32>
    %select_n3A_478 = arith.select %gt3A_477, %div3A_476, %broadcast_in_dim3A_459 : vector<16xi1>, vector<16xf32>
    %jit3A_479 = arith.constant 0 : i32
    %broadcast_in_dim3A_480 = vector.broadcast %jit3A_479 : i32 to vector<16xi32>
    %select_n3A_481 = arith.select %gt3A_477, %broadcast_in_dim3A_480, %broadcast_in_dim3A_461 : vector<16xi1>, vector<16xi32>
    %select_n3A_482 = arith.select %gt3A_477, %get3A_467, %broadcast_in_dim3A_463 : vector<16xi1>, vector<16xf32>
    %select_n3A_483 = arith.select %gt3A_477, %get3A_469, %broadcast_in_dim3A_465 : vector<16xi1>, vector<16xf32>
    %get3A_484 = arith.constant 32 : index
    %get3A_485 = tpu.vector_load %arg12[%get3A_484] {strides = array<i32>} : memref<160xf32, #tpu.memory_space<vmem>>, vector<16xf32>,
    %get3A_486 = arith.constant 48 : index
    %get3A_487 = tpu.vector_load %arg12[%get3A_486] {strides = array<i32>} : memref<160xf32, #tpu.memory_space<vmem>>, vector<16xf32>,
    %min3A_488 = arith.minimumf %mul3A_442, %get3A_485 : vector<16xf32>
    %min3A_489 = arith.minimumf %mul3A_446, %get3A_487 : vector<16xf32>
    %mul3A_490 = arith.mulf %min3A_488, %min3A_489 : vector<16xf32>
    %mul3A_491 = arith.mulf %get3A_485, %get3A_487 : vector<16xf32>
    %add3A_492 = arith.addf %mul3A_457, %mul3A_491 : vector<16xf32>
    %sub3A_493 = arith.subf %add3A_492, %mul3A_490 : vector<16xf32>
    %div3A_494 = arith.divf %mul3A_490, %sub3A_493 : vector<16xf32>
    %gt3A_495 = arith.cmpf ogt, %div3A_494, %select_n3A_478 : vector<16xf32>
    %select_n3A_496 = arith.select %gt3A_495, %div3A_494, %select_n3A_478 : vector<16xi1>, vector<16xf32>
    %jit3A_497 = arith.constant 1 : i32
    %broadcast_in_dim3A_498 = vector.broadcast %jit3A_497 : i32 to vector<16xi32>
    %select_n3A_499 = arith.select %gt3A_495, %broadcast_in_dim3A_498, %select_n3A_481 : vector<16xi1>, vector<16xi32>
    %select_n3A_500 = arith.select %gt3A_495, %get3A_485, %select_n3A_482 : vector<16xi1>, vector<16xf32>
    %select_n3A_501 = arith.select %gt3A_495, %get3A_487, %select_n3A_483 : vector<16xi1>, vector<16xf32>
    %get3A_502 = arith.constant 64 : index
    %get3A_503 = tpu.vector_load %arg12[%get3A_502] {strides = array<i32>} : memref<160xf32, #tpu.memory_space<vmem>>, vector<16xf32>,
    %get3A_504 = arith.constant 80 : index
    %get3A_505 = tpu.vector_load %arg12[%get3A_504] {strides = array<i32>} : memref<160xf32, #tpu.memory_space<vmem>>, vector<16xf32>,
    %min3A_506 = arith.minimumf %mul3A_442, %get3A_503 : vector<16xf32>
    %min3A_507 = arith.minimumf %mul3A_446, %get3A_505 : vector<16xf32>
    %mul3A_508 = arith.mulf %min3A_506, %min3A_507 : vector<16xf32>
    %mul3A_509 = arith.mulf %get3A_503, %get3A_505 : vector<16xf32>
    %add3A_510 = arith.addf %mul3A_457, %mul3A_509 : vector<16xf32>
    %sub3A_511 = arith.subf %add3A_510, %mul3A_508 : vector<16xf32>
    %div3A_512 = arith.divf %mul3A_508, %sub3A_511 : vector<16xf32>
    %gt3A_513 = arith.cmpf ogt, %div3A_512, %select_n3A_496 : vector<16xf32>
    %select_n3A_514 = arith.select %gt3A_513, %div3A_512, %select_n3A_496 : vector<16xi1>, vector<16xf32>
    %jit3A_515 = arith.constant 2 : i32
    %broadcast_in_dim3A_516 = vector.broadcast %jit3A_515 : i32 to vector<16xi32>
    %select_n3A_517 = arith.select %gt3A_513, %broadcast_in_dim3A_516, %select_n3A_499 : vector<16xi1>, vector<16xi32>
    %select_n3A_518 = arith.select %gt3A_513, %get3A_503, %select_n3A_500 : vector<16xi1>, vector<16xf32>
    %select_n3A_519 = arith.select %gt3A_513, %get3A_505, %select_n3A_501 : vector<16xi1>, vector<16xf32>
    %get3A_520 = arith.constant 96 : index
    %get3A_521 = tpu.vector_load %arg12[%get3A_520] {strides = array<i32>} : memref<160xf32, #tpu.memory_space<vmem>>, vector<16xf32>,
    %get3A_522 = arith.constant 112 : index
    %get3A_523 = tpu.vector_load %arg12[%get3A_522] {strides = array<i32>} : memref<160xf32, #tpu.memory_space<vmem>>, vector<16xf32>,
    %min3A_524 = arith.minimumf %mul3A_442, %get3A_521 : vector<16xf32>
    %min3A_525 = arith.minimumf %mul3A_446, %get3A_523 : vector<16xf32>
    %mul3A_526 = arith.mulf %min3A_524, %min3A_525 : vector<16xf32>
    %mul3A_527 = arith.mulf %get3A_521, %get3A_523 : vector<16xf32>
    %add3A_528 = arith.addf %mul3A_457, %mul3A_527 : vector<16xf32>
    %sub3A_529 = arith.subf %add3A_528, %mul3A_526 : vector<16xf32>
    %div3A_530 = arith.divf %mul3A_526, %sub3A_529 : vector<16xf32>
    %gt3A_531 = arith.cmpf ogt, %div3A_530, %select_n3A_514 : vector<16xf32>
    %select_n3A_532 = arith.select %gt3A_531, %div3A_530, %select_n3A_514 : vector<16xi1>, vector<16xf32>
    %jit3A_533 = arith.constant 3 : i32
    %broadcast_in_dim3A_534 = vector.broadcast %jit3A_533 : i32 to vector<16xi32>
    %select_n3A_535 = arith.select %gt3A_531, %broadcast_in_dim3A_534, %select_n3A_517 : vector<16xi1>, vector<16xi32>
    %select_n3A_536 = arith.select %gt3A_531, %get3A_521, %select_n3A_518 : vector<16xi1>, vector<16xf32>
    %select_n3A_537 = arith.select %gt3A_531, %get3A_523, %select_n3A_519 : vector<16xi1>, vector<16xf32>
    %get3A_538 = arith.constant 128 : index
    %get3A_539 = tpu.vector_load %arg12[%get3A_538] {strides = array<i32>} : memref<160xf32, #tpu.memory_space<vmem>>, vector<16xf32>,
    %get3A_540 = arith.constant 144 : index
    %get3A_541 = tpu.vector_load %arg12[%get3A_540] {strides = array<i32>} : memref<160xf32, #tpu.memory_space<vmem>>, vector<16xf32>,
    %min3A_542 = arith.minimumf %mul3A_442, %get3A_539 : vector<16xf32>
    %min3A_543 = arith.minimumf %mul3A_446, %get3A_541 : vector<16xf32>
    %mul3A_544 = arith.mulf %min3A_542, %min3A_543 : vector<16xf32>
    %mul3A_545 = arith.mulf %get3A_539, %get3A_541 : vector<16xf32>
    %add3A_546 = arith.addf %mul3A_457, %mul3A_545 : vector<16xf32>
    %sub3A_547 = arith.subf %add3A_546, %mul3A_544 : vector<16xf32>
    %div3A_548 = arith.divf %mul3A_544, %sub3A_547 : vector<16xf32>
    %gt3A_549 = arith.cmpf ogt, %div3A_548, %select_n3A_532 : vector<16xf32>
    %select_n3A_550 = arith.select %gt3A_549, %div3A_548, %select_n3A_532 : vector<16xi1>, vector<16xf32>
    %jit3A_551 = arith.constant 4 : i32
    %broadcast_in_dim3A_552 = vector.broadcast %jit3A_551 : i32 to vector<16xi32>
    %select_n3A_553 = arith.select %gt3A_549, %broadcast_in_dim3A_552, %select_n3A_535 : vector<16xi1>, vector<16xi32>
    %select_n3A_554 = arith.select %gt3A_549, %get3A_539, %select_n3A_536 : vector<16xi1>, vector<16xf32>
    %select_n3A_555 = arith.select %gt3A_549, %get3A_541, %select_n3A_537 : vector<16xi1>, vector<16xf32>
    %mul3A_556 = arith.constant 5 : i32
    %mul3A_557 = vector.broadcast %mul3A_556 : i32 to vector<16xi32>
    %mul3A_558 = arith.muli %add3A_456, %mul3A_557 : vector<16xi32>
    %add3A_559 = arith.addi %mul3A_558, %select_n3A_553 : vector<16xi32>
    %sub3A_560 = arith.constant -1 : i32
    %sub3A_561 = vector.broadcast %sub3A_560 : i32 to vector<16xi32>
    %sub3A_562 = arith.subi %sub3A_561, %iota3A : vector<16xi32>
    %select_n3A_563 = arith.select %lt3A_2, %add3A_559, %sub3A_562 : vector<16xi1>, vector<16xi32>
    %swap3A_564 = arith.constant 0 : index
    %swap3A_565 = tpu.vector_load %arg13[%swap3A_564] {strides = array<i32>} : memref<16xi32, #tpu.memory_space<vmem>>, vector<16xi32>,
    tpu.vector_store %arg13[%swap3A_564], %select_n3A_563 {strides = array<i32>} : memref<16xi32, #tpu.memory_space<vmem>>, vector<16xi32>,
    %lt3A_566 = arith.constant 0 : i32
    %lt3A_567 = vector.broadcast %lt3A_566 : i32 to vector<16xi32>
    %lt3A_568 = arith.cmpi slt, %iota3A, %lt3A_567 : vector<16xi32>
    %add3A_569 = arith.constant 1 : i32
    %add3A_570 = vector.broadcast %add3A_569 : i32 to vector<16xi32>
    %add3A_571 = arith.addi %iota3A, %add3A_570 : vector<16xi32>
    %min3A_572 = arith.constant 15 : i32
    %min3A_573 = vector.broadcast %min3A_572 : i32 to vector<16xi32>
    %min3A_574 = arith.minsi %add3A_571, %min3A_573 : vector<16xi32>
    %gather3A_575 = tpu.vector_load_idx %arg13[%min3A_574] : memref<16xi32, #tpu.memory_space<vmem>>[vector<16xi32>], vector<16xi32>,
    %eq3A_576 = arith.cmpi eq, %select_n3A_563, %gather3A_575 : vector<16xi32>
    %add3A_577 = arith.constant 1 : i32
    %add3A_578 = vector.broadcast %add3A_577 : i32 to vector<16xi32>
    %add3A_579 = arith.addi %iota3A, %add3A_578 : vector<16xi32>
    %lt3A_580 = arith.constant 10 : i32
    %lt3A_581 = vector.broadcast %lt3A_580 : i32 to vector<16xi32>
    %lt3A_582 = arith.cmpi slt, %add3A_579, %lt3A_581 : vector<16xi32>
    %and3A_583 = arith.andi %eq3A_576, %lt3A_582 : vector<16xi1>
    %or3A_584 = arith.ori %lt3A_568, %and3A_583 : vector<16xi1>
    %add3A_585 = arith.constant 2 : i32
    %add3A_586 = vector.broadcast %add3A_585 : i32 to vector<16xi32>
    %add3A_587 = arith.addi %iota3A, %add3A_586 : vector<16xi32>
    %min3A_588 = arith.constant 15 : i32
    %min3A_589 = vector.broadcast %min3A_588 : i32 to vector<16xi32>
    %min3A_590 = arith.minsi %add3A_587, %min3A_589 : vector<16xi32>
    %gather3A_591 = tpu.vector_load_idx %arg13[%min3A_590] : memref<16xi32, #tpu.memory_space<vmem>>[vector<16xi32>], vector<16xi32>,
    %eq3A_592 = arith.cmpi eq, %select_n3A_563, %gather3A_591 : vector<16xi32>
    %add3A_593 = arith.constant 2 : i32
    %add3A_594 = vector.broadcast %add3A_593 : i32 to vector<16xi32>
    %add3A_595 = arith.addi %iota3A, %add3A_594 : vector<16xi32>
    %lt3A_596 = arith.constant 10 : i32
    %lt3A_597 = vector.broadcast %lt3A_596 : i32 to vector<16xi32>
    %lt3A_598 = arith.cmpi slt, %add3A_595, %lt3A_597 : vector<16xi32>
    %and3A_599 = arith.andi %eq3A_592, %lt3A_598 : vector<16xi1>
    %or3A_600 = arith.ori %or3A_584, %and3A_599 : vector<16xi1>
    %add3A_601 = arith.constant 3 : i32
    %add3A_602 = vector.broadcast %add3A_601 : i32 to vector<16xi32>
    %add3A_603 = arith.addi %iota3A, %add3A_602 : vector<16xi32>
    %min3A_604 = arith.constant 15 : i32
    %min3A_605 = vector.broadcast %min3A_604 : i32 to vector<16xi32>
    %min3A_606 = arith.minsi %add3A_603, %min3A_605 : vector<16xi32>
    %gather3A_607 = tpu.vector_load_idx %arg13[%min3A_606] : memref<16xi32, #tpu.memory_space<vmem>>[vector<16xi32>], vector<16xi32>,
    %eq3A_608 = arith.cmpi eq, %select_n3A_563, %gather3A_607 : vector<16xi32>
    %add3A_609 = arith.constant 3 : i32
    %add3A_610 = vector.broadcast %add3A_609 : i32 to vector<16xi32>
    %add3A_611 = arith.addi %iota3A, %add3A_610 : vector<16xi32>
    %lt3A_612 = arith.constant 10 : i32
    %lt3A_613 = vector.broadcast %lt3A_612 : i32 to vector<16xi32>
    %lt3A_614 = arith.cmpi slt, %add3A_611, %lt3A_613 : vector<16xi32>
    %and3A_615 = arith.andi %eq3A_608, %lt3A_614 : vector<16xi1>
    %or3A_616 = arith.ori %or3A_600, %and3A_615 : vector<16xi1>
    %add3A_617 = arith.constant 4 : i32
    %add3A_618 = vector.broadcast %add3A_617 : i32 to vector<16xi32>
    %add3A_619 = arith.addi %iota3A, %add3A_618 : vector<16xi32>
    %min3A_620 = arith.constant 15 : i32
    %min3A_621 = vector.broadcast %min3A_620 : i32 to vector<16xi32>
    %min3A_622 = arith.minsi %add3A_619, %min3A_621 : vector<16xi32>
    %gather3A_623 = tpu.vector_load_idx %arg13[%min3A_622] : memref<16xi32, #tpu.memory_space<vmem>>[vector<16xi32>], vector<16xi32>,
    %eq3A_624 = arith.cmpi eq, %select_n3A_563, %gather3A_623 : vector<16xi32>
    %add3A_625 = arith.constant 4 : i32
    %add3A_626 = vector.broadcast %add3A_625 : i32 to vector<16xi32>
    %add3A_627 = arith.addi %iota3A, %add3A_626 : vector<16xi32>
    %lt3A_628 = arith.constant 10 : i32
    %lt3A_629 = vector.broadcast %lt3A_628 : i32 to vector<16xi32>
    %lt3A_630 = arith.cmpi slt, %add3A_627, %lt3A_629 : vector<16xi32>
    %and3A_631 = arith.andi %eq3A_624, %lt3A_630 : vector<16xi1>
    %or3A_632 = arith.ori %or3A_616, %and3A_631 : vector<16xi1>
    %add3A_633 = arith.constant 5 : i32
    %add3A_634 = vector.broadcast %add3A_633 : i32 to vector<16xi32>
    %add3A_635 = arith.addi %iota3A, %add3A_634 : vector<16xi32>
    %min3A_636 = arith.constant 15 : i32
    %min3A_637 = vector.broadcast %min3A_636 : i32 to vector<16xi32>
    %min3A_638 = arith.minsi %add3A_635, %min3A_637 : vector<16xi32>
    %gather3A_639 = tpu.vector_load_idx %arg13[%min3A_638] : memref<16xi32, #tpu.memory_space<vmem>>[vector<16xi32>], vector<16xi32>,
    %eq3A_640 = arith.cmpi eq, %select_n3A_563, %gather3A_639 : vector<16xi32>
    %add3A_641 = arith.constant 5 : i32
    %add3A_642 = vector.broadcast %add3A_641 : i32 to vector<16xi32>
    %add3A_643 = arith.addi %iota3A, %add3A_642 : vector<16xi32>
    %lt3A_644 = arith.constant 10 : i32
    %lt3A_645 = vector.broadcast %lt3A_644 : i32 to vector<16xi32>
    %lt3A_646 = arith.cmpi slt, %add3A_643, %lt3A_645 : vector<16xi32>
    %and3A_647 = arith.andi %eq3A_640, %lt3A_646 : vector<16xi1>
    %or3A_648 = arith.ori %or3A_632, %and3A_647 : vector<16xi1>
    %add3A_649 = arith.constant 6 : i32
    %add3A_650 = vector.broadcast %add3A_649 : i32 to vector<16xi32>
    %add3A_651 = arith.addi %iota3A, %add3A_650 : vector<16xi32>
    %min3A_652 = arith.constant 15 : i32
    %min3A_653 = vector.broadcast %min3A_652 : i32 to vector<16xi32>
    %min3A_654 = arith.minsi %add3A_651, %min3A_653 : vector<16xi32>
    %gather3A_655 = tpu.vector_load_idx %arg13[%min3A_654] : memref<16xi32, #tpu.memory_space<vmem>>[vector<16xi32>], vector<16xi32>,
    %eq3A_656 = arith.cmpi eq, %select_n3A_563, %gather3A_655 : vector<16xi32>
    %add3A_657 = arith.constant 6 : i32
    %add3A_658 = vector.broadcast %add3A_657 : i32 to vector<16xi32>
    %add3A_659 = arith.addi %iota3A, %add3A_658 : vector<16xi32>
    %lt3A_660 = arith.constant 10 : i32
    %lt3A_661 = vector.broadcast %lt3A_660 : i32 to vector<16xi32>
    %lt3A_662 = arith.cmpi slt, %add3A_659, %lt3A_661 : vector<16xi32>
    %and3A_663 = arith.andi %eq3A_656, %lt3A_662 : vector<16xi1>
    %or3A_664 = arith.ori %or3A_648, %and3A_663 : vector<16xi1>
    %add3A_665 = arith.constant 7 : i32
    %add3A_666 = vector.broadcast %add3A_665 : i32 to vector<16xi32>
    %add3A_667 = arith.addi %iota3A, %add3A_666 : vector<16xi32>
    %min3A_668 = arith.constant 15 : i32
    %min3A_669 = vector.broadcast %min3A_668 : i32 to vector<16xi32>
    %min3A_670 = arith.minsi %add3A_667, %min3A_669 : vector<16xi32>
    %gather3A_671 = tpu.vector_load_idx %arg13[%min3A_670] : memref<16xi32, #tpu.memory_space<vmem>>[vector<16xi32>], vector<16xi32>,
    %eq3A_672 = arith.cmpi eq, %select_n3A_563, %gather3A_671 : vector<16xi32>
    %add3A_673 = arith.constant 7 : i32
    %add3A_674 = vector.broadcast %add3A_673 : i32 to vector<16xi32>
    %add3A_675 = arith.addi %iota3A, %add3A_674 : vector<16xi32>
    %lt3A_676 = arith.constant 10 : i32
    %lt3A_677 = vector.broadcast %lt3A_676 : i32 to vector<16xi32>
    %lt3A_678 = arith.cmpi slt, %add3A_675, %lt3A_677 : vector<16xi32>
    %and3A_679 = arith.andi %eq3A_672, %lt3A_678 : vector<16xi1>
    %or3A_680 = arith.ori %or3A_664, %and3A_679 : vector<16xi1>
    %add3A_681 = arith.constant 8 : i32
    %add3A_682 = vector.broadcast %add3A_681 : i32 to vector<16xi32>
    %add3A_683 = arith.addi %iota3A, %add3A_682 : vector<16xi32>
    %min3A_684 = arith.constant 15 : i32
    %min3A_685 = vector.broadcast %min3A_684 : i32 to vector<16xi32>
    %min3A_686 = arith.minsi %add3A_683, %min3A_685 : vector<16xi32>
    %gather3A_687 = tpu.vector_load_idx %arg13[%min3A_686] : memref<16xi32, #tpu.memory_space<vmem>>[vector<16xi32>], vector<16xi32>,
    %eq3A_688 = arith.cmpi eq, %select_n3A_563, %gather3A_687 : vector<16xi32>
    %add3A_689 = arith.constant 8 : i32
    %add3A_690 = vector.broadcast %add3A_689 : i32 to vector<16xi32>
    %add3A_691 = arith.addi %iota3A, %add3A_690 : vector<16xi32>
    %lt3A_692 = arith.constant 10 : i32
    %lt3A_693 = vector.broadcast %lt3A_692 : i32 to vector<16xi32>
    %lt3A_694 = arith.cmpi slt, %add3A_691, %lt3A_693 : vector<16xi32>
    %and3A_695 = arith.andi %eq3A_688, %lt3A_694 : vector<16xi1>
    %or3A_696 = arith.ori %or3A_680, %and3A_695 : vector<16xi1>
    %add3A_697 = arith.constant 9 : i32
    %add3A_698 = vector.broadcast %add3A_697 : i32 to vector<16xi32>
    %add3A_699 = arith.addi %iota3A, %add3A_698 : vector<16xi32>
    %min3A_700 = arith.constant 15 : i32
    %min3A_701 = vector.broadcast %min3A_700 : i32 to vector<16xi32>
    %min3A_702 = arith.minsi %add3A_699, %min3A_701 : vector<16xi32>
    %gather3A_703 = tpu.vector_load_idx %arg13[%min3A_702] : memref<16xi32, #tpu.memory_space<vmem>>[vector<16xi32>], vector<16xi32>,
    %eq3A_704 = arith.cmpi eq, %select_n3A_563, %gather3A_703 : vector<16xi32>
    %add3A_705 = arith.constant 9 : i32
    %add3A_706 = vector.broadcast %add3A_705 : i32 to vector<16xi32>
    %add3A_707 = arith.addi %iota3A, %add3A_706 : vector<16xi32>
    %lt3A_708 = arith.constant 10 : i32
    %lt3A_709 = vector.broadcast %lt3A_708 : i32 to vector<16xi32>
    %lt3A_710 = arith.cmpi slt, %add3A_707, %lt3A_709 : vector<16xi32>
    %and3A_711 = arith.andi %eq3A_704, %lt3A_710 : vector<16xi1>
    %or3A_712 = arith.ori %or3A_696, %and3A_711 : vector<16xi1>
    %not3A_713 = arith.constant dense<true> : vector<16xi1>
    %not3A_714 = arith.xori %or3A_712, %not3A_713 : vector<16xi1>
    %and3A_715 = arith.andi %lt3A_2, %not3A_714 : vector<16xi1>
    %jit3A_716 = arith.constant 1.000000e+00 : f32
    %jit3A_717 = arith.constant 0.000000e+00 : f32
    %broadcast_in_dim3A_718 = vector.broadcast %jit3A_716 : f32 to vector<16xf32>
    %broadcast_in_dim3A_719 = vector.broadcast %jit3A_717 : f32 to vector<16xf32>
    %select_n3A_720 = arith.select %and3A_715, %broadcast_in_dim3A_718, %broadcast_in_dim3A_719 : vector<16xi1>, vector<16xf32>
    %mul3A_721 = arith.constant 3380 : i32
    %mul3A_722 = arith.muli %add3A_410, %mul3A_721 : i32
    %mul3A_723 = arith.constant 5 : i32
    %mul3A_724 = vector.broadcast %mul3A_723 : i32 to vector<16xi32>
    %mul3A_725 = arith.muli %add3A_456, %mul3A_724 : vector<16xi32>
    %add3A_726 = vector.broadcast %mul3A_722 : i32 to vector<16xi32>
    %add3A_727 = arith.addi %add3A_726, %mul3A_725 : vector<16xi32>
    %add3A_728 = arith.addi %add3A_727, %select_n3A_553 : vector<16xi32>
    %shift_right_logical3A_729 = arith.constant 5 : i32
    %shift_right_logical3A_730 = vector.broadcast %shift_right_logical3A_729 : i32 to vector<16xi32>
    %shift_right_logical3A_731 = arith.shrui %add3A_728, %shift_right_logical3A_730 : vector<16xi32>
    %swap3A_732 = arith.constant 0 : index
    %swap3A_733 = tpu.vector_load %arg14[%swap3A_732] {strides = array<i32>} : memref<16xi32, #tpu.memory_space<vmem>>, vector<16xi32>,
    tpu.vector_store %arg14[%swap3A_732], %shift_right_logical3A_731 {strides = array<i32>} : memref<16xi32, #tpu.memory_space<vmem>>, vector<16xi32>,
    %shift_right_logical3A_734 = arith.constant 5 : i32
    %shift_right_logical3A_735 = vector.broadcast %shift_right_logical3A_734 : i32 to vector<16xi32>
    %shift_right_logical3A_736 = arith.shrui %add3A_728, %shift_right_logical3A_735 : vector<16xi32>
    %swap3A_737 = arith.constant 0 : index
    %swap3A_738 = tpu.vector_load %arg15[%swap3A_737] {strides = array<i32>} : memref<16xi32, #tpu.memory_space<vmem>>, vector<16xi32>,
    tpu.vector_store %arg15[%swap3A_737], %shift_right_logical3A_736 {strides = array<i32>} : memref<16xi32, #tpu.memory_space<vmem>>, vector<16xi32>,
    %shift_right_logical3A_739 = arith.constant 7 : i32
    %shift_right_logical3A_740 = vector.broadcast %shift_right_logical3A_739 : i32 to vector<16xi32>
    %shift_right_logical3A_741 = arith.shrui %add3A_728, %shift_right_logical3A_740 : vector<16xi32>
    %swap3A_742 = arith.constant 0 : index
    %swap3A_743 = tpu.vector_load %arg16[%swap3A_742] {strides = array<i32>} : memref<16xi32, #tpu.memory_space<vmem>>, vector<16xi32>,
    tpu.vector_store %arg16[%swap3A_742], %shift_right_logical3A_741 {strides = array<i32>} : memref<16xi32, #tpu.memory_space<vmem>>, vector<16xi32>,
    %dma_start3A_744 = arith.constant 0 : i32
    %dma_start3A_745 = arith.constant 0 : i32
    %dma_start3A_746 = tpu.memref_slice %arg4[%dma_start3A_744, %dma_start3A_745] : memref<6760x128xf32, #tpu.memory_space<hbm>> -> memref<6760x128xf32, #tpu.memory_space<hbm>>
    tpu.enqueue_indirect_dma source(%dma_start3A_746 : memref<6760x128xf32, #tpu.memory_space<hbm>>) target(%arg18 : memref<16x128xf32, #tpu.memory_space<vmem>>) offsets(%arg14 : memref<16xi32, #tpu.memory_space<vmem>>) semaphore(%arg21 : memref<!tpu.dma_semaphore, #tpu.memory_space<semaphore_mem>>)
    %dma_start3A_747 = arith.constant 0 : i32
    %dma_start3A_748 = arith.constant 0 : i32
    %dma_start3A_749 = tpu.memref_slice %arg5[%dma_start3A_747, %dma_start3A_748] : memref<6760x128xf32, #tpu.memory_space<hbm>> -> memref<6760x128xf32, #tpu.memory_space<hbm>>
    tpu.enqueue_indirect_dma source(%dma_start3A_749 : memref<6760x128xf32, #tpu.memory_space<hbm>>) target(%arg19 : memref<16x128xf32, #tpu.memory_space<vmem>>) offsets(%arg15 : memref<16xi32, #tpu.memory_space<vmem>>) semaphore(%arg21 : memref<!tpu.dma_semaphore, #tpu.memory_space<semaphore_mem>>)
    %dma_start3A_750 = arith.constant 0 : i32
    %dma_start3A_751 = arith.constant 0 : i32
    %dma_start3A_752 = tpu.memref_slice %arg6[%dma_start3A_750, %dma_start3A_751] : memref<1690x128xf32, #tpu.memory_space<hbm>> -> memref<1690x128xf32, #tpu.memory_space<hbm>>
    tpu.enqueue_indirect_dma source(%dma_start3A_752 : memref<1690x128xf32, #tpu.memory_space<hbm>>) target(%arg20 : memref<16x128xf32, #tpu.memory_space<vmem>>) offsets(%arg16 : memref<16xi32, #tpu.memory_space<vmem>>) semaphore(%arg21 : memref<!tpu.dma_semaphore, #tpu.memory_space<semaphore_mem>>)
    %swap3A_753 = arith.constant 0 : i32
    %swap3A_754 = arith.index_cast %swap3A_753 : i32 to index
    %swap3A_755 = arith.constant 0 : index
    %swap3A_756 = tpu.vector_load %arg17[%swap3A_754, %swap3A_755] {strides = array<i32>} : memref<16x16xf32, #tpu.memory_space<vmem>>, vector<16xf32>,
    tpu.vector_store %arg17[%swap3A_754, %swap3A_755], %select_n3A_720 {strides = array<i32>} : memref<16x16xf32, #tpu.memory_space<vmem>>, vector<16xf32>,
    %swap3A_757 = arith.constant 1 : i32
    %swap3A_758 = arith.index_cast %swap3A_757 : i32 to index
    %swap3A_759 = arith.constant 0 : index
    %swap3A_760 = tpu.vector_load %arg17[%swap3A_758, %swap3A_759] {strides = array<i32>} : memref<16x16xf32, #tpu.memory_space<vmem>>, vector<16xf32>,
    tpu.vector_store %arg17[%swap3A_758, %swap3A_759], %sub3A_450 {strides = array<i32>} : memref<16x16xf32, #tpu.memory_space<vmem>>, vector<16xf32>,
    %swap3A_761 = arith.constant 2 : i32
    %swap3A_762 = arith.index_cast %swap3A_761 : i32 to index
    %swap3A_763 = arith.constant 0 : index
    %swap3A_764 = tpu.vector_load %arg17[%swap3A_762, %swap3A_763] {strides = array<i32>} : memref<16x16xf32, #tpu.memory_space<vmem>>, vector<16xf32>,
    tpu.vector_store %arg17[%swap3A_762, %swap3A_763], %sub3A_452 {strides = array<i32>} : memref<16x16xf32, #tpu.memory_space<vmem>>, vector<16xf32>,
    %swap3A_765 = arith.constant 3 : i32
    %swap3A_766 = arith.index_cast %swap3A_765 : i32 to index
    %swap3A_767 = arith.constant 0 : index
    %swap3A_768 = tpu.vector_load %arg17[%swap3A_766, %swap3A_767] {strides = array<i32>} : memref<16x16xf32, #tpu.memory_space<vmem>>, vector<16xf32>,
    tpu.vector_store %arg17[%swap3A_766, %swap3A_767], %mul3A_442 {strides = array<i32>} : memref<16x16xf32, #tpu.memory_space<vmem>>, vector<16xf32>,
    %swap3A_769 = arith.constant 4 : i32
    %swap3A_770 = arith.index_cast %swap3A_769 : i32 to index
    %swap3A_771 = arith.constant 0 : index
    %swap3A_772 = tpu.vector_load %arg17[%swap3A_770, %swap3A_771] {strides = array<i32>} : memref<16x16xf32, #tpu.memory_space<vmem>>, vector<16xf32>,
    tpu.vector_store %arg17[%swap3A_770, %swap3A_771], %mul3A_446 {strides = array<i32>} : memref<16x16xf32, #tpu.memory_space<vmem>>, vector<16xf32>,
    %swap3A_773 = arith.constant 5 : i32
    %swap3A_774 = arith.index_cast %swap3A_773 : i32 to index
    %swap3A_775 = arith.constant 0 : index
    %swap3A_776 = tpu.vector_load %arg17[%swap3A_774, %swap3A_775] {strides = array<i32>} : memref<16x16xf32, #tpu.memory_space<vmem>>, vector<16xf32>,
    tpu.vector_store %arg17[%swap3A_774, %swap3A_775], %select_n3A_554 {strides = array<i32>} : memref<16x16xf32, #tpu.memory_space<vmem>>, vector<16xf32>,
    %swap3A_777 = arith.constant 6 : i32
    %swap3A_778 = arith.index_cast %swap3A_777 : i32 to index
    %swap3A_779 = arith.constant 0 : index
    %swap3A_780 = tpu.vector_load %arg17[%swap3A_778, %swap3A_779] {strides = array<i32>} : memref<16x16xf32, #tpu.memory_space<vmem>>, vector<16xf32>,
    tpu.vector_store %arg17[%swap3A_778, %swap3A_779], %select_n3A_555 {strides = array<i32>} : memref<16x16xf32, #tpu.memory_space<vmem>>, vector<16xf32>,
    %swap3A_781 = arith.constant 7 : i32
    %swap3A_782 = arith.index_cast %swap3A_781 : i32 to index
    %swap3A_783 = arith.constant 0 : index
    %swap3A_784 = tpu.vector_load %arg17[%swap3A_782, %swap3A_783] {strides = array<i32>} : memref<16x16xf32, #tpu.memory_space<vmem>>, vector<16xf32>,
    tpu.vector_store %arg17[%swap3A_782, %swap3A_783], %gather3A_430 {strides = array<i32>} : memref<16x16xf32, #tpu.memory_space<vmem>>, vector<16xf32>,
    %broadcast_in_dim3A_785 = arith.constant 0.000000e+00 : f32
    %broadcast_in_dim3A_786 = vector.broadcast %broadcast_in_dim3A_785 : f32 to vector<16xf32>
    %swap3A_787 = arith.constant 8 : i32
    %swap3A_788 = arith.index_cast %swap3A_787 : i32 to index
    %swap3A_789 = arith.constant 0 : index
    %swap3A_790 = tpu.vector_load %arg17[%swap3A_788, %swap3A_789] {strides = array<i32>} : memref<16x16xf32, #tpu.memory_space<vmem>>, vector<16xf32>,
    tpu.vector_store %arg17[%swap3A_788, %swap3A_789], %broadcast_in_dim3A_786 {strides = array<i32>} : memref<16x16xf32, #tpu.memory_space<vmem>>, vector<16xf32>,
    %and3A_791 = arith.constant 31 : i32
    %and3A_792 = vector.broadcast %and3A_791 : i32 to vector<16xi32>
    %and3A_793 = arith.andi %add3A_728, %and3A_792 : vector<16xi32>
    %convert_element_type3A_794 = arith.sitofp %and3A_793 : vector<16xi32> to vector<16xf32>
    %swap3A_795 = arith.constant 9 : i32
    %swap3A_796 = arith.index_cast %swap3A_795 : i32 to index
    %swap3A_797 = arith.constant 0 : index
    %swap3A_798 = tpu.vector_load %arg17[%swap3A_796, %swap3A_797] {strides = array<i32>} : memref<16x16xf32, #tpu.memory_space<vmem>>, vector<16xf32>,
    tpu.vector_store %arg17[%swap3A_796, %swap3A_797], %convert_element_type3A_794 {strides = array<i32>} : memref<16x16xf32, #tpu.memory_space<vmem>>, vector<16xf32>,
    %and3A_799 = arith.constant 127 : i32
    %and3A_800 = vector.broadcast %and3A_799 : i32 to vector<16xi32>
    %and3A_801 = arith.andi %add3A_728, %and3A_800 : vector<16xi32>
    %convert_element_type3A_802 = arith.sitofp %and3A_801 : vector<16xi32> to vector<16xf32>
    %swap3A_803 = arith.constant 10 : i32
    %swap3A_804 = arith.index_cast %swap3A_803 : i32 to index
    %swap3A_805 = arith.constant 0 : index
    %swap3A_806 = tpu.vector_load %arg17[%swap3A_804, %swap3A_805] {strides = array<i32>} : memref<16x16xf32, #tpu.memory_space<vmem>>, vector<16xf32>,
    tpu.vector_store %arg17[%swap3A_804, %swap3A_805], %convert_element_type3A_802 {strides = array<i32>} : memref<16x16xf32, #tpu.memory_space<vmem>>, vector<16xf32>,
    %convert_element_type3A_807 = arith.sitofp %add3A_456 : vector<16xi32> to vector<16xf32>
    %swap3A_808 = arith.constant 11 : i32
    %swap3A_809 = arith.index_cast %swap3A_808 : i32 to index
    %swap3A_810 = arith.constant 0 : index
    %swap3A_811 = tpu.vector_load %arg17[%swap3A_809, %swap3A_810] {strides = array<i32>} : memref<16x16xf32, #tpu.memory_space<vmem>>, vector<16xf32>,
    tpu.vector_store %arg17[%swap3A_809, %swap3A_810], %convert_element_type3A_807 {strides = array<i32>} : memref<16x16xf32, #tpu.memory_space<vmem>>, vector<16xf32>,
    %convert_element_type3A_812 = arith.sitofp %select_n3A_553 : vector<16xi32> to vector<16xf32>
    %swap3A_813 = arith.constant 12 : i32
    %swap3A_814 = arith.index_cast %swap3A_813 : i32 to index
    %swap3A_815 = arith.constant 0 : index
    %swap3A_816 = tpu.vector_load %arg17[%swap3A_814, %swap3A_815] {strides = array<i32>} : memref<16x16xf32, #tpu.memory_space<vmem>>, vector<16xf32>,
    tpu.vector_store %arg17[%swap3A_814, %swap3A_815], %convert_element_type3A_812 {strides = array<i32>} : memref<16x16xf32, #tpu.memory_space<vmem>>, vector<16xf32>,
    %dma_wait3A_817 = arith.constant 0 : i32
    %dma_wait3A_818 = arith.constant 0 : i32
    %dma_wait3A_819 = tpu.memref_slice %arg4[%dma_wait3A_817, %dma_wait3A_818] : memref<6760x128xf32, #tpu.memory_space<hbm>> -> memref<6760x128xf32, #tpu.memory_space<hbm>>
    tpu.wait_indirect_dma semaphore(%arg21 : memref<!tpu.dma_semaphore, #tpu.memory_space<semaphore_mem>>) src(%dma_wait3A_819 : memref<6760x128xf32, #tpu.memory_space<hbm>>) dst(%arg18 : memref<16x128xf32, #tpu.memory_space<vmem>>)
    %dma_wait3A_820 = arith.constant 0 : i32
    %dma_wait3A_821 = arith.constant 0 : i32
    %dma_wait3A_822 = tpu.memref_slice %arg5[%dma_wait3A_820, %dma_wait3A_821] : memref<6760x128xf32, #tpu.memory_space<hbm>> -> memref<6760x128xf32, #tpu.memory_space<hbm>>
    tpu.wait_indirect_dma semaphore(%arg21 : memref<!tpu.dma_semaphore, #tpu.memory_space<semaphore_mem>>) src(%dma_wait3A_822 : memref<6760x128xf32, #tpu.memory_space<hbm>>) dst(%arg19 : memref<16x128xf32, #tpu.memory_space<vmem>>)
    %dma_wait3A_823 = arith.constant 0 : i32
    %dma_wait3A_824 = arith.constant 0 : i32
    %dma_wait3A_825 = tpu.memref_slice %arg6[%dma_wait3A_823, %dma_wait3A_824] : memref<1690x128xf32, #tpu.memory_space<hbm>> -> memref<1690x128xf32, #tpu.memory_space<hbm>>
    tpu.wait_indirect_dma semaphore(%arg21 : memref<!tpu.dma_semaphore, #tpu.memory_space<semaphore_mem>>) src(%dma_wait3A_825 : memref<1690x128xf32, #tpu.memory_space<hbm>>) dst(%arg20 : memref<16x128xf32, #tpu.memory_space<vmem>>)
    "tpu.region"() ({
      %run_scoped3A = tpu.sem_alloc : memref<!tpu.dma_semaphore, #tpu.memory_space<semaphore_mem>>
      %dma_start3A_826 = arith.constant 0 : i32
      %dma_start3A_827 = arith.constant 0 : i32
      %dma_start3A_828 = tpu.memref_slice %arg7[%add3A_410, %dma_start3A_826, %dma_start3A_827] : memref<64x16x16xf32, #tpu.memory_space<hbm>> -> memref<1x16x16xf32, #tpu.memory_space<hbm>>
      %dma_start3A_829 = tpu.memref_squeeze %dma_start3A_828 : memref<1x16x16xf32, #tpu.memory_space<hbm>> -> memref<16x16xf32, #tpu.memory_space<hbm>>
      %dma_start3A_830 = arith.constant 0 : i32
      %dma_start3A_831 = arith.constant 0 : i32
      %dma_start3A_832 = tpu.memref_slice %arg7[%add3A_410, %dma_start3A_830, %dma_start3A_831] : memref<64x16x16xf32, #tpu.memory_space<hbm>> -> memref<1x16x16xf32, #tpu.memory_space<hbm>>
      %dma_start3A_833 = tpu.memref_squeeze %dma_start3A_832 : memref<1x16x16xf32, #tpu.memory_space<hbm>> -> memref<16x16xf32, #tpu.memory_space<hbm>>
      tpu.enqueue_dma source(%arg17 : memref<16x16xf32, #tpu.memory_space<vmem>>) target(%dma_start3A_833 : memref<16x16xf32, #tpu.memory_space<hbm>>) target_semaphore(%run_scoped3A : memref<!tpu.dma_semaphore, #tpu.memory_space<semaphore_mem>>)
      %dma_wait3A_834 = arith.constant 0 : i32
      %dma_wait3A_835 = arith.constant 0 : i32
      %dma_wait3A_836 = tpu.memref_slice %arg7[%add3A_410, %dma_wait3A_834, %dma_wait3A_835] : memref<64x16x16xf32, #tpu.memory_space<hbm>> -> memref<1x16x16xf32, #tpu.memory_space<hbm>>
      %dma_wait3A_837 = tpu.memref_squeeze %dma_wait3A_836 : memref<1x16x16xf32, #tpu.memory_space<hbm>> -> memref<16x16xf32, #tpu.memory_space<hbm>>
      %dma_wait3A_838 = arith.constant 0 : i32
      %dma_wait3A_839 = arith.constant 0 : i32
      %dma_wait3A_840 = tpu.memref_slice %arg7[%add3A_410, %dma_wait3A_838, %dma_wait3A_839] : memref<64x16x16xf32, #tpu.memory_space<hbm>> -> memref<1x16x16xf32, #tpu.memory_space<hbm>>
      %dma_wait3A_841 = tpu.memref_squeeze %dma_wait3A_840 : memref<1x16x16xf32, #tpu.memory_space<hbm>> -> memref<16x16xf32, #tpu.memory_space<hbm>>
      tpu.wait_dma2 semaphore(%run_scoped3A : memref<!tpu.dma_semaphore, #tpu.memory_space<semaphore_mem>>) src(%arg17 : memref<16x16xf32, #tpu.memory_space<vmem>>) dst(%dma_wait3A_841 : memref<16x16xf32, #tpu.memory_space<hbm>>)
      tpu.yield
    }) : () -> ()
    "tpu.region"() ({
      %run_scoped3A = tpu.sem_alloc : memref<!tpu.dma_semaphore, #tpu.memory_space<semaphore_mem>>
      %dma_start3A_826 = arith.constant 0 : i32
      %dma_start3A_827 = arith.constant 0 : i32
      %dma_start3A_828 = tpu.memref_slice %arg8[%add3A_410, %dma_start3A_826, %dma_start3A_827] : memref<64x16x128xf32, #tpu.memory_space<hbm>> -> memref<1x16x128xf32, #tpu.memory_space<hbm>>
      %dma_start3A_829 = tpu.memref_squeeze %dma_start3A_828 : memref<1x16x128xf32, #tpu.memory_space<hbm>> -> memref<16x128xf32, #tpu.memory_space<hbm>>
      %dma_start3A_830 = arith.constant 0 : i32
      %dma_start3A_831 = arith.constant 0 : i32
      %dma_start3A_832 = tpu.memref_slice %arg8[%add3A_410, %dma_start3A_830, %dma_start3A_831] : memref<64x16x128xf32, #tpu.memory_space<hbm>> -> memref<1x16x128xf32, #tpu.memory_space<hbm>>
      %dma_start3A_833 = tpu.memref_squeeze %dma_start3A_832 : memref<1x16x128xf32, #tpu.memory_space<hbm>> -> memref<16x128xf32, #tpu.memory_space<hbm>>
      tpu.enqueue_dma source(%arg18 : memref<16x128xf32, #tpu.memory_space<vmem>>) target(%dma_start3A_833 : memref<16x128xf32, #tpu.memory_space<hbm>>) target_semaphore(%run_scoped3A : memref<!tpu.dma_semaphore, #tpu.memory_space<semaphore_mem>>)
      %dma_wait3A_834 = arith.constant 0 : i32
      %dma_wait3A_835 = arith.constant 0 : i32
      %dma_wait3A_836 = tpu.memref_slice %arg8[%add3A_410, %dma_wait3A_834, %dma_wait3A_835] : memref<64x16x128xf32, #tpu.memory_space<hbm>> -> memref<1x16x128xf32, #tpu.memory_space<hbm>>
      %dma_wait3A_837 = tpu.memref_squeeze %dma_wait3A_836 : memref<1x16x128xf32, #tpu.memory_space<hbm>> -> memref<16x128xf32, #tpu.memory_space<hbm>>
      %dma_wait3A_838 = arith.constant 0 : i32
      %dma_wait3A_839 = arith.constant 0 : i32
      %dma_wait3A_840 = tpu.memref_slice %arg8[%add3A_410, %dma_wait3A_838, %dma_wait3A_839] : memref<64x16x128xf32, #tpu.memory_space<hbm>> -> memref<1x16x128xf32, #tpu.memory_space<hbm>>
      %dma_wait3A_841 = tpu.memref_squeeze %dma_wait3A_840 : memref<1x16x128xf32, #tpu.memory_space<hbm>> -> memref<16x128xf32, #tpu.memory_space<hbm>>
      tpu.wait_dma2 semaphore(%run_scoped3A : memref<!tpu.dma_semaphore, #tpu.memory_space<semaphore_mem>>) src(%arg18 : memref<16x128xf32, #tpu.memory_space<vmem>>) dst(%dma_wait3A_841 : memref<16x128xf32, #tpu.memory_space<hbm>>)
      tpu.yield
    }) : () -> ()
    "tpu.region"() ({
      %run_scoped3A = tpu.sem_alloc : memref<!tpu.dma_semaphore, #tpu.memory_space<semaphore_mem>>
      %dma_start3A_826 = arith.constant 0 : i32
      %dma_start3A_827 = arith.constant 0 : i32
      %dma_start3A_828 = tpu.memref_slice %arg9[%add3A_410, %dma_start3A_826, %dma_start3A_827] : memref<64x16x128xf32, #tpu.memory_space<hbm>> -> memref<1x16x128xf32, #tpu.memory_space<hbm>>
      %dma_start3A_829 = tpu.memref_squeeze %dma_start3A_828 : memref<1x16x128xf32, #tpu.memory_space<hbm>> -> memref<16x128xf32, #tpu.memory_space<hbm>>
      %dma_start3A_830 = arith.constant 0 : i32
      %dma_start3A_831 = arith.constant 0 : i32
      %dma_start3A_832 = tpu.memref_slice %arg9[%add3A_410, %dma_start3A_830, %dma_start3A_831] : memref<64x16x128xf32, #tpu.memory_space<hbm>> -> memref<1x16x128xf32, #tpu.memory_space<hbm>>
      %dma_start3A_833 = tpu.memref_squeeze %dma_start3A_832 : memref<1x16x128xf32, #tpu.memory_space<hbm>> -> memref<16x128xf32, #tpu.memory_space<hbm>>
      tpu.enqueue_dma source(%arg19 : memref<16x128xf32, #tpu.memory_space<vmem>>) target(%dma_start3A_833 : memref<16x128xf32, #tpu.memory_space<hbm>>) target_semaphore(%run_scoped3A : memref<!tpu.dma_semaphore, #tpu.memory_space<semaphore_mem>>)
      %dma_wait3A_834 = arith.constant 0 : i32
      %dma_wait3A_835 = arith.constant 0 : i32
      %dma_wait3A_836 = tpu.memref_slice %arg9[%add3A_410, %dma_wait3A_834, %dma_wait3A_835] : memref<64x16x128xf32, #tpu.memory_space<hbm>> -> memref<1x16x128xf32, #tpu.memory_space<hbm>>
      %dma_wait3A_837 = tpu.memref_squeeze %dma_wait3A_836 : memref<1x16x128xf32, #tpu.memory_space<hbm>> -> memref<16x128xf32, #tpu.memory_space<hbm>>
      %dma_wait3A_838 = arith.constant 0 : i32
      %dma_wait3A_839 = arith.constant 0 : i32
      %dma_wait3A_840 = tpu.memref_slice %arg9[%add3A_410, %dma_wait3A_838, %dma_wait3A_839] : memref<64x16x128xf32, #tpu.memory_space<hbm>> -> memref<1x16x128xf32, #tpu.memory_space<hbm>>
      %dma_wait3A_841 = tpu.memref_squeeze %dma_wait3A_840 : memref<1x16x128xf32, #tpu.memory_space<hbm>> -> memref<16x128xf32, #tpu.memory_space<hbm>>
      tpu.wait_dma2 semaphore(%run_scoped3A : memref<!tpu.dma_semaphore, #tpu.memory_space<semaphore_mem>>) src(%arg19 : memref<16x128xf32, #tpu.memory_space<vmem>>) dst(%dma_wait3A_841 : memref<16x128xf32, #tpu.memory_space<hbm>>)
      tpu.yield
    }) : () -> ()
    "tpu.region"() ({
      %run_scoped3A = tpu.sem_alloc : memref<!tpu.dma_semaphore, #tpu.memory_space<semaphore_mem>>
      %dma_start3A_826 = arith.constant 0 : i32
      %dma_start3A_827 = arith.constant 0 : i32
      %dma_start3A_828 = tpu.memref_slice %arg10[%add3A_410, %dma_start3A_826, %dma_start3A_827] : memref<64x16x128xf32, #tpu.memory_space<hbm>> -> memref<1x16x128xf32, #tpu.memory_space<hbm>>
      %dma_start3A_829 = tpu.memref_squeeze %dma_start3A_828 : memref<1x16x128xf32, #tpu.memory_space<hbm>> -> memref<16x128xf32, #tpu.memory_space<hbm>>
      %dma_start3A_830 = arith.constant 0 : i32
      %dma_start3A_831 = arith.constant 0 : i32
      %dma_start3A_832 = tpu.memref_slice %arg10[%add3A_410, %dma_start3A_830, %dma_start3A_831] : memref<64x16x128xf32, #tpu.memory_space<hbm>> -> memref<1x16x128xf32, #tpu.memory_space<hbm>>
      %dma_start3A_833 = tpu.memref_squeeze %dma_start3A_832 : memref<1x16x128xf32, #tpu.memory_space<hbm>> -> memref<16x128xf32, #tpu.memory_space<hbm>>
      tpu.enqueue_dma source(%arg20 : memref<16x128xf32, #tpu.memory_space<vmem>>) target(%dma_start3A_833 : memref<16x128xf32, #tpu.memory_space<hbm>>) target_semaphore(%run_scoped3A : memref<!tpu.dma_semaphore, #tpu.memory_space<semaphore_mem>>)
      %dma_wait3A_834 = arith.constant 0 : i32
      %dma_wait3A_835 = arith.constant 0 : i32
      %dma_wait3A_836 = tpu.memref_slice %arg10[%add3A_410, %dma_wait3A_834, %dma_wait3A_835] : memref<64x16x128xf32, #tpu.memory_space<hbm>> -> memref<1x16x128xf32, #tpu.memory_space<hbm>>
      %dma_wait3A_837 = tpu.memref_squeeze %dma_wait3A_836 : memref<1x16x128xf32, #tpu.memory_space<hbm>> -> memref<16x128xf32, #tpu.memory_space<hbm>>
      %dma_wait3A_838 = arith.constant 0 : i32
      %dma_wait3A_839 = arith.constant 0 : i32
      %dma_wait3A_840 = tpu.memref_slice %arg10[%add3A_410, %dma_wait3A_838, %dma_wait3A_839] : memref<64x16x128xf32, #tpu.memory_space<hbm>> -> memref<1x16x128xf32, #tpu.memory_space<hbm>>
      %dma_wait3A_841 = tpu.memref_squeeze %dma_wait3A_840 : memref<1x16x128xf32, #tpu.memory_space<hbm>> -> memref<16x128xf32, #tpu.memory_space<hbm>>
      tpu.wait_dma2 semaphore(%run_scoped3A : memref<!tpu.dma_semaphore, #tpu.memory_space<semaphore_mem>>) src(%arg20 : memref<16x128xf32, #tpu.memory_space<vmem>>) dst(%dma_wait3A_841 : memref<16x128xf32, #tpu.memory_space<hbm>>)
      tpu.yield
    }) : () -> ()
    return
  }
}

module attributes {stable_mosaic.version = 14 : i64} {
  func.func @_dense_body(%arg0: i32, %arg1: memref<8x3380xf32, #tpu.memory_space<vmem>>, %arg2: memref<8x3380xf32, #tpu.memory_space<vmem>>, %arg3: memref<8x3380xf32, #tpu.memory_space<vmem>>, %arg4: memref<8x3380xf32, #tpu.memory_space<vmem>>, %arg5: memref<8x3380xf32, #tpu.memory_space<vmem>>, %arg6: memref<8x10xf32, #tpu.memory_space<vmem>>, %arg7: memref<8x10xf32, #tpu.memory_space<vmem>>, %arg8: memref<8x10xf32, #tpu.memory_space<vmem>>, %arg9: memref<8x10xf32, #tpu.memory_space<vmem>>, %arg10: memref<1x1xf32, #tpu.memory_space<vmem>>) attributes {dimension_semantics = [#tpu.dimension_semantics<arbitrary>], iteration_bounds = array<i64: 8>, scalar_prefetch = 0 : i64, scratch_operands = 0 : i64, tpu.core_type = #tpu.core_type<tc>, window_params = [{transform_indices = @transform_0, window_bounds = array<i64: 8, 3380>}, {transform_indices = @transform_1, window_bounds = array<i64: 8, 3380>}, {transform_indices = @transform_2, window_bounds = array<i64: 8, 3380>}, {transform_indices = @transform_3, window_bounds = array<i64: 8, 3380>}, {transform_indices = @transform_4, window_bounds = array<i64: 8, 3380>}, {transform_indices = @transform_5, window_bounds = array<i64: 8, 10>}, {transform_indices = @transform_6, window_bounds = array<i64: 8, 10>}, {transform_indices = @transform_7, window_bounds = array<i64: 8, 10>}, {transform_indices = @transform_8, window_bounds = array<i64: 8, 10>}, {pipeline_mode = #tpu.pipeline_mode<synchronous>, transform_indices = @transform_9, window_bounds = array<i64: 1, 1>}]} {
    %eq3A = arith.constant 0 : i32
    %eq3A_0 = arith.cmpi eq, %arg0, %eq3A : i32
    %convert_element_type3A = arith.extui %eq3A_0 : i1 to i32
    %cond3A = arith.constant 0 : i32
    %cond3A_1 = arith.cmpi ne, %convert_element_type3A, %cond3A : i32
    scf.if %cond3A_1 {
      %broadcast_in_dim3A_432 = arith.constant 0.000000e+00 : f32
      %broadcast_in_dim3A_433 = vector.broadcast %broadcast_in_dim3A_432 : f32 to vector<1x1xf32>
      %swap3A_434 = arith.constant 0 : index
      %swap3A_435 = arith.constant 0 : index
      %swap3A_436 = vector.load %arg10[%swap3A_434, %swap3A_435] : memref<1x1xf32, #tpu.memory_space<vmem>>, vector<1x1xf32>
      tpu.vector_store %arg10[%swap3A_434, %swap3A_435], %broadcast_in_dim3A_433 {strides = array<i32>} : memref<1x1xf32, #tpu.memory_space<vmem>>, vector<1x1xf32>,
    } else {
    }
    %get3A = arith.constant 0 : index
    %get3A_2 = arith.constant 0 : index
    %get3A_3 = vector.load %arg1[%get3A, %get3A_2] : memref<8x3380xf32, #tpu.memory_space<vmem>>, vector<8x3380xf32>
    %get3A_4 = arith.constant 0 : index
    %get3A_5 = arith.constant 0 : index
    %get3A_6 = vector.load %arg2[%get3A_4, %get3A_5] : memref<8x3380xf32, #tpu.memory_space<vmem>>, vector<8x3380xf32>
    %get3A_7 = arith.constant 0 : index
    %get3A_8 = arith.constant 0 : index
    %get3A_9 = vector.load %arg3[%get3A_7, %get3A_8] : memref<8x3380xf32, #tpu.memory_space<vmem>>, vector<8x3380xf32>
    %get3A_10 = arith.constant 0 : index
    %get3A_11 = arith.constant 0 : index
    %get3A_12 = vector.load %arg4[%get3A_10, %get3A_11] : memref<8x3380xf32, #tpu.memory_space<vmem>>, vector<8x3380xf32>
    %mul3A = arith.constant 5.000000e-01 : f32
    %mul3A_13 = vector.broadcast %mul3A : f32 to vector<8x3380xf32>
    %mul3A_14 = arith.mulf %get3A_9, %mul3A_13 : vector<8x3380xf32>
    %sub3A = arith.subf %get3A_3, %mul3A_14 : vector<8x3380xf32>
    %mul3A_15 = arith.constant 5.000000e-01 : f32
    %mul3A_16 = vector.broadcast %mul3A_15 : f32 to vector<8x3380xf32>
    %mul3A_17 = arith.mulf %get3A_9, %mul3A_16 : vector<8x3380xf32>
    %add3A = arith.addf %get3A_3, %mul3A_17 : vector<8x3380xf32>
    %mul3A_18 = arith.constant 5.000000e-01 : f32
    %mul3A_19 = vector.broadcast %mul3A_18 : f32 to vector<8x3380xf32>
    %mul3A_20 = arith.mulf %get3A_12, %mul3A_19 : vector<8x3380xf32>
    %sub3A_21 = arith.subf %get3A_6, %mul3A_20 : vector<8x3380xf32>
    %mul3A_22 = arith.constant 5.000000e-01 : f32
    %mul3A_23 = vector.broadcast %mul3A_22 : f32 to vector<8x3380xf32>
    %mul3A_24 = arith.mulf %get3A_12, %mul3A_23 : vector<8x3380xf32>
    %add3A_25 = arith.addf %get3A_6, %mul3A_24 : vector<8x3380xf32>
    %mul3A_26 = arith.mulf %get3A_9, %get3A_12 : vector<8x3380xf32>
    %broadcast_in_dim3A = arith.constant false
    %broadcast_in_dim3A_27 = vector.broadcast %broadcast_in_dim3A : i1 to vector<8x3380xi1>
    %get3A_28 = arith.constant 0 : index
    %get3A_29 = arith.constant 0 : index
    %get3A_30 = vector.load %arg6[%get3A_28, %get3A_29] : memref<8x10xf32, #tpu.memory_space<vmem>>, vector<8x1xf32>
    %get3A_31 = arith.constant 0 : index
    %get3A_32 = arith.constant 0 : index
    %get3A_33 = vector.load %arg7[%get3A_31, %get3A_32] : memref<8x10xf32, #tpu.memory_space<vmem>>, vector<8x1xf32>
    %get3A_34 = arith.constant 0 : index
    %get3A_35 = arith.constant 0 : index
    %get3A_36 = vector.load %arg8[%get3A_34, %get3A_35] : memref<8x10xf32, #tpu.memory_space<vmem>>, vector<8x1xf32>
    %get3A_37 = arith.constant 0 : index
    %get3A_38 = arith.constant 0 : index
    %get3A_39 = vector.load %arg9[%get3A_37, %get3A_38] : memref<8x10xf32, #tpu.memory_space<vmem>>, vector<8x1xf32>
    %min3A = vector.broadcast %get3A_36 : vector<8x1xf32> to vector<8x3380xf32>
    %min3A_40 = arith.minimumf %add3A, %min3A : vector<8x3380xf32>
    %max3A = vector.broadcast %get3A_30 : vector<8x1xf32> to vector<8x3380xf32>
    %max3A_41 = arith.maximumf %sub3A, %max3A : vector<8x3380xf32>
    %sub3A_42 = arith.subf %min3A_40, %max3A_41 : vector<8x3380xf32>
    %max3A_43 = arith.constant 0.000000e+00 : f32
    %max3A_44 = vector.broadcast %max3A_43 : f32 to vector<8x3380xf32>
    %max3A_45 = arith.maximumf %sub3A_42, %max3A_44 : vector<8x3380xf32>
    %min3A_46 = vector.broadcast %get3A_39 : vector<8x1xf32> to vector<8x3380xf32>
    %min3A_47 = arith.minimumf %add3A_25, %min3A_46 : vector<8x3380xf32>
    %max3A_48 = vector.broadcast %get3A_33 : vector<8x1xf32> to vector<8x3380xf32>
    %max3A_49 = arith.maximumf %sub3A_21, %max3A_48 : vector<8x3380xf32>
    %sub3A_50 = arith.subf %min3A_47, %max3A_49 : vector<8x3380xf32>
    %max3A_51 = arith.constant 0.000000e+00 : f32
    %max3A_52 = vector.broadcast %max3A_51 : f32 to vector<8x3380xf32>
    %max3A_53 = arith.maximumf %sub3A_50, %max3A_52 : vector<8x3380xf32>
    %mul3A_54 = arith.mulf %max3A_45, %max3A_53 : vector<8x3380xf32>
    %sub3A_55 = arith.subf %get3A_36, %get3A_30 : vector<8x1xf32>
    %sub3A_56 = arith.subf %get3A_39, %get3A_33 : vector<8x1xf32>
    %mul3A_57 = arith.mulf %sub3A_55, %sub3A_56 : vector<8x1xf32>
    %mul3A_58 = arith.constant 3.000000e+00 : f32
    %mul3A_59 = vector.broadcast %mul3A_58 : f32 to vector<8x3380xf32>
    %mul3A_60 = arith.mulf %mul3A_59, %mul3A_54 : vector<8x3380xf32>
    %add3A_61 = vector.broadcast %mul3A_57 : vector<8x1xf32> to vector<8x3380xf32>
    %add3A_62 = arith.addf %mul3A_26, %add3A_61 : vector<8x3380xf32>
    %gt3A = arith.cmpf ogt, %mul3A_60, %add3A_62 : vector<8x3380xf32>
    %or3A = arith.ori %broadcast_in_dim3A_27, %gt3A : vector<8x3380xi1>
    %get3A_63 = arith.constant 0 : index
    %get3A_64 = arith.constant 1 : index
    %get3A_65 = vector.load %arg6[%get3A_63, %get3A_64] : memref<8x10xf32, #tpu.memory_space<vmem>>, vector<8x1xf32>
    %get3A_66 = arith.constant 0 : index
    %get3A_67 = arith.constant 1 : index
    %get3A_68 = vector.load %arg7[%get3A_66, %get3A_67] : memref<8x10xf32, #tpu.memory_space<vmem>>, vector<8x1xf32>
    %get3A_69 = arith.constant 0 : index
    %get3A_70 = arith.constant 1 : index
    %get3A_71 = vector.load %arg8[%get3A_69, %get3A_70] : memref<8x10xf32, #tpu.memory_space<vmem>>, vector<8x1xf32>
    %get3A_72 = arith.constant 0 : index
    %get3A_73 = arith.constant 1 : index
    %get3A_74 = vector.load %arg9[%get3A_72, %get3A_73] : memref<8x10xf32, #tpu.memory_space<vmem>>, vector<8x1xf32>
    %min3A_75 = vector.broadcast %get3A_71 : vector<8x1xf32> to vector<8x3380xf32>
    %min3A_76 = arith.minimumf %add3A, %min3A_75 : vector<8x3380xf32>
    %max3A_77 = vector.broadcast %get3A_65 : vector<8x1xf32> to vector<8x3380xf32>
    %max3A_78 = arith.maximumf %sub3A, %max3A_77 : vector<8x3380xf32>
    %sub3A_79 = arith.subf %min3A_76, %max3A_78 : vector<8x3380xf32>
    %max3A_80 = arith.constant 0.000000e+00 : f32
    %max3A_81 = vector.broadcast %max3A_80 : f32 to vector<8x3380xf32>
    %max3A_82 = arith.maximumf %sub3A_79, %max3A_81 : vector<8x3380xf32>
    %min3A_83 = vector.broadcast %get3A_74 : vector<8x1xf32> to vector<8x3380xf32>
    %min3A_84 = arith.minimumf %add3A_25, %min3A_83 : vector<8x3380xf32>
    %max3A_85 = vector.broadcast %get3A_68 : vector<8x1xf32> to vector<8x3380xf32>
    %max3A_86 = arith.maximumf %sub3A_21, %max3A_85 : vector<8x3380xf32>
    %sub3A_87 = arith.subf %min3A_84, %max3A_86 : vector<8x3380xf32>
    %max3A_88 = arith.constant 0.000000e+00 : f32
    %max3A_89 = vector.broadcast %max3A_88 : f32 to vector<8x3380xf32>
    %max3A_90 = arith.maximumf %sub3A_87, %max3A_89 : vector<8x3380xf32>
    %mul3A_91 = arith.mulf %max3A_82, %max3A_90 : vector<8x3380xf32>
    %sub3A_92 = arith.subf %get3A_71, %get3A_65 : vector<8x1xf32>
    %sub3A_93 = arith.subf %get3A_74, %get3A_68 : vector<8x1xf32>
    %mul3A_94 = arith.mulf %sub3A_92, %sub3A_93 : vector<8x1xf32>
    %mul3A_95 = arith.constant 3.000000e+00 : f32
    %mul3A_96 = vector.broadcast %mul3A_95 : f32 to vector<8x3380xf32>
    %mul3A_97 = arith.mulf %mul3A_96, %mul3A_91 : vector<8x3380xf32>
    %add3A_98 = vector.broadcast %mul3A_94 : vector<8x1xf32> to vector<8x3380xf32>
    %add3A_99 = arith.addf %mul3A_26, %add3A_98 : vector<8x3380xf32>
    %gt3A_100 = arith.cmpf ogt, %mul3A_97, %add3A_99 : vector<8x3380xf32>
    %or3A_101 = arith.ori %or3A, %gt3A_100 : vector<8x3380xi1>
    %get3A_102 = arith.constant 0 : index
    %get3A_103 = arith.constant 2 : index
    %get3A_104 = vector.load %arg6[%get3A_102, %get3A_103] : memref<8x10xf32, #tpu.memory_space<vmem>>, vector<8x1xf32>
    %get3A_105 = arith.constant 0 : index
    %get3A_106 = arith.constant 2 : index
    %get3A_107 = vector.load %arg7[%get3A_105, %get3A_106] : memref<8x10xf32, #tpu.memory_space<vmem>>, vector<8x1xf32>
    %get3A_108 = arith.constant 0 : index
    %get3A_109 = arith.constant 2 : index
    %get3A_110 = vector.load %arg8[%get3A_108, %get3A_109] : memref<8x10xf32, #tpu.memory_space<vmem>>, vector<8x1xf32>
    %get3A_111 = arith.constant 0 : index
    %get3A_112 = arith.constant 2 : index
    %get3A_113 = vector.load %arg9[%get3A_111, %get3A_112] : memref<8x10xf32, #tpu.memory_space<vmem>>, vector<8x1xf32>
    %min3A_114 = vector.broadcast %get3A_110 : vector<8x1xf32> to vector<8x3380xf32>
    %min3A_115 = arith.minimumf %add3A, %min3A_114 : vector<8x3380xf32>
    %max3A_116 = vector.broadcast %get3A_104 : vector<8x1xf32> to vector<8x3380xf32>
    %max3A_117 = arith.maximumf %sub3A, %max3A_116 : vector<8x3380xf32>
    %sub3A_118 = arith.subf %min3A_115, %max3A_117 : vector<8x3380xf32>
    %max3A_119 = arith.constant 0.000000e+00 : f32
    %max3A_120 = vector.broadcast %max3A_119 : f32 to vector<8x3380xf32>
    %max3A_121 = arith.maximumf %sub3A_118, %max3A_120 : vector<8x3380xf32>
    %min3A_122 = vector.broadcast %get3A_113 : vector<8x1xf32> to vector<8x3380xf32>
    %min3A_123 = arith.minimumf %add3A_25, %min3A_122 : vector<8x3380xf32>
    %max3A_124 = vector.broadcast %get3A_107 : vector<8x1xf32> to vector<8x3380xf32>
    %max3A_125 = arith.maximumf %sub3A_21, %max3A_124 : vector<8x3380xf32>
    %sub3A_126 = arith.subf %min3A_123, %max3A_125 : vector<8x3380xf32>
    %max3A_127 = arith.constant 0.000000e+00 : f32
    %max3A_128 = vector.broadcast %max3A_127 : f32 to vector<8x3380xf32>
    %max3A_129 = arith.maximumf %sub3A_126, %max3A_128 : vector<8x3380xf32>
    %mul3A_130 = arith.mulf %max3A_121, %max3A_129 : vector<8x3380xf32>
    %sub3A_131 = arith.subf %get3A_110, %get3A_104 : vector<8x1xf32>
    %sub3A_132 = arith.subf %get3A_113, %get3A_107 : vector<8x1xf32>
    %mul3A_133 = arith.mulf %sub3A_131, %sub3A_132 : vector<8x1xf32>
    %mul3A_134 = arith.constant 3.000000e+00 : f32
    %mul3A_135 = vector.broadcast %mul3A_134 : f32 to vector<8x3380xf32>
    %mul3A_136 = arith.mulf %mul3A_135, %mul3A_130 : vector<8x3380xf32>
    %add3A_137 = vector.broadcast %mul3A_133 : vector<8x1xf32> to vector<8x3380xf32>
    %add3A_138 = arith.addf %mul3A_26, %add3A_137 : vector<8x3380xf32>
    %gt3A_139 = arith.cmpf ogt, %mul3A_136, %add3A_138 : vector<8x3380xf32>
    %or3A_140 = arith.ori %or3A_101, %gt3A_139 : vector<8x3380xi1>
    %get3A_141 = arith.constant 0 : index
    %get3A_142 = arith.constant 3 : index
    %get3A_143 = vector.load %arg6[%get3A_141, %get3A_142] : memref<8x10xf32, #tpu.memory_space<vmem>>, vector<8x1xf32>
    %get3A_144 = arith.constant 0 : index
    %get3A_145 = arith.constant 3 : index
    %get3A_146 = vector.load %arg7[%get3A_144, %get3A_145] : memref<8x10xf32, #tpu.memory_space<vmem>>, vector<8x1xf32>
    %get3A_147 = arith.constant 0 : index
    %get3A_148 = arith.constant 3 : index
    %get3A_149 = vector.load %arg8[%get3A_147, %get3A_148] : memref<8x10xf32, #tpu.memory_space<vmem>>, vector<8x1xf32>
    %get3A_150 = arith.constant 0 : index
    %get3A_151 = arith.constant 3 : index
    %get3A_152 = vector.load %arg9[%get3A_150, %get3A_151] : memref<8x10xf32, #tpu.memory_space<vmem>>, vector<8x1xf32>
    %min3A_153 = vector.broadcast %get3A_149 : vector<8x1xf32> to vector<8x3380xf32>
    %min3A_154 = arith.minimumf %add3A, %min3A_153 : vector<8x3380xf32>
    %max3A_155 = vector.broadcast %get3A_143 : vector<8x1xf32> to vector<8x3380xf32>
    %max3A_156 = arith.maximumf %sub3A, %max3A_155 : vector<8x3380xf32>
    %sub3A_157 = arith.subf %min3A_154, %max3A_156 : vector<8x3380xf32>
    %max3A_158 = arith.constant 0.000000e+00 : f32
    %max3A_159 = vector.broadcast %max3A_158 : f32 to vector<8x3380xf32>
    %max3A_160 = arith.maximumf %sub3A_157, %max3A_159 : vector<8x3380xf32>
    %min3A_161 = vector.broadcast %get3A_152 : vector<8x1xf32> to vector<8x3380xf32>
    %min3A_162 = arith.minimumf %add3A_25, %min3A_161 : vector<8x3380xf32>
    %max3A_163 = vector.broadcast %get3A_146 : vector<8x1xf32> to vector<8x3380xf32>
    %max3A_164 = arith.maximumf %sub3A_21, %max3A_163 : vector<8x3380xf32>
    %sub3A_165 = arith.subf %min3A_162, %max3A_164 : vector<8x3380xf32>
    %max3A_166 = arith.constant 0.000000e+00 : f32
    %max3A_167 = vector.broadcast %max3A_166 : f32 to vector<8x3380xf32>
    %max3A_168 = arith.maximumf %sub3A_165, %max3A_167 : vector<8x3380xf32>
    %mul3A_169 = arith.mulf %max3A_160, %max3A_168 : vector<8x3380xf32>
    %sub3A_170 = arith.subf %get3A_149, %get3A_143 : vector<8x1xf32>
    %sub3A_171 = arith.subf %get3A_152, %get3A_146 : vector<8x1xf32>
    %mul3A_172 = arith.mulf %sub3A_170, %sub3A_171 : vector<8x1xf32>
    %mul3A_173 = arith.constant 3.000000e+00 : f32
    %mul3A_174 = vector.broadcast %mul3A_173 : f32 to vector<8x3380xf32>
    %mul3A_175 = arith.mulf %mul3A_174, %mul3A_169 : vector<8x3380xf32>
    %add3A_176 = vector.broadcast %mul3A_172 : vector<8x1xf32> to vector<8x3380xf32>
    %add3A_177 = arith.addf %mul3A_26, %add3A_176 : vector<8x3380xf32>
    %gt3A_178 = arith.cmpf ogt, %mul3A_175, %add3A_177 : vector<8x3380xf32>
    %or3A_179 = arith.ori %or3A_140, %gt3A_178 : vector<8x3380xi1>
    %get3A_180 = arith.constant 0 : index
    %get3A_181 = arith.constant 4 : index
    %get3A_182 = vector.load %arg6[%get3A_180, %get3A_181] : memref<8x10xf32, #tpu.memory_space<vmem>>, vector<8x1xf32>
    %get3A_183 = arith.constant 0 : index
    %get3A_184 = arith.constant 4 : index
    %get3A_185 = vector.load %arg7[%get3A_183, %get3A_184] : memref<8x10xf32, #tpu.memory_space<vmem>>, vector<8x1xf32>
    %get3A_186 = arith.constant 0 : index
    %get3A_187 = arith.constant 4 : index
    %get3A_188 = vector.load %arg8[%get3A_186, %get3A_187] : memref<8x10xf32, #tpu.memory_space<vmem>>, vector<8x1xf32>
    %get3A_189 = arith.constant 0 : index
    %get3A_190 = arith.constant 4 : index
    %get3A_191 = vector.load %arg9[%get3A_189, %get3A_190] : memref<8x10xf32, #tpu.memory_space<vmem>>, vector<8x1xf32>
    %min3A_192 = vector.broadcast %get3A_188 : vector<8x1xf32> to vector<8x3380xf32>
    %min3A_193 = arith.minimumf %add3A, %min3A_192 : vector<8x3380xf32>
    %max3A_194 = vector.broadcast %get3A_182 : vector<8x1xf32> to vector<8x3380xf32>
    %max3A_195 = arith.maximumf %sub3A, %max3A_194 : vector<8x3380xf32>
    %sub3A_196 = arith.subf %min3A_193, %max3A_195 : vector<8x3380xf32>
    %max3A_197 = arith.constant 0.000000e+00 : f32
    %max3A_198 = vector.broadcast %max3A_197 : f32 to vector<8x3380xf32>
    %max3A_199 = arith.maximumf %sub3A_196, %max3A_198 : vector<8x3380xf32>
    %min3A_200 = vector.broadcast %get3A_191 : vector<8x1xf32> to vector<8x3380xf32>
    %min3A_201 = arith.minimumf %add3A_25, %min3A_200 : vector<8x3380xf32>
    %max3A_202 = vector.broadcast %get3A_185 : vector<8x1xf32> to vector<8x3380xf32>
    %max3A_203 = arith.maximumf %sub3A_21, %max3A_202 : vector<8x3380xf32>
    %sub3A_204 = arith.subf %min3A_201, %max3A_203 : vector<8x3380xf32>
    %max3A_205 = arith.constant 0.000000e+00 : f32
    %max3A_206 = vector.broadcast %max3A_205 : f32 to vector<8x3380xf32>
    %max3A_207 = arith.maximumf %sub3A_204, %max3A_206 : vector<8x3380xf32>
    %mul3A_208 = arith.mulf %max3A_199, %max3A_207 : vector<8x3380xf32>
    %sub3A_209 = arith.subf %get3A_188, %get3A_182 : vector<8x1xf32>
    %sub3A_210 = arith.subf %get3A_191, %get3A_185 : vector<8x1xf32>
    %mul3A_211 = arith.mulf %sub3A_209, %sub3A_210 : vector<8x1xf32>
    %mul3A_212 = arith.constant 3.000000e+00 : f32
    %mul3A_213 = vector.broadcast %mul3A_212 : f32 to vector<8x3380xf32>
    %mul3A_214 = arith.mulf %mul3A_213, %mul3A_208 : vector<8x3380xf32>
    %add3A_215 = vector.broadcast %mul3A_211 : vector<8x1xf32> to vector<8x3380xf32>
    %add3A_216 = arith.addf %mul3A_26, %add3A_215 : vector<8x3380xf32>
    %gt3A_217 = arith.cmpf ogt, %mul3A_214, %add3A_216 : vector<8x3380xf32>
    %or3A_218 = arith.ori %or3A_179, %gt3A_217 : vector<8x3380xi1>
    %get3A_219 = arith.constant 0 : index
    %get3A_220 = arith.constant 5 : index
    %get3A_221 = vector.load %arg6[%get3A_219, %get3A_220] : memref<8x10xf32, #tpu.memory_space<vmem>>, vector<8x1xf32>
    %get3A_222 = arith.constant 0 : index
    %get3A_223 = arith.constant 5 : index
    %get3A_224 = vector.load %arg7[%get3A_222, %get3A_223] : memref<8x10xf32, #tpu.memory_space<vmem>>, vector<8x1xf32>
    %get3A_225 = arith.constant 0 : index
    %get3A_226 = arith.constant 5 : index
    %get3A_227 = vector.load %arg8[%get3A_225, %get3A_226] : memref<8x10xf32, #tpu.memory_space<vmem>>, vector<8x1xf32>
    %get3A_228 = arith.constant 0 : index
    %get3A_229 = arith.constant 5 : index
    %get3A_230 = vector.load %arg9[%get3A_228, %get3A_229] : memref<8x10xf32, #tpu.memory_space<vmem>>, vector<8x1xf32>
    %min3A_231 = vector.broadcast %get3A_227 : vector<8x1xf32> to vector<8x3380xf32>
    %min3A_232 = arith.minimumf %add3A, %min3A_231 : vector<8x3380xf32>
    %max3A_233 = vector.broadcast %get3A_221 : vector<8x1xf32> to vector<8x3380xf32>
    %max3A_234 = arith.maximumf %sub3A, %max3A_233 : vector<8x3380xf32>
    %sub3A_235 = arith.subf %min3A_232, %max3A_234 : vector<8x3380xf32>
    %max3A_236 = arith.constant 0.000000e+00 : f32
    %max3A_237 = vector.broadcast %max3A_236 : f32 to vector<8x3380xf32>
    %max3A_238 = arith.maximumf %sub3A_235, %max3A_237 : vector<8x3380xf32>
    %min3A_239 = vector.broadcast %get3A_230 : vector<8x1xf32> to vector<8x3380xf32>
    %min3A_240 = arith.minimumf %add3A_25, %min3A_239 : vector<8x3380xf32>
    %max3A_241 = vector.broadcast %get3A_224 : vector<8x1xf32> to vector<8x3380xf32>
    %max3A_242 = arith.maximumf %sub3A_21, %max3A_241 : vector<8x3380xf32>
    %sub3A_243 = arith.subf %min3A_240, %max3A_242 : vector<8x3380xf32>
    %max3A_244 = arith.constant 0.000000e+00 : f32
    %max3A_245 = vector.broadcast %max3A_244 : f32 to vector<8x3380xf32>
    %max3A_246 = arith.maximumf %sub3A_243, %max3A_245 : vector<8x3380xf32>
    %mul3A_247 = arith.mulf %max3A_238, %max3A_246 : vector<8x3380xf32>
    %sub3A_248 = arith.subf %get3A_227, %get3A_221 : vector<8x1xf32>
    %sub3A_249 = arith.subf %get3A_230, %get3A_224 : vector<8x1xf32>
    %mul3A_250 = arith.mulf %sub3A_248, %sub3A_249 : vector<8x1xf32>
    %mul3A_251 = arith.constant 3.000000e+00 : f32
    %mul3A_252 = vector.broadcast %mul3A_251 : f32 to vector<8x3380xf32>
    %mul3A_253 = arith.mulf %mul3A_252, %mul3A_247 : vector<8x3380xf32>
    %add3A_254 = vector.broadcast %mul3A_250 : vector<8x1xf32> to vector<8x3380xf32>
    %add3A_255 = arith.addf %mul3A_26, %add3A_254 : vector<8x3380xf32>
    %gt3A_256 = arith.cmpf ogt, %mul3A_253, %add3A_255 : vector<8x3380xf32>
    %or3A_257 = arith.ori %or3A_218, %gt3A_256 : vector<8x3380xi1>
    %get3A_258 = arith.constant 0 : index
    %get3A_259 = arith.constant 6 : index
    %get3A_260 = vector.load %arg6[%get3A_258, %get3A_259] : memref<8x10xf32, #tpu.memory_space<vmem>>, vector<8x1xf32>
    %get3A_261 = arith.constant 0 : index
    %get3A_262 = arith.constant 6 : index
    %get3A_263 = vector.load %arg7[%get3A_261, %get3A_262] : memref<8x10xf32, #tpu.memory_space<vmem>>, vector<8x1xf32>
    %get3A_264 = arith.constant 0 : index
    %get3A_265 = arith.constant 6 : index
    %get3A_266 = vector.load %arg8[%get3A_264, %get3A_265] : memref<8x10xf32, #tpu.memory_space<vmem>>, vector<8x1xf32>
    %get3A_267 = arith.constant 0 : index
    %get3A_268 = arith.constant 6 : index
    %get3A_269 = vector.load %arg9[%get3A_267, %get3A_268] : memref<8x10xf32, #tpu.memory_space<vmem>>, vector<8x1xf32>
    %min3A_270 = vector.broadcast %get3A_266 : vector<8x1xf32> to vector<8x3380xf32>
    %min3A_271 = arith.minimumf %add3A, %min3A_270 : vector<8x3380xf32>
    %max3A_272 = vector.broadcast %get3A_260 : vector<8x1xf32> to vector<8x3380xf32>
    %max3A_273 = arith.maximumf %sub3A, %max3A_272 : vector<8x3380xf32>
    %sub3A_274 = arith.subf %min3A_271, %max3A_273 : vector<8x3380xf32>
    %max3A_275 = arith.constant 0.000000e+00 : f32
    %max3A_276 = vector.broadcast %max3A_275 : f32 to vector<8x3380xf32>
    %max3A_277 = arith.maximumf %sub3A_274, %max3A_276 : vector<8x3380xf32>
    %min3A_278 = vector.broadcast %get3A_269 : vector<8x1xf32> to vector<8x3380xf32>
    %min3A_279 = arith.minimumf %add3A_25, %min3A_278 : vector<8x3380xf32>
    %max3A_280 = vector.broadcast %get3A_263 : vector<8x1xf32> to vector<8x3380xf32>
    %max3A_281 = arith.maximumf %sub3A_21, %max3A_280 : vector<8x3380xf32>
    %sub3A_282 = arith.subf %min3A_279, %max3A_281 : vector<8x3380xf32>
    %max3A_283 = arith.constant 0.000000e+00 : f32
    %max3A_284 = vector.broadcast %max3A_283 : f32 to vector<8x3380xf32>
    %max3A_285 = arith.maximumf %sub3A_282, %max3A_284 : vector<8x3380xf32>
    %mul3A_286 = arith.mulf %max3A_277, %max3A_285 : vector<8x3380xf32>
    %sub3A_287 = arith.subf %get3A_266, %get3A_260 : vector<8x1xf32>
    %sub3A_288 = arith.subf %get3A_269, %get3A_263 : vector<8x1xf32>
    %mul3A_289 = arith.mulf %sub3A_287, %sub3A_288 : vector<8x1xf32>
    %mul3A_290 = arith.constant 3.000000e+00 : f32
    %mul3A_291 = vector.broadcast %mul3A_290 : f32 to vector<8x3380xf32>
    %mul3A_292 = arith.mulf %mul3A_291, %mul3A_286 : vector<8x3380xf32>
    %add3A_293 = vector.broadcast %mul3A_289 : vector<8x1xf32> to vector<8x3380xf32>
    %add3A_294 = arith.addf %mul3A_26, %add3A_293 : vector<8x3380xf32>
    %gt3A_295 = arith.cmpf ogt, %mul3A_292, %add3A_294 : vector<8x3380xf32>
    %or3A_296 = arith.ori %or3A_257, %gt3A_295 : vector<8x3380xi1>
    %get3A_297 = arith.constant 0 : index
    %get3A_298 = arith.constant 7 : index
    %get3A_299 = vector.load %arg6[%get3A_297, %get3A_298] : memref<8x10xf32, #tpu.memory_space<vmem>>, vector<8x1xf32>
    %get3A_300 = arith.constant 0 : index
    %get3A_301 = arith.constant 7 : index
    %get3A_302 = vector.load %arg7[%get3A_300, %get3A_301] : memref<8x10xf32, #tpu.memory_space<vmem>>, vector<8x1xf32>
    %get3A_303 = arith.constant 0 : index
    %get3A_304 = arith.constant 7 : index
    %get3A_305 = vector.load %arg8[%get3A_303, %get3A_304] : memref<8x10xf32, #tpu.memory_space<vmem>>, vector<8x1xf32>
    %get3A_306 = arith.constant 0 : index
    %get3A_307 = arith.constant 7 : index
    %get3A_308 = vector.load %arg9[%get3A_306, %get3A_307] : memref<8x10xf32, #tpu.memory_space<vmem>>, vector<8x1xf32>
    %min3A_309 = vector.broadcast %get3A_305 : vector<8x1xf32> to vector<8x3380xf32>
    %min3A_310 = arith.minimumf %add3A, %min3A_309 : vector<8x3380xf32>
    %max3A_311 = vector.broadcast %get3A_299 : vector<8x1xf32> to vector<8x3380xf32>
    %max3A_312 = arith.maximumf %sub3A, %max3A_311 : vector<8x3380xf32>
    %sub3A_313 = arith.subf %min3A_310, %max3A_312 : vector<8x3380xf32>
    %max3A_314 = arith.constant 0.000000e+00 : f32
    %max3A_315 = vector.broadcast %max3A_314 : f32 to vector<8x3380xf32>
    %max3A_316 = arith.maximumf %sub3A_313, %max3A_315 : vector<8x3380xf32>
    %min3A_317 = vector.broadcast %get3A_308 : vector<8x1xf32> to vector<8x3380xf32>
    %min3A_318 = arith.minimumf %add3A_25, %min3A_317 : vector<8x3380xf32>
    %max3A_319 = vector.broadcast %get3A_302 : vector<8x1xf32> to vector<8x3380xf32>
    %max3A_320 = arith.maximumf %sub3A_21, %max3A_319 : vector<8x3380xf32>
    %sub3A_321 = arith.subf %min3A_318, %max3A_320 : vector<8x3380xf32>
    %max3A_322 = arith.constant 0.000000e+00 : f32
    %max3A_323 = vector.broadcast %max3A_322 : f32 to vector<8x3380xf32>
    %max3A_324 = arith.maximumf %sub3A_321, %max3A_323 : vector<8x3380xf32>
    %mul3A_325 = arith.mulf %max3A_316, %max3A_324 : vector<8x3380xf32>
    %sub3A_326 = arith.subf %get3A_305, %get3A_299 : vector<8x1xf32>
    %sub3A_327 = arith.subf %get3A_308, %get3A_302 : vector<8x1xf32>
    %mul3A_328 = arith.mulf %sub3A_326, %sub3A_327 : vector<8x1xf32>
    %mul3A_329 = arith.constant 3.000000e+00 : f32
    %mul3A_330 = vector.broadcast %mul3A_329 : f32 to vector<8x3380xf32>
    %mul3A_331 = arith.mulf %mul3A_330, %mul3A_325 : vector<8x3380xf32>
    %add3A_332 = vector.broadcast %mul3A_328 : vector<8x1xf32> to vector<8x3380xf32>
    %add3A_333 = arith.addf %mul3A_26, %add3A_332 : vector<8x3380xf32>
    %gt3A_334 = arith.cmpf ogt, %mul3A_331, %add3A_333 : vector<8x3380xf32>
    %or3A_335 = arith.ori %or3A_296, %gt3A_334 : vector<8x3380xi1>
    %get3A_336 = arith.constant 0 : index
    %get3A_337 = arith.constant 8 : index
    %get3A_338 = vector.load %arg6[%get3A_336, %get3A_337] : memref<8x10xf32, #tpu.memory_space<vmem>>, vector<8x1xf32>
    %get3A_339 = arith.constant 0 : index
    %get3A_340 = arith.constant 8 : index
    %get3A_341 = vector.load %arg7[%get3A_339, %get3A_340] : memref<8x10xf32, #tpu.memory_space<vmem>>, vector<8x1xf32>
    %get3A_342 = arith.constant 0 : index
    %get3A_343 = arith.constant 8 : index
    %get3A_344 = vector.load %arg8[%get3A_342, %get3A_343] : memref<8x10xf32, #tpu.memory_space<vmem>>, vector<8x1xf32>
    %get3A_345 = arith.constant 0 : index
    %get3A_346 = arith.constant 8 : index
    %get3A_347 = vector.load %arg9[%get3A_345, %get3A_346] : memref<8x10xf32, #tpu.memory_space<vmem>>, vector<8x1xf32>
    %min3A_348 = vector.broadcast %get3A_344 : vector<8x1xf32> to vector<8x3380xf32>
    %min3A_349 = arith.minimumf %add3A, %min3A_348 : vector<8x3380xf32>
    %max3A_350 = vector.broadcast %get3A_338 : vector<8x1xf32> to vector<8x3380xf32>
    %max3A_351 = arith.maximumf %sub3A, %max3A_350 : vector<8x3380xf32>
    %sub3A_352 = arith.subf %min3A_349, %max3A_351 : vector<8x3380xf32>
    %max3A_353 = arith.constant 0.000000e+00 : f32
    %max3A_354 = vector.broadcast %max3A_353 : f32 to vector<8x3380xf32>
    %max3A_355 = arith.maximumf %sub3A_352, %max3A_354 : vector<8x3380xf32>
    %min3A_356 = vector.broadcast %get3A_347 : vector<8x1xf32> to vector<8x3380xf32>
    %min3A_357 = arith.minimumf %add3A_25, %min3A_356 : vector<8x3380xf32>
    %max3A_358 = vector.broadcast %get3A_341 : vector<8x1xf32> to vector<8x3380xf32>
    %max3A_359 = arith.maximumf %sub3A_21, %max3A_358 : vector<8x3380xf32>
    %sub3A_360 = arith.subf %min3A_357, %max3A_359 : vector<8x3380xf32>
    %max3A_361 = arith.constant 0.000000e+00 : f32
    %max3A_362 = vector.broadcast %max3A_361 : f32 to vector<8x3380xf32>
    %max3A_363 = arith.maximumf %sub3A_360, %max3A_362 : vector<8x3380xf32>
    %mul3A_364 = arith.mulf %max3A_355, %max3A_363 : vector<8x3380xf32>
    %sub3A_365 = arith.subf %get3A_344, %get3A_338 : vector<8x1xf32>
    %sub3A_366 = arith.subf %get3A_347, %get3A_341 : vector<8x1xf32>
    %mul3A_367 = arith.mulf %sub3A_365, %sub3A_366 : vector<8x1xf32>
    %mul3A_368 = arith.constant 3.000000e+00 : f32
    %mul3A_369 = vector.broadcast %mul3A_368 : f32 to vector<8x3380xf32>
    %mul3A_370 = arith.mulf %mul3A_369, %mul3A_364 : vector<8x3380xf32>
    %add3A_371 = vector.broadcast %mul3A_367 : vector<8x1xf32> to vector<8x3380xf32>
    %add3A_372 = arith.addf %mul3A_26, %add3A_371 : vector<8x3380xf32>
    %gt3A_373 = arith.cmpf ogt, %mul3A_370, %add3A_372 : vector<8x3380xf32>
    %or3A_374 = arith.ori %or3A_335, %gt3A_373 : vector<8x3380xi1>
    %get3A_375 = arith.constant 0 : index
    %get3A_376 = arith.constant 9 : index
    %get3A_377 = vector.load %arg6[%get3A_375, %get3A_376] : memref<8x10xf32, #tpu.memory_space<vmem>>, vector<8x1xf32>
    %get3A_378 = arith.constant 0 : index
    %get3A_379 = arith.constant 9 : index
    %get3A_380 = vector.load %arg7[%get3A_378, %get3A_379] : memref<8x10xf32, #tpu.memory_space<vmem>>, vector<8x1xf32>
    %get3A_381 = arith.constant 0 : index
    %get3A_382 = arith.constant 9 : index
    %get3A_383 = vector.load %arg8[%get3A_381, %get3A_382] : memref<8x10xf32, #tpu.memory_space<vmem>>, vector<8x1xf32>
    %get3A_384 = arith.constant 0 : index
    %get3A_385 = arith.constant 9 : index
    %get3A_386 = vector.load %arg9[%get3A_384, %get3A_385] : memref<8x10xf32, #tpu.memory_space<vmem>>, vector<8x1xf32>
    %min3A_387 = vector.broadcast %get3A_383 : vector<8x1xf32> to vector<8x3380xf32>
    %min3A_388 = arith.minimumf %add3A, %min3A_387 : vector<8x3380xf32>
    %max3A_389 = vector.broadcast %get3A_377 : vector<8x1xf32> to vector<8x3380xf32>
    %max3A_390 = arith.maximumf %sub3A, %max3A_389 : vector<8x3380xf32>
    %sub3A_391 = arith.subf %min3A_388, %max3A_390 : vector<8x3380xf32>
    %max3A_392 = arith.constant 0.000000e+00 : f32
    %max3A_393 = vector.broadcast %max3A_392 : f32 to vector<8x3380xf32>
    %max3A_394 = arith.maximumf %sub3A_391, %max3A_393 : vector<8x3380xf32>
    %min3A_395 = vector.broadcast %get3A_386 : vector<8x1xf32> to vector<8x3380xf32>
    %min3A_396 = arith.minimumf %add3A_25, %min3A_395 : vector<8x3380xf32>
    %max3A_397 = vector.broadcast %get3A_380 : vector<8x1xf32> to vector<8x3380xf32>
    %max3A_398 = arith.maximumf %sub3A_21, %max3A_397 : vector<8x3380xf32>
    %sub3A_399 = arith.subf %min3A_396, %max3A_398 : vector<8x3380xf32>
    %max3A_400 = arith.constant 0.000000e+00 : f32
    %max3A_401 = vector.broadcast %max3A_400 : f32 to vector<8x3380xf32>
    %max3A_402 = arith.maximumf %sub3A_399, %max3A_401 : vector<8x3380xf32>
    %mul3A_403 = arith.mulf %max3A_394, %max3A_402 : vector<8x3380xf32>
    %sub3A_404 = arith.subf %get3A_383, %get3A_377 : vector<8x1xf32>
    %sub3A_405 = arith.subf %get3A_386, %get3A_380 : vector<8x1xf32>
    %mul3A_406 = arith.mulf %sub3A_404, %sub3A_405 : vector<8x1xf32>
    %mul3A_407 = arith.constant 3.000000e+00 : f32
    %mul3A_408 = vector.broadcast %mul3A_407 : f32 to vector<8x3380xf32>
    %mul3A_409 = arith.mulf %mul3A_408, %mul3A_403 : vector<8x3380xf32>
    %add3A_410 = vector.broadcast %mul3A_406 : vector<8x1xf32> to vector<8x3380xf32>
    %add3A_411 = arith.addf %mul3A_26, %add3A_410 : vector<8x3380xf32>
    %gt3A_412 = arith.cmpf ogt, %mul3A_409, %add3A_411 : vector<8x3380xf32>
    %or3A_413 = arith.ori %or3A_374, %gt3A_412 : vector<8x3380xi1>
    %get3A_414 = arith.constant 0 : index
    %get3A_415 = arith.constant 0 : index
    %get3A_416 = vector.load %arg5[%get3A_414, %get3A_415] : memref<8x3380xf32, #tpu.memory_space<vmem>>, vector<8x3380xf32>
    %get3A_417 = arith.constant 0 : index
    %get3A_418 = arith.constant 0 : index
    %get3A_419 = vector.load %arg10[%get3A_417, %get3A_418] : memref<1x1xf32, #tpu.memory_space<vmem>>, vector<1x1xf32>
    %mul3A_420 = arith.mulf %get3A_416, %get3A_416 : vector<8x3380xf32>
    %mul3A_421 = arith.constant 5.000000e-01 : f32
    %mul3A_422 = vector.broadcast %mul3A_421 : f32 to vector<8x3380xf32>
    %mul3A_423 = arith.mulf %mul3A_420, %mul3A_422 : vector<8x3380xf32>
    %jit3A = arith.constant 0.000000e+00 : f32
    %broadcast_in_dim3A_424 = vector.broadcast %jit3A : f32 to vector<8x3380xf32>
    %select_n3A = arith.select %or3A_413, %broadcast_in_dim3A_424, %mul3A_423 : vector<8x3380xi1>, vector<8x3380xf32>
    %reduce_sum3A = vector.shape_cast %select_n3A : vector<8x3380xf32> to vector<1x8x3380xf32>
    %reduce_sum3A_425 = arith.constant dense<0.000000e+00> : vector<1xf32>
    %reduce_sum3A_426 = vector.multi_reduction <add>, %reduce_sum3A, %reduce_sum3A_425 [1, 2] : vector<1x8x3380xf32> to vector<1xf32>
    %reduce_sum3A_427 = vector.shape_cast %reduce_sum3A_426 : vector<1xf32> to vector<1x1x1xf32>
    %reduce_sum3A_428 = vector.extract %reduce_sum3A_427[0, 0, 0] : f32 from vector<1x1x1xf32>
    %reshape3A = vector.broadcast %reduce_sum3A_428 : f32 to vector<1x1xf32>
    %add3A_429 = arith.addf %get3A_419, %reshape3A : vector<1x1xf32>
    %swap3A = arith.constant 0 : index
    %swap3A_430 = arith.constant 0 : index
    %swap3A_431 = vector.load %arg10[%swap3A, %swap3A_430] : memref<1x1xf32, #tpu.memory_space<vmem>>, vector<1x1xf32>
    tpu.vector_store %arg10[%swap3A, %swap3A_430], %add3A_429 {strides = array<i32>} : memref<1x1xf32, #tpu.memory_space<vmem>>, vector<1x1xf32>,
    return
  }
  func.func @transform_0(%arg0: i32) -> (i32, i32) {
    %c0_i32 = arith.constant 0 : i32
    %c0_i32_0 = arith.constant 0 : i32
    return %arg0, %c0_i32 : i32, i32
  }
  func.func @transform_1(%arg0: i32) -> (i32, i32) {
    %c0_i32 = arith.constant 0 : i32
    %c0_i32_0 = arith.constant 0 : i32
    return %arg0, %c0_i32 : i32, i32
  }
  func.func @transform_2(%arg0: i32) -> (i32, i32) {
    %c0_i32 = arith.constant 0 : i32
    %c0_i32_0 = arith.constant 0 : i32
    return %arg0, %c0_i32 : i32, i32
  }
  func.func @transform_3(%arg0: i32) -> (i32, i32) {
    %c0_i32 = arith.constant 0 : i32
    %c0_i32_0 = arith.constant 0 : i32
    return %arg0, %c0_i32 : i32, i32
  }
  func.func @transform_4(%arg0: i32) -> (i32, i32) {
    %c0_i32 = arith.constant 0 : i32
    %c0_i32_0 = arith.constant 0 : i32
    return %arg0, %c0_i32 : i32, i32
  }
  func.func @transform_5(%arg0: i32) -> (i32, i32) {
    %c0_i32 = arith.constant 0 : i32
    %c0_i32_0 = arith.constant 0 : i32
    return %arg0, %c0_i32 : i32, i32
  }
  func.func @transform_6(%arg0: i32) -> (i32, i32) {
    %c0_i32 = arith.constant 0 : i32
    %c0_i32_0 = arith.constant 0 : i32
    return %arg0, %c0_i32 : i32, i32
  }
  func.func @transform_7(%arg0: i32) -> (i32, i32) {
    %c0_i32 = arith.constant 0 : i32
    %c0_i32_0 = arith.constant 0 : i32
    return %arg0, %c0_i32 : i32, i32
  }
  func.func @transform_8(%arg0: i32) -> (i32, i32) {
    %c0_i32 = arith.constant 0 : i32
    %c0_i32_0 = arith.constant 0 : i32
    return %arg0, %c0_i32 : i32, i32
  }
  func.func @transform_9(%arg0: i32) -> (i32, i32) {
    %c0_i32 = arith.constant 0 : i32
    %c0_i32_0 = arith.constant 0 : i32
    %c0_i32_1 = arith.constant 0 : i32
    return %c0_i32, %c0_i32_0 : i32, i32
  }
}

module attributes {stable_mosaic.version = 14 : i64} {
  func.func @_class_body(%arg0: i32, %arg1: memref<1x676x5x80xf32, #tpu.memory_space<vmem>>, %arg2: memref<1x16x16xf32, #tpu.memory_space<smem>>, %arg3: memref<1x1xf32, #tpu.memory_space<vmem>>) attributes {dimension_semantics = [#tpu.dimension_semantics<arbitrary>], iteration_bounds = array<i64: 64>, scalar_prefetch = 0 : i64, scratch_operands = 0 : i64, tpu.core_type = #tpu.core_type<tc>, window_params = [{transform_indices = @transform_0, window_bounds = array<i64: 1, 676, 5, 80>}, {transform_indices = @transform_1, window_bounds = array<i64: 1, 16, 16>}, {pipeline_mode = #tpu.pipeline_mode<synchronous>, transform_indices = @transform_2, window_bounds = array<i64: 1, 1>}]} {
    %eq3A = arith.constant 0 : i32
    %eq3A_0 = arith.cmpi eq, %arg0, %eq3A : i32
    %convert_element_type3A = arith.extui %eq3A_0 : i1 to i32
    %cond3A = arith.constant 0 : i32
    %cond3A_1 = arith.cmpi ne, %convert_element_type3A, %cond3A : i32
    scf.if %cond3A_1 {
      %broadcast_in_dim3A_296 = arith.constant 0.000000e+00 : f32
      %broadcast_in_dim3A_297 = vector.broadcast %broadcast_in_dim3A_296 : f32 to vector<1x1xf32>
      %swap3A_298 = arith.constant 0 : index
      %swap3A_299 = arith.constant 0 : index
      %swap3A_300 = vector.load %arg3[%swap3A_298, %swap3A_299] : memref<1x1xf32, #tpu.memory_space<vmem>>, vector<1x1xf32>
      tpu.vector_store %arg3[%swap3A_298, %swap3A_299], %broadcast_in_dim3A_297 {strides = array<i32>} : memref<1x1xf32, #tpu.memory_space<vmem>>, vector<1x1xf32>,
    } else {
    }
    %get3A = arith.constant 0 : index
    %get3A_2 = arith.constant 0 : index
    %get3A_3 = arith.constant 0 : index
    %get3A_4 = memref.load %arg2[%get3A, %get3A_2, %get3A_3] : memref<1x16x16xf32, #tpu.memory_space<smem>>
    %get3A_5 = arith.constant 0 : index
    %get3A_6 = arith.constant 11 : index
    %get3A_7 = arith.constant 0 : index
    %get3A_8 = memref.load %arg2[%get3A_5, %get3A_6, %get3A_7] : memref<1x16x16xf32, #tpu.memory_space<smem>>
    %convert_element_type3A_9 = arith.fptosi %get3A_8 : f32 to i32
    %get3A_10 = arith.constant 0 : index
    %get3A_11 = arith.constant 12 : index
    %get3A_12 = arith.constant 0 : index
    %get3A_13 = memref.load %arg2[%get3A_10, %get3A_11, %get3A_12] : memref<1x16x16xf32, #tpu.memory_space<smem>>
    %convert_element_type3A_14 = arith.fptosi %get3A_13 : f32 to i32
    %get3A_15 = arith.constant 0 : index
    %get3A_16 = arith.constant 7 : index
    %get3A_17 = arith.constant 0 : index
    %get3A_18 = memref.load %arg2[%get3A_15, %get3A_16, %get3A_17] : memref<1x16x16xf32, #tpu.memory_space<smem>>
    %get3A_19 = arith.constant 0 : index
    %get3A_20 = arith.index_cast %convert_element_type3A_9 : i32 to index
    %get3A_21 = arith.index_cast %convert_element_type3A_14 : i32 to index
    %get3A_22 = arith.constant 0 : index
    %get3A_23 = vector.load %arg1[%get3A_19, %get3A_20, %get3A_21, %get3A_22] : memref<1x676x5x80xf32, #tpu.memory_space<vmem>>, vector<1x1x1x80xf32>
    %get3A_24 = vector.shape_cast %get3A_23 : vector<1x1x1x80xf32> to vector<1x1x80xf32>
    %reshape3A = vector.shape_cast %get3A_24 : vector<1x1x80xf32> to vector<1x80xf32>
    %get3A_25 = arith.constant 0 : index
    %get3A_26 = arith.constant 0 : index
    %get3A_27 = arith.constant 1 : index
    %get3A_28 = memref.load %arg2[%get3A_25, %get3A_26, %get3A_27] : memref<1x16x16xf32, #tpu.memory_space<smem>>
    %get3A_29 = arith.constant 0 : index
    %get3A_30 = arith.constant 11 : index
    %get3A_31 = arith.constant 1 : index
    %get3A_32 = memref.load %arg2[%get3A_29, %get3A_30, %get3A_31] : memref<1x16x16xf32, #tpu.memory_space<smem>>
    %convert_element_type3A_33 = arith.fptosi %get3A_32 : f32 to i32
    %get3A_34 = arith.constant 0 : index
    %get3A_35 = arith.constant 12 : index
    %get3A_36 = arith.constant 1 : index
    %get3A_37 = memref.load %arg2[%get3A_34, %get3A_35, %get3A_36] : memref<1x16x16xf32, #tpu.memory_space<smem>>
    %convert_element_type3A_38 = arith.fptosi %get3A_37 : f32 to i32
    %get3A_39 = arith.constant 0 : index
    %get3A_40 = arith.constant 7 : index
    %get3A_41 = arith.constant 1 : index
    %get3A_42 = memref.load %arg2[%get3A_39, %get3A_40, %get3A_41] : memref<1x16x16xf32, #tpu.memory_space<smem>>
    %get3A_43 = arith.constant 0 : index
    %get3A_44 = arith.index_cast %convert_element_type3A_33 : i32 to index
    %get3A_45 = arith.index_cast %convert_element_type3A_38 : i32 to index
    %get3A_46 = arith.constant 0 : index
    %get3A_47 = vector.load %arg1[%get3A_43, %get3A_44, %get3A_45, %get3A_46] : memref<1x676x5x80xf32, #tpu.memory_space<vmem>>, vector<1x1x1x80xf32>
    %get3A_48 = vector.shape_cast %get3A_47 : vector<1x1x1x80xf32> to vector<1x1x80xf32>
    %reshape3A_49 = vector.shape_cast %get3A_48 : vector<1x1x80xf32> to vector<1x80xf32>
    %get3A_50 = arith.constant 0 : index
    %get3A_51 = arith.constant 0 : index
    %get3A_52 = arith.constant 2 : index
    %get3A_53 = memref.load %arg2[%get3A_50, %get3A_51, %get3A_52] : memref<1x16x16xf32, #tpu.memory_space<smem>>
    %get3A_54 = arith.constant 0 : index
    %get3A_55 = arith.constant 11 : index
    %get3A_56 = arith.constant 2 : index
    %get3A_57 = memref.load %arg2[%get3A_54, %get3A_55, %get3A_56] : memref<1x16x16xf32, #tpu.memory_space<smem>>
    %convert_element_type3A_58 = arith.fptosi %get3A_57 : f32 to i32
    %get3A_59 = arith.constant 0 : index
    %get3A_60 = arith.constant 12 : index
    %get3A_61 = arith.constant 2 : index
    %get3A_62 = memref.load %arg2[%get3A_59, %get3A_60, %get3A_61] : memref<1x16x16xf32, #tpu.memory_space<smem>>
    %convert_element_type3A_63 = arith.fptosi %get3A_62 : f32 to i32
    %get3A_64 = arith.constant 0 : index
    %get3A_65 = arith.constant 7 : index
    %get3A_66 = arith.constant 2 : index
    %get3A_67 = memref.load %arg2[%get3A_64, %get3A_65, %get3A_66] : memref<1x16x16xf32, #tpu.memory_space<smem>>
    %get3A_68 = arith.constant 0 : index
    %get3A_69 = arith.index_cast %convert_element_type3A_58 : i32 to index
    %get3A_70 = arith.index_cast %convert_element_type3A_63 : i32 to index
    %get3A_71 = arith.constant 0 : index
    %get3A_72 = vector.load %arg1[%get3A_68, %get3A_69, %get3A_70, %get3A_71] : memref<1x676x5x80xf32, #tpu.memory_space<vmem>>, vector<1x1x1x80xf32>
    %get3A_73 = vector.shape_cast %get3A_72 : vector<1x1x1x80xf32> to vector<1x1x80xf32>
    %reshape3A_74 = vector.shape_cast %get3A_73 : vector<1x1x80xf32> to vector<1x80xf32>
    %get3A_75 = arith.constant 0 : index
    %get3A_76 = arith.constant 0 : index
    %get3A_77 = arith.constant 3 : index
    %get3A_78 = memref.load %arg2[%get3A_75, %get3A_76, %get3A_77] : memref<1x16x16xf32, #tpu.memory_space<smem>>
    %get3A_79 = arith.constant 0 : index
    %get3A_80 = arith.constant 11 : index
    %get3A_81 = arith.constant 3 : index
    %get3A_82 = memref.load %arg2[%get3A_79, %get3A_80, %get3A_81] : memref<1x16x16xf32, #tpu.memory_space<smem>>
    %convert_element_type3A_83 = arith.fptosi %get3A_82 : f32 to i32
    %get3A_84 = arith.constant 0 : index
    %get3A_85 = arith.constant 12 : index
    %get3A_86 = arith.constant 3 : index
    %get3A_87 = memref.load %arg2[%get3A_84, %get3A_85, %get3A_86] : memref<1x16x16xf32, #tpu.memory_space<smem>>
    %convert_element_type3A_88 = arith.fptosi %get3A_87 : f32 to i32
    %get3A_89 = arith.constant 0 : index
    %get3A_90 = arith.constant 7 : index
    %get3A_91 = arith.constant 3 : index
    %get3A_92 = memref.load %arg2[%get3A_89, %get3A_90, %get3A_91] : memref<1x16x16xf32, #tpu.memory_space<smem>>
    %get3A_93 = arith.constant 0 : index
    %get3A_94 = arith.index_cast %convert_element_type3A_83 : i32 to index
    %get3A_95 = arith.index_cast %convert_element_type3A_88 : i32 to index
    %get3A_96 = arith.constant 0 : index
    %get3A_97 = vector.load %arg1[%get3A_93, %get3A_94, %get3A_95, %get3A_96] : memref<1x676x5x80xf32, #tpu.memory_space<vmem>>, vector<1x1x1x80xf32>
    %get3A_98 = vector.shape_cast %get3A_97 : vector<1x1x1x80xf32> to vector<1x1x80xf32>
    %reshape3A_99 = vector.shape_cast %get3A_98 : vector<1x1x80xf32> to vector<1x80xf32>
    %get3A_100 = arith.constant 0 : index
    %get3A_101 = arith.constant 0 : index
    %get3A_102 = arith.constant 4 : index
    %get3A_103 = memref.load %arg2[%get3A_100, %get3A_101, %get3A_102] : memref<1x16x16xf32, #tpu.memory_space<smem>>
    %get3A_104 = arith.constant 0 : index
    %get3A_105 = arith.constant 11 : index
    %get3A_106 = arith.constant 4 : index
    %get3A_107 = memref.load %arg2[%get3A_104, %get3A_105, %get3A_106] : memref<1x16x16xf32, #tpu.memory_space<smem>>
    %convert_element_type3A_108 = arith.fptosi %get3A_107 : f32 to i32
    %get3A_109 = arith.constant 0 : index
    %get3A_110 = arith.constant 12 : index
    %get3A_111 = arith.constant 4 : index
    %get3A_112 = memref.load %arg2[%get3A_109, %get3A_110, %get3A_111] : memref<1x16x16xf32, #tpu.memory_space<smem>>
    %convert_element_type3A_113 = arith.fptosi %get3A_112 : f32 to i32
    %get3A_114 = arith.constant 0 : index
    %get3A_115 = arith.constant 7 : index
    %get3A_116 = arith.constant 4 : index
    %get3A_117 = memref.load %arg2[%get3A_114, %get3A_115, %get3A_116] : memref<1x16x16xf32, #tpu.memory_space<smem>>
    %get3A_118 = arith.constant 0 : index
    %get3A_119 = arith.index_cast %convert_element_type3A_108 : i32 to index
    %get3A_120 = arith.index_cast %convert_element_type3A_113 : i32 to index
    %get3A_121 = arith.constant 0 : index
    %get3A_122 = vector.load %arg1[%get3A_118, %get3A_119, %get3A_120, %get3A_121] : memref<1x676x5x80xf32, #tpu.memory_space<vmem>>, vector<1x1x1x80xf32>
    %get3A_123 = vector.shape_cast %get3A_122 : vector<1x1x1x80xf32> to vector<1x1x80xf32>
    %reshape3A_124 = vector.shape_cast %get3A_123 : vector<1x1x80xf32> to vector<1x80xf32>
    %get3A_125 = arith.constant 0 : index
    %get3A_126 = arith.constant 0 : index
    %get3A_127 = arith.constant 5 : index
    %get3A_128 = memref.load %arg2[%get3A_125, %get3A_126, %get3A_127] : memref<1x16x16xf32, #tpu.memory_space<smem>>
    %get3A_129 = arith.constant 0 : index
    %get3A_130 = arith.constant 11 : index
    %get3A_131 = arith.constant 5 : index
    %get3A_132 = memref.load %arg2[%get3A_129, %get3A_130, %get3A_131] : memref<1x16x16xf32, #tpu.memory_space<smem>>
    %convert_element_type3A_133 = arith.fptosi %get3A_132 : f32 to i32
    %get3A_134 = arith.constant 0 : index
    %get3A_135 = arith.constant 12 : index
    %get3A_136 = arith.constant 5 : index
    %get3A_137 = memref.load %arg2[%get3A_134, %get3A_135, %get3A_136] : memref<1x16x16xf32, #tpu.memory_space<smem>>
    %convert_element_type3A_138 = arith.fptosi %get3A_137 : f32 to i32
    %get3A_139 = arith.constant 0 : index
    %get3A_140 = arith.constant 7 : index
    %get3A_141 = arith.constant 5 : index
    %get3A_142 = memref.load %arg2[%get3A_139, %get3A_140, %get3A_141] : memref<1x16x16xf32, #tpu.memory_space<smem>>
    %get3A_143 = arith.constant 0 : index
    %get3A_144 = arith.index_cast %convert_element_type3A_133 : i32 to index
    %get3A_145 = arith.index_cast %convert_element_type3A_138 : i32 to index
    %get3A_146 = arith.constant 0 : index
    %get3A_147 = vector.load %arg1[%get3A_143, %get3A_144, %get3A_145, %get3A_146] : memref<1x676x5x80xf32, #tpu.memory_space<vmem>>, vector<1x1x1x80xf32>
    %get3A_148 = vector.shape_cast %get3A_147 : vector<1x1x1x80xf32> to vector<1x1x80xf32>
    %reshape3A_149 = vector.shape_cast %get3A_148 : vector<1x1x80xf32> to vector<1x80xf32>
    %get3A_150 = arith.constant 0 : index
    %get3A_151 = arith.constant 0 : index
    %get3A_152 = arith.constant 6 : index
    %get3A_153 = memref.load %arg2[%get3A_150, %get3A_151, %get3A_152] : memref<1x16x16xf32, #tpu.memory_space<smem>>
    %get3A_154 = arith.constant 0 : index
    %get3A_155 = arith.constant 11 : index
    %get3A_156 = arith.constant 6 : index
    %get3A_157 = memref.load %arg2[%get3A_154, %get3A_155, %get3A_156] : memref<1x16x16xf32, #tpu.memory_space<smem>>
    %convert_element_type3A_158 = arith.fptosi %get3A_157 : f32 to i32
    %get3A_159 = arith.constant 0 : index
    %get3A_160 = arith.constant 12 : index
    %get3A_161 = arith.constant 6 : index
    %get3A_162 = memref.load %arg2[%get3A_159, %get3A_160, %get3A_161] : memref<1x16x16xf32, #tpu.memory_space<smem>>
    %convert_element_type3A_163 = arith.fptosi %get3A_162 : f32 to i32
    %get3A_164 = arith.constant 0 : index
    %get3A_165 = arith.constant 7 : index
    %get3A_166 = arith.constant 6 : index
    %get3A_167 = memref.load %arg2[%get3A_164, %get3A_165, %get3A_166] : memref<1x16x16xf32, #tpu.memory_space<smem>>
    %get3A_168 = arith.constant 0 : index
    %get3A_169 = arith.index_cast %convert_element_type3A_158 : i32 to index
    %get3A_170 = arith.index_cast %convert_element_type3A_163 : i32 to index
    %get3A_171 = arith.constant 0 : index
    %get3A_172 = vector.load %arg1[%get3A_168, %get3A_169, %get3A_170, %get3A_171] : memref<1x676x5x80xf32, #tpu.memory_space<vmem>>, vector<1x1x1x80xf32>
    %get3A_173 = vector.shape_cast %get3A_172 : vector<1x1x1x80xf32> to vector<1x1x80xf32>
    %reshape3A_174 = vector.shape_cast %get3A_173 : vector<1x1x80xf32> to vector<1x80xf32>
    %get3A_175 = arith.constant 0 : index
    %get3A_176 = arith.constant 0 : index
    %get3A_177 = arith.constant 7 : index
    %get3A_178 = memref.load %arg2[%get3A_175, %get3A_176, %get3A_177] : memref<1x16x16xf32, #tpu.memory_space<smem>>
    %get3A_179 = arith.constant 0 : index
    %get3A_180 = arith.constant 11 : index
    %get3A_181 = arith.constant 7 : index
    %get3A_182 = memref.load %arg2[%get3A_179, %get3A_180, %get3A_181] : memref<1x16x16xf32, #tpu.memory_space<smem>>
    %convert_element_type3A_183 = arith.fptosi %get3A_182 : f32 to i32
    %get3A_184 = arith.constant 0 : index
    %get3A_185 = arith.constant 12 : index
    %get3A_186 = arith.constant 7 : index
    %get3A_187 = memref.load %arg2[%get3A_184, %get3A_185, %get3A_186] : memref<1x16x16xf32, #tpu.memory_space<smem>>
    %convert_element_type3A_188 = arith.fptosi %get3A_187 : f32 to i32
    %get3A_189 = arith.constant 0 : index
    %get3A_190 = arith.constant 7 : index
    %get3A_191 = arith.constant 7 : index
    %get3A_192 = memref.load %arg2[%get3A_189, %get3A_190, %get3A_191] : memref<1x16x16xf32, #tpu.memory_space<smem>>
    %get3A_193 = arith.constant 0 : index
    %get3A_194 = arith.index_cast %convert_element_type3A_183 : i32 to index
    %get3A_195 = arith.index_cast %convert_element_type3A_188 : i32 to index
    %get3A_196 = arith.constant 0 : index
    %get3A_197 = vector.load %arg1[%get3A_193, %get3A_194, %get3A_195, %get3A_196] : memref<1x676x5x80xf32, #tpu.memory_space<vmem>>, vector<1x1x1x80xf32>
    %get3A_198 = vector.shape_cast %get3A_197 : vector<1x1x1x80xf32> to vector<1x1x80xf32>
    %reshape3A_199 = vector.shape_cast %get3A_198 : vector<1x1x80xf32> to vector<1x80xf32>
    %get3A_200 = arith.constant 0 : index
    %get3A_201 = arith.constant 0 : index
    %get3A_202 = arith.constant 8 : index
    %get3A_203 = memref.load %arg2[%get3A_200, %get3A_201, %get3A_202] : memref<1x16x16xf32, #tpu.memory_space<smem>>
    %get3A_204 = arith.constant 0 : index
    %get3A_205 = arith.constant 11 : index
    %get3A_206 = arith.constant 8 : index
    %get3A_207 = memref.load %arg2[%get3A_204, %get3A_205, %get3A_206] : memref<1x16x16xf32, #tpu.memory_space<smem>>
    %convert_element_type3A_208 = arith.fptosi %get3A_207 : f32 to i32
    %get3A_209 = arith.constant 0 : index
    %get3A_210 = arith.constant 12 : index
    %get3A_211 = arith.constant 8 : index
    %get3A_212 = memref.load %arg2[%get3A_209, %get3A_210, %get3A_211] : memref<1x16x16xf32, #tpu.memory_space<smem>>
    %convert_element_type3A_213 = arith.fptosi %get3A_212 : f32 to i32
    %get3A_214 = arith.constant 0 : index
    %get3A_215 = arith.constant 7 : index
    %get3A_216 = arith.constant 8 : index
    %get3A_217 = memref.load %arg2[%get3A_214, %get3A_215, %get3A_216] : memref<1x16x16xf32, #tpu.memory_space<smem>>
    %get3A_218 = arith.constant 0 : index
    %get3A_219 = arith.index_cast %convert_element_type3A_208 : i32 to index
    %get3A_220 = arith.index_cast %convert_element_type3A_213 : i32 to index
    %get3A_221 = arith.constant 0 : index
    %get3A_222 = vector.load %arg1[%get3A_218, %get3A_219, %get3A_220, %get3A_221] : memref<1x676x5x80xf32, #tpu.memory_space<vmem>>, vector<1x1x1x80xf32>
    %get3A_223 = vector.shape_cast %get3A_222 : vector<1x1x1x80xf32> to vector<1x1x80xf32>
    %reshape3A_224 = vector.shape_cast %get3A_223 : vector<1x1x80xf32> to vector<1x80xf32>
    %get3A_225 = arith.constant 0 : index
    %get3A_226 = arith.constant 0 : index
    %get3A_227 = arith.constant 9 : index
    %get3A_228 = memref.load %arg2[%get3A_225, %get3A_226, %get3A_227] : memref<1x16x16xf32, #tpu.memory_space<smem>>
    %get3A_229 = arith.constant 0 : index
    %get3A_230 = arith.constant 11 : index
    %get3A_231 = arith.constant 9 : index
    %get3A_232 = memref.load %arg2[%get3A_229, %get3A_230, %get3A_231] : memref<1x16x16xf32, #tpu.memory_space<smem>>
    %convert_element_type3A_233 = arith.fptosi %get3A_232 : f32 to i32
    %get3A_234 = arith.constant 0 : index
    %get3A_235 = arith.constant 12 : index
    %get3A_236 = arith.constant 9 : index
    %get3A_237 = memref.load %arg2[%get3A_234, %get3A_235, %get3A_236] : memref<1x16x16xf32, #tpu.memory_space<smem>>
    %convert_element_type3A_238 = arith.fptosi %get3A_237 : f32 to i32
    %get3A_239 = arith.constant 0 : index
    %get3A_240 = arith.constant 7 : index
    %get3A_241 = arith.constant 9 : index
    %get3A_242 = memref.load %arg2[%get3A_239, %get3A_240, %get3A_241] : memref<1x16x16xf32, #tpu.memory_space<smem>>
    %get3A_243 = arith.constant 0 : index
    %get3A_244 = arith.index_cast %convert_element_type3A_233 : i32 to index
    %get3A_245 = arith.index_cast %convert_element_type3A_238 : i32 to index
    %get3A_246 = arith.constant 0 : index
    %get3A_247 = vector.load %arg1[%get3A_243, %get3A_244, %get3A_245, %get3A_246] : memref<1x676x5x80xf32, #tpu.memory_space<vmem>>, vector<1x1x1x80xf32>
    %get3A_248 = vector.shape_cast %get3A_247 : vector<1x1x1x80xf32> to vector<1x1x80xf32>
    %reshape3A_249 = vector.shape_cast %get3A_248 : vector<1x1x80xf32> to vector<1x80xf32>
    %concatenate3A = tpu.concatenate %reshape3A, %reshape3A_49, %reshape3A_74, %reshape3A_99, %reshape3A_124, %reshape3A_149, %reshape3A_174, %reshape3A_199, %reshape3A_224, %reshape3A_249 in 0 : vector<1x80xf32>, vector<1x80xf32>, vector<1x80xf32>, vector<1x80xf32>, vector<1x80xf32>, vector<1x80xf32>, vector<1x80xf32>, vector<1x80xf32>, vector<1x80xf32>, vector<1x80xf32> -> vector<10x80xf32>
    %stack3A = vector.broadcast %get3A_4 : f32 to vector<1xf32>
    %stack3A_250 = vector.broadcast %get3A_28 : f32 to vector<1xf32>
    %stack3A_251 = vector.broadcast %get3A_53 : f32 to vector<1xf32>
    %stack3A_252 = vector.broadcast %get3A_78 : f32 to vector<1xf32>
    %stack3A_253 = vector.broadcast %get3A_103 : f32 to vector<1xf32>
    %stack3A_254 = vector.broadcast %get3A_128 : f32 to vector<1xf32>
    %stack3A_255 = vector.broadcast %get3A_153 : f32 to vector<1xf32>
    %stack3A_256 = vector.broadcast %get3A_178 : f32 to vector<1xf32>
    %stack3A_257 = vector.broadcast %get3A_203 : f32 to vector<1xf32>
    %stack3A_258 = vector.broadcast %get3A_228 : f32 to vector<1xf32>
    %stack3A_259 = tpu.concatenate %stack3A, %stack3A_250, %stack3A_251, %stack3A_252, %stack3A_253, %stack3A_254, %stack3A_255, %stack3A_256, %stack3A_257, %stack3A_258 in 0 : vector<1xf32>, vector<1xf32>, vector<1xf32>, vector<1xf32>, vector<1xf32>, vector<1xf32>, vector<1xf32>, vector<1xf32>, vector<1xf32>, vector<1xf32> -> vector<10xf32>
    %reshape3A_260 = vector.shape_cast %stack3A_259 : vector<10xf32> to vector<10x1xf32>
    %stack3A_261 = vector.broadcast %get3A_18 : f32 to vector<1xf32>
    %stack3A_262 = vector.broadcast %get3A_42 : f32 to vector<1xf32>
    %stack3A_263 = vector.broadcast %get3A_67 : f32 to vector<1xf32>
    %stack3A_264 = vector.broadcast %get3A_92 : f32 to vector<1xf32>
    %stack3A_265 = vector.broadcast %get3A_117 : f32 to vector<1xf32>
    %stack3A_266 = vector.broadcast %get3A_142 : f32 to vector<1xf32>
    %stack3A_267 = vector.broadcast %get3A_167 : f32 to vector<1xf32>
    %stack3A_268 = vector.broadcast %get3A_192 : f32 to vector<1xf32>
    %stack3A_269 = vector.broadcast %get3A_217 : f32 to vector<1xf32>
    %stack3A_270 = vector.broadcast %get3A_242 : f32 to vector<1xf32>
    %stack3A_271 = tpu.concatenate %stack3A_261, %stack3A_262, %stack3A_263, %stack3A_264, %stack3A_265, %stack3A_266, %stack3A_267, %stack3A_268, %stack3A_269, %stack3A_270 in 0 : vector<1xf32>, vector<1xf32>, vector<1xf32>, vector<1xf32>, vector<1xf32>, vector<1xf32>, vector<1xf32>, vector<1xf32>, vector<1xf32>, vector<1xf32> -> vector<10xf32>
    %reshape3A_272 = vector.shape_cast %stack3A_271 : vector<10xf32> to vector<10x1xf32>
    %convert_element_type3A_273 = arith.fptosi %reshape3A_272 : vector<10x1xf32> to vector<10x1xi32>
    %reduce_max3A = arith.constant dense<0xFF800000> : vector<10xf32>
    %reduce_max3A_274 = vector.multi_reduction <maximumf>, %concatenate3A, %reduce_max3A [1] : vector<10x80xf32> to vector<10xf32>
    %broadcast_in_dim3A = vector.shape_cast %reduce_max3A_274 : vector<10xf32> to vector<10x1xf32>
    %squeeze3A = vector.shape_cast %broadcast_in_dim3A : vector<10x1xf32> to vector<10xf32>
    %sub3A = vector.broadcast %broadcast_in_dim3A : vector<10x1xf32> to vector<10x80xf32>
    %sub3A_275 = arith.subf %concatenate3A, %sub3A : vector<10x80xf32>
    %exp3A = math.exp %sub3A_275 : vector<10x80xf32>
    %reduce_sum3A = arith.constant dense<0.000000e+00> : vector<10xf32>
    %reduce_sum3A_276 = vector.multi_reduction <add>, %exp3A, %reduce_sum3A [1] : vector<10x80xf32> to vector<10xf32>
    %log3A = math.log %reduce_sum3A_276 : vector<10xf32>
    %add3A = arith.addf %squeeze3A, %log3A : vector<10xf32>
    %iota3A = tpu.iota {dimensions = array<i32: 1>} : vector<10x80xi32>
    %eq3A_277 = vector.broadcast %convert_element_type3A_273 : vector<10x1xi32> to vector<10x80xi32>
    %eq3A_278 = arith.cmpi eq, %iota3A, %eq3A_277 : vector<10x80xi32>
    %jit3A = arith.constant 0.000000e+00 : f32
    %broadcast_in_dim3A_279 = vector.broadcast %jit3A : f32 to vector<10x80xf32>
    %select_n3A = arith.select %eq3A_278, %concatenate3A, %broadcast_in_dim3A_279 : vector<10x80xi1>, vector<10x80xf32>
    %reduce_sum3A_280 = arith.constant dense<0.000000e+00> : vector<10xf32>
    %reduce_sum3A_281 = vector.multi_reduction <add>, %select_n3A, %reduce_sum3A_280 [1] : vector<10x80xf32> to vector<10xf32>
    %get3A_282 = arith.constant 0 : index
    %get3A_283 = arith.constant 0 : index
    %get3A_284 = vector.load %arg3[%get3A_282, %get3A_283] : memref<1x1xf32, #tpu.memory_space<vmem>>, vector<1x1xf32>
    %squeeze3A_285 = vector.shape_cast %reshape3A_260 : vector<10x1xf32> to vector<10xf32>
    %sub3A_286 = arith.subf %add3A, %reduce_sum3A_281 : vector<10xf32>
    %mul3A = arith.mulf %squeeze3A_285, %sub3A_286 : vector<10xf32>
    %reduce_sum3A_287 = vector.shape_cast %mul3A : vector<10xf32> to vector<1x10xf32>
    %reduce_sum3A_288 = arith.constant dense<0.000000e+00> : vector<1xf32>
    %reduce_sum3A_289 = vector.multi_reduction <add>, %reduce_sum3A_287, %reduce_sum3A_288 [1] : vector<1x10xf32> to vector<1xf32>
    %reduce_sum3A_290 = vector.shape_cast %reduce_sum3A_289 : vector<1xf32> to vector<1x1xf32>
    %reduce_sum3A_291 = vector.extract %reduce_sum3A_290[0, 0] : f32 from vector<1x1xf32>
    %reshape3A_292 = vector.broadcast %reduce_sum3A_291 : f32 to vector<1x1xf32>
    %add3A_293 = arith.addf %get3A_284, %reshape3A_292 : vector<1x1xf32>
    %swap3A = arith.constant 0 : index
    %swap3A_294 = arith.constant 0 : index
    %swap3A_295 = vector.load %arg3[%swap3A, %swap3A_294] : memref<1x1xf32, #tpu.memory_space<vmem>>, vector<1x1xf32>
    tpu.vector_store %arg3[%swap3A, %swap3A_294], %add3A_293 {strides = array<i32>} : memref<1x1xf32, #tpu.memory_space<vmem>>, vector<1x1xf32>,
    return
  }
  func.func @transform_0(%arg0: i32) -> (i32, i32, i32, i32) {
    %c0_i32 = arith.constant 0 : i32
    %c0_i32_0 = arith.constant 0 : i32
    %c0_i32_1 = arith.constant 0 : i32
    %c0_i32_2 = arith.constant 0 : i32
    return %arg0, %c0_i32, %c0_i32_0, %c0_i32_1 : i32, i32, i32, i32
  }
  func.func @transform_1(%arg0: i32) -> (i32, i32, i32) {
    %c0_i32 = arith.constant 0 : i32
    %c0_i32_0 = arith.constant 0 : i32
    %c0_i32_1 = arith.constant 0 : i32
    return %arg0, %c0_i32, %c0_i32_0 : i32, i32, i32
  }
  func.func @transform_2(%arg0: i32) -> (i32, i32) {
    %c0_i32 = arith.constant 0 : i32
    %c0_i32_0 = arith.constant 0 : i32
    %c0_i32_1 = arith.constant 0 : i32
    return %c0_i32, %c0_i32_0 : i32, i32
  }
}

module attributes {stable_mosaic.version = 14 : i64} {
  func.func @_final_body(%arg0: memref<64x16xf32, #tpu.memory_space<vmem>>, %arg1: memref<64x16xf32, #tpu.memory_space<vmem>>, %arg2: memref<64x16xf32, #tpu.memory_space<vmem>>, %arg3: memref<64x16xf32, #tpu.memory_space<vmem>>, %arg4: memref<64x16xf32, #tpu.memory_space<vmem>>, %arg5: memref<64x16xf32, #tpu.memory_space<vmem>>, %arg6: memref<64x16xf32, #tpu.memory_space<vmem>>, %arg7: memref<64x16xf32, #tpu.memory_space<vmem>>, %arg8: memref<64x16xf32, #tpu.memory_space<vmem>>, %arg9: memref<64x16x128xf32, #tpu.memory_space<vmem>>, %arg10: memref<64x16x128xf32, #tpu.memory_space<vmem>>, %arg11: memref<64x16x128xf32, #tpu.memory_space<vmem>>, %arg12: memref<64x10xf32, #tpu.memory_space<vmem>>, %arg13: memref<64x10xf32, #tpu.memory_space<vmem>>, %arg14: memref<64x10xf32, #tpu.memory_space<vmem>>, %arg15: memref<64x10xf32, #tpu.memory_space<vmem>>, %arg16: memref<1x1xf32, #tpu.memory_space<vmem>>) attributes {dimension_semantics = [], scalar_prefetch = 0 : i64, scratch_operands = 0 : i64, tpu.core_type = #tpu.core_type<tc>} {
    %get3A = arith.constant 0 : index
    %get3A_0 = arith.constant 0 : index
    %get3A_1 = vector.load %arg0[%get3A, %get3A_0] : memref<64x16xf32, #tpu.memory_space<vmem>>, vector<64x16xf32>
    %iota3A = tpu.iota {dimensions = array<i32: 2>} : vector<64x16x128xi32>
    %get3A_2 = arith.constant 0 : index
    %get3A_3 = arith.constant 0 : index
    %get3A_4 = vector.load %arg7[%get3A_2, %get3A_3] : memref<64x16xf32, #tpu.memory_space<vmem>>, vector<64x16xf32>
    %convert_element_type3A = arith.fptosi %get3A_4 : vector<64x16xf32> to vector<64x16xi32>
    %mul3A = arith.constant 4 : i32
    %mul3A_5 = vector.broadcast %mul3A : i32 to vector<64x16xi32>
    %mul3A_6 = arith.muli %mul3A_5, %convert_element_type3A : vector<64x16xi32>
    %get3A_7 = arith.constant 0 : index
    %get3A_8 = arith.constant 0 : index
    %get3A_9 = arith.constant 0 : index
    %get3A_10 = vector.load %arg9[%get3A_7, %get3A_8, %get3A_9] : memref<64x16x128xf32, #tpu.memory_space<vmem>>, vector<64x16x128xf32>
    %get3A_11 = arith.constant 0 : index
    %get3A_12 = arith.constant 0 : index
    %get3A_13 = arith.constant 0 : index
    %get3A_14 = vector.load %arg10[%get3A_11, %get3A_12, %get3A_13] : memref<64x16x128xf32, #tpu.memory_space<vmem>>, vector<64x16x128xf32>
    %add3A = arith.constant 0 : i32
    %add3A_15 = vector.broadcast %add3A : i32 to vector<64x16xi32>
    %add3A_16 = arith.addi %mul3A_6, %add3A_15 : vector<64x16xi32>
    %broadcast_in_dim3A = vector.shape_cast %add3A_16 : vector<64x16xi32> to vector<64x16x1xi32>
    %eq3A = vector.broadcast %broadcast_in_dim3A : vector<64x16x1xi32> to vector<64x16x128xi32>
    %eq3A_17 = arith.cmpi eq, %iota3A, %eq3A : vector<64x16x128xi32>
    %jit3A = arith.constant 0.000000e+00 : f32
    %broadcast_in_dim3A_18 = vector.broadcast %jit3A : f32 to vector<64x16x128xf32>
    %select_n3A = arith.select %eq3A_17, %get3A_10, %broadcast_in_dim3A_18 : vector<64x16x128xi1>, vector<64x16x128xf32>
    %reduce_sum3A = arith.constant dense<0.000000e+00> : vector<64x16xf32>
    %reduce_sum3A_19 = vector.multi_reduction <add>, %select_n3A, %reduce_sum3A [2] : vector<64x16x128xf32> to vector<64x16xf32>
    %add3A_20 = arith.constant 1 : i32
    %add3A_21 = vector.broadcast %add3A_20 : i32 to vector<64x16xi32>
    %add3A_22 = arith.addi %mul3A_6, %add3A_21 : vector<64x16xi32>
    %broadcast_in_dim3A_23 = vector.shape_cast %add3A_22 : vector<64x16xi32> to vector<64x16x1xi32>
    %eq3A_24 = vector.broadcast %broadcast_in_dim3A_23 : vector<64x16x1xi32> to vector<64x16x128xi32>
    %eq3A_25 = arith.cmpi eq, %iota3A, %eq3A_24 : vector<64x16x128xi32>
    %jit3A_26 = arith.constant 0.000000e+00 : f32
    %broadcast_in_dim3A_27 = vector.broadcast %jit3A_26 : f32 to vector<64x16x128xf32>
    %select_n3A_28 = arith.select %eq3A_25, %get3A_10, %broadcast_in_dim3A_27 : vector<64x16x128xi1>, vector<64x16x128xf32>
    %reduce_sum3A_29 = arith.constant dense<0.000000e+00> : vector<64x16xf32>
    %reduce_sum3A_30 = vector.multi_reduction <add>, %select_n3A_28, %reduce_sum3A_29 [2] : vector<64x16x128xf32> to vector<64x16xf32>
    %add3A_31 = arith.constant 2 : i32
    %add3A_32 = vector.broadcast %add3A_31 : i32 to vector<64x16xi32>
    %add3A_33 = arith.addi %mul3A_6, %add3A_32 : vector<64x16xi32>
    %broadcast_in_dim3A_34 = vector.shape_cast %add3A_33 : vector<64x16xi32> to vector<64x16x1xi32>
    %eq3A_35 = vector.broadcast %broadcast_in_dim3A_34 : vector<64x16x1xi32> to vector<64x16x128xi32>
    %eq3A_36 = arith.cmpi eq, %iota3A, %eq3A_35 : vector<64x16x128xi32>
    %jit3A_37 = arith.constant 0.000000e+00 : f32
    %broadcast_in_dim3A_38 = vector.broadcast %jit3A_37 : f32 to vector<64x16x128xf32>
    %select_n3A_39 = arith.select %eq3A_36, %get3A_10, %broadcast_in_dim3A_38 : vector<64x16x128xi1>, vector<64x16x128xf32>
    %reduce_sum3A_40 = arith.constant dense<0.000000e+00> : vector<64x16xf32>
    %reduce_sum3A_41 = vector.multi_reduction <add>, %select_n3A_39, %reduce_sum3A_40 [2] : vector<64x16x128xf32> to vector<64x16xf32>
    %add3A_42 = arith.constant 3 : i32
    %add3A_43 = vector.broadcast %add3A_42 : i32 to vector<64x16xi32>
    %add3A_44 = arith.addi %mul3A_6, %add3A_43 : vector<64x16xi32>
    %broadcast_in_dim3A_45 = vector.shape_cast %add3A_44 : vector<64x16xi32> to vector<64x16x1xi32>
    %eq3A_46 = vector.broadcast %broadcast_in_dim3A_45 : vector<64x16x1xi32> to vector<64x16x128xi32>
    %eq3A_47 = arith.cmpi eq, %iota3A, %eq3A_46 : vector<64x16x128xi32>
    %jit3A_48 = arith.constant 0.000000e+00 : f32
    %broadcast_in_dim3A_49 = vector.broadcast %jit3A_48 : f32 to vector<64x16x128xf32>
    %select_n3A_50 = arith.select %eq3A_47, %get3A_10, %broadcast_in_dim3A_49 : vector<64x16x128xi1>, vector<64x16x128xf32>
    %reduce_sum3A_51 = arith.constant dense<0.000000e+00> : vector<64x16xf32>
    %reduce_sum3A_52 = vector.multi_reduction <add>, %select_n3A_50, %reduce_sum3A_51 [2] : vector<64x16x128xf32> to vector<64x16xf32>
    %add3A_53 = arith.constant 0 : i32
    %add3A_54 = vector.broadcast %add3A_53 : i32 to vector<64x16xi32>
    %add3A_55 = arith.addi %mul3A_6, %add3A_54 : vector<64x16xi32>
    %broadcast_in_dim3A_56 = vector.shape_cast %add3A_55 : vector<64x16xi32> to vector<64x16x1xi32>
    %eq3A_57 = vector.broadcast %broadcast_in_dim3A_56 : vector<64x16x1xi32> to vector<64x16x128xi32>
    %eq3A_58 = arith.cmpi eq, %iota3A, %eq3A_57 : vector<64x16x128xi32>
    %jit3A_59 = arith.constant 0.000000e+00 : f32
    %broadcast_in_dim3A_60 = vector.broadcast %jit3A_59 : f32 to vector<64x16x128xf32>
    %select_n3A_61 = arith.select %eq3A_58, %get3A_14, %broadcast_in_dim3A_60 : vector<64x16x128xi1>, vector<64x16x128xf32>
    %reduce_sum3A_62 = arith.constant dense<0.000000e+00> : vector<64x16xf32>
    %reduce_sum3A_63 = vector.multi_reduction <add>, %select_n3A_61, %reduce_sum3A_62 [2] : vector<64x16x128xf32> to vector<64x16xf32>
    %add3A_64 = arith.constant 1 : i32
    %add3A_65 = vector.broadcast %add3A_64 : i32 to vector<64x16xi32>
    %add3A_66 = arith.addi %mul3A_6, %add3A_65 : vector<64x16xi32>
    %broadcast_in_dim3A_67 = vector.shape_cast %add3A_66 : vector<64x16xi32> to vector<64x16x1xi32>
    %eq3A_68 = vector.broadcast %broadcast_in_dim3A_67 : vector<64x16x1xi32> to vector<64x16x128xi32>
    %eq3A_69 = arith.cmpi eq, %iota3A, %eq3A_68 : vector<64x16x128xi32>
    %jit3A_70 = arith.constant 0.000000e+00 : f32
    %broadcast_in_dim3A_71 = vector.broadcast %jit3A_70 : f32 to vector<64x16x128xf32>
    %select_n3A_72 = arith.select %eq3A_69, %get3A_14, %broadcast_in_dim3A_71 : vector<64x16x128xi1>, vector<64x16x128xf32>
    %reduce_sum3A_73 = arith.constant dense<0.000000e+00> : vector<64x16xf32>
    %reduce_sum3A_74 = vector.multi_reduction <add>, %select_n3A_72, %reduce_sum3A_73 [2] : vector<64x16x128xf32> to vector<64x16xf32>
    %add3A_75 = arith.constant 2 : i32
    %add3A_76 = vector.broadcast %add3A_75 : i32 to vector<64x16xi32>
    %add3A_77 = arith.addi %mul3A_6, %add3A_76 : vector<64x16xi32>
    %broadcast_in_dim3A_78 = vector.shape_cast %add3A_77 : vector<64x16xi32> to vector<64x16x1xi32>
    %eq3A_79 = vector.broadcast %broadcast_in_dim3A_78 : vector<64x16x1xi32> to vector<64x16x128xi32>
    %eq3A_80 = arith.cmpi eq, %iota3A, %eq3A_79 : vector<64x16x128xi32>
    %jit3A_81 = arith.constant 0.000000e+00 : f32
    %broadcast_in_dim3A_82 = vector.broadcast %jit3A_81 : f32 to vector<64x16x128xf32>
    %select_n3A_83 = arith.select %eq3A_80, %get3A_14, %broadcast_in_dim3A_82 : vector<64x16x128xi1>, vector<64x16x128xf32>
    %reduce_sum3A_84 = arith.constant dense<0.000000e+00> : vector<64x16xf32>
    %reduce_sum3A_85 = vector.multi_reduction <add>, %select_n3A_83, %reduce_sum3A_84 [2] : vector<64x16x128xf32> to vector<64x16xf32>
    %add3A_86 = arith.constant 3 : i32
    %add3A_87 = vector.broadcast %add3A_86 : i32 to vector<64x16xi32>
    %add3A_88 = arith.addi %mul3A_6, %add3A_87 : vector<64x16xi32>
    %broadcast_in_dim3A_89 = vector.shape_cast %add3A_88 : vector<64x16xi32> to vector<64x16x1xi32>
    %eq3A_90 = vector.broadcast %broadcast_in_dim3A_89 : vector<64x16x1xi32> to vector<64x16x128xi32>
    %eq3A_91 = arith.cmpi eq, %iota3A, %eq3A_90 : vector<64x16x128xi32>
    %jit3A_92 = arith.constant 0.000000e+00 : f32
    %broadcast_in_dim3A_93 = vector.broadcast %jit3A_92 : f32 to vector<64x16x128xf32>
    %select_n3A_94 = arith.select %eq3A_91, %get3A_14, %broadcast_in_dim3A_93 : vector<64x16x128xi1>, vector<64x16x128xf32>
    %reduce_sum3A_95 = arith.constant dense<0.000000e+00> : vector<64x16xf32>
    %reduce_sum3A_96 = vector.multi_reduction <add>, %select_n3A_94, %reduce_sum3A_95 [2] : vector<64x16x128xf32> to vector<64x16xf32>
    %get3A_97 = arith.constant 0 : index
    %get3A_98 = arith.constant 0 : index
    %get3A_99 = vector.load %arg8[%get3A_97, %get3A_98] : memref<64x16xf32, #tpu.memory_space<vmem>>, vector<64x16xf32>
    %convert_element_type3A_100 = arith.fptosi %get3A_99 : vector<64x16xf32> to vector<64x16xi32>
    %broadcast_in_dim3A_101 = vector.shape_cast %convert_element_type3A_100 : vector<64x16xi32> to vector<64x16x1xi32>
    %eq3A_102 = vector.broadcast %broadcast_in_dim3A_101 : vector<64x16x1xi32> to vector<64x16x128xi32>
    %eq3A_103 = arith.cmpi eq, %iota3A, %eq3A_102 : vector<64x16x128xi32>
    %get3A_104 = arith.constant 0 : index
    %get3A_105 = arith.constant 0 : index
    %get3A_106 = arith.constant 0 : index
    %get3A_107 = vector.load %arg11[%get3A_104, %get3A_105, %get3A_106] : memref<64x16x128xf32, #tpu.memory_space<vmem>>, vector<64x16x128xf32>
    %jit3A_108 = arith.constant 0.000000e+00 : f32
    %broadcast_in_dim3A_109 = vector.broadcast %jit3A_108 : f32 to vector<64x16x128xf32>
    %select_n3A_110 = arith.select %eq3A_103, %get3A_107, %broadcast_in_dim3A_109 : vector<64x16x128xi1>, vector<64x16x128xf32>
    %reduce_sum3A_111 = arith.constant dense<0.000000e+00> : vector<64x16xf32>
    %reduce_sum3A_112 = vector.multi_reduction <add>, %select_n3A_110, %reduce_sum3A_111 [2] : vector<64x16x128xf32> to vector<64x16xf32>
    %logistic3A = arith.negf %reduce_sum3A_19 : vector<64x16xf32>
    %logistic3A_113 = math.exp %logistic3A : vector<64x16xf32>
    %logistic3A_114 = arith.constant 1.000000e+00 : f32
    %logistic3A_115 = vector.broadcast %logistic3A_114 : f32 to vector<64x16xf32>
    %logistic3A_116 = arith.addf %logistic3A_115, %logistic3A_113 : vector<64x16xf32>
    %logistic3A_117 = arith.divf %logistic3A_115, %logistic3A_116 : vector<64x16xf32>
    %logistic3A_118 = arith.negf %reduce_sum3A_30 : vector<64x16xf32>
    %logistic3A_119 = math.exp %logistic3A_118 : vector<64x16xf32>
    %logistic3A_120 = arith.constant 1.000000e+00 : f32
    %logistic3A_121 = vector.broadcast %logistic3A_120 : f32 to vector<64x16xf32>
    %logistic3A_122 = arith.addf %logistic3A_121, %logistic3A_119 : vector<64x16xf32>
    %logistic3A_123 = arith.divf %logistic3A_121, %logistic3A_122 : vector<64x16xf32>
    %get3A_124 = arith.constant 0 : index
    %get3A_125 = arith.constant 0 : index
    %get3A_126 = vector.load %arg3[%get3A_124, %get3A_125] : memref<64x16xf32, #tpu.memory_space<vmem>>, vector<64x16xf32>
    %get3A_127 = arith.constant 0 : index
    %get3A_128 = arith.constant 0 : index
    %get3A_129 = vector.load %arg5[%get3A_127, %get3A_128] : memref<64x16xf32, #tpu.memory_space<vmem>>, vector<64x16xf32>
    %div3A = arith.divf %get3A_126, %get3A_129 : vector<64x16xf32>
    %log3A = math.log %div3A : vector<64x16xf32>
    %get3A_130 = arith.constant 0 : index
    %get3A_131 = arith.constant 0 : index
    %get3A_132 = vector.load %arg4[%get3A_130, %get3A_131] : memref<64x16xf32, #tpu.memory_space<vmem>>, vector<64x16xf32>
    %get3A_133 = arith.constant 0 : index
    %get3A_134 = arith.constant 0 : index
    %get3A_135 = vector.load %arg6[%get3A_133, %get3A_134] : memref<64x16xf32, #tpu.memory_space<vmem>>, vector<64x16xf32>
    %div3A_136 = arith.divf %get3A_132, %get3A_135 : vector<64x16xf32>
    %log3A_137 = math.log %div3A_136 : vector<64x16xf32>
    %get3A_138 = arith.constant 0 : index
    %get3A_139 = arith.constant 0 : index
    %get3A_140 = vector.load %arg1[%get3A_138, %get3A_139] : memref<64x16xf32, #tpu.memory_space<vmem>>, vector<64x16xf32>
    %sub3A = arith.subf %logistic3A_117, %get3A_140 : vector<64x16xf32>
    %integer_pow3A = arith.mulf %sub3A, %sub3A : vector<64x16xf32>
    %get3A_141 = arith.constant 0 : index
    %get3A_142 = arith.constant 0 : index
    %get3A_143 = vector.load %arg2[%get3A_141, %get3A_142] : memref<64x16xf32, #tpu.memory_space<vmem>>, vector<64x16xf32>
    %sub3A_144 = arith.subf %logistic3A_123, %get3A_143 : vector<64x16xf32>
    %integer_pow3A_145 = arith.mulf %sub3A_144, %sub3A_144 : vector<64x16xf32>
    %add3A_146 = arith.addf %integer_pow3A, %integer_pow3A_145 : vector<64x16xf32>
    %sub3A_147 = arith.subf %reduce_sum3A_41, %log3A : vector<64x16xf32>
    %integer_pow3A_148 = arith.mulf %sub3A_147, %sub3A_147 : vector<64x16xf32>
    %add3A_149 = arith.addf %add3A_146, %integer_pow3A_148 : vector<64x16xf32>
    %sub3A_150 = arith.subf %reduce_sum3A_52, %log3A_137 : vector<64x16xf32>
    %integer_pow3A_151 = arith.mulf %sub3A_150, %sub3A_150 : vector<64x16xf32>
    %add3A_152 = arith.addf %add3A_149, %integer_pow3A_151 : vector<64x16xf32>
    %mul3A_153 = arith.mulf %get3A_1, %add3A_152 : vector<64x16xf32>
    %reduce_sum3A_154 = vector.shape_cast %mul3A_153 : vector<64x16xf32> to vector<1x64x16xf32>
    %reduce_sum3A_155 = arith.constant dense<0.000000e+00> : vector<1xf32>
    %reduce_sum3A_156 = vector.multi_reduction <add>, %reduce_sum3A_154, %reduce_sum3A_155 [1, 2] : vector<1x64x16xf32> to vector<1xf32>
    %reduce_sum3A_157 = vector.shape_cast %reduce_sum3A_156 : vector<1xf32> to vector<1x1x1xf32>
    %reduce_sum3A_158 = vector.extract %reduce_sum3A_157[0, 0, 0] : f32 from vector<1x1x1xf32>
    %mul3A_159 = arith.constant 5.000000e-01 : f32
    %mul3A_160 = arith.mulf %reduce_sum3A_158, %mul3A_159 : f32
    %mul3A_161 = arith.constant 5.000000e-01 : f32
    %mul3A_162 = vector.broadcast %mul3A_161 : f32 to vector<64x16xf32>
    %mul3A_163 = arith.mulf %reduce_sum3A_85, %mul3A_162 : vector<64x16xf32>
    %sub3A_164 = arith.subf %reduce_sum3A_63, %mul3A_163 : vector<64x16xf32>
    %mul3A_165 = arith.constant 5.000000e-01 : f32
    %mul3A_166 = vector.broadcast %mul3A_165 : f32 to vector<64x16xf32>
    %mul3A_167 = arith.mulf %reduce_sum3A_85, %mul3A_166 : vector<64x16xf32>
    %add3A_168 = arith.addf %reduce_sum3A_63, %mul3A_167 : vector<64x16xf32>
    %mul3A_169 = arith.constant 5.000000e-01 : f32
    %mul3A_170 = vector.broadcast %mul3A_169 : f32 to vector<64x16xf32>
    %mul3A_171 = arith.mulf %reduce_sum3A_96, %mul3A_170 : vector<64x16xf32>
    %sub3A_172 = arith.subf %reduce_sum3A_74, %mul3A_171 : vector<64x16xf32>
    %mul3A_173 = arith.constant 5.000000e-01 : f32
    %mul3A_174 = vector.broadcast %mul3A_173 : f32 to vector<64x16xf32>
    %mul3A_175 = arith.mulf %reduce_sum3A_96, %mul3A_174 : vector<64x16xf32>
    %add3A_176 = arith.addf %reduce_sum3A_74, %mul3A_175 : vector<64x16xf32>
    %mul3A_177 = arith.mulf %reduce_sum3A_85, %reduce_sum3A_96 : vector<64x16xf32>
    %broadcast_in_dim3A_178 = arith.constant false
    %broadcast_in_dim3A_179 = vector.broadcast %broadcast_in_dim3A_178 : i1 to vector<64x16xi1>
    %get3A_180 = arith.constant 0 : index
    %get3A_181 = arith.constant 0 : index
    %get3A_182 = vector.load %arg12[%get3A_180, %get3A_181] : memref<64x10xf32, #tpu.memory_space<vmem>>, vector<64x1xf32>
    %get3A_183 = arith.constant 0 : index
    %get3A_184 = arith.constant 0 : index
    %get3A_185 = vector.load %arg13[%get3A_183, %get3A_184] : memref<64x10xf32, #tpu.memory_space<vmem>>, vector<64x1xf32>
    %get3A_186 = arith.constant 0 : index
    %get3A_187 = arith.constant 0 : index
    %get3A_188 = vector.load %arg14[%get3A_186, %get3A_187] : memref<64x10xf32, #tpu.memory_space<vmem>>, vector<64x1xf32>
    %get3A_189 = arith.constant 0 : index
    %get3A_190 = arith.constant 0 : index
    %get3A_191 = vector.load %arg15[%get3A_189, %get3A_190] : memref<64x10xf32, #tpu.memory_space<vmem>>, vector<64x1xf32>
    %min3A = vector.broadcast %get3A_188 : vector<64x1xf32> to vector<64x16xf32>
    %min3A_192 = arith.minimumf %add3A_168, %min3A : vector<64x16xf32>
    %max3A = vector.broadcast %get3A_182 : vector<64x1xf32> to vector<64x16xf32>
    %max3A_193 = arith.maximumf %sub3A_164, %max3A : vector<64x16xf32>
    %sub3A_194 = arith.subf %min3A_192, %max3A_193 : vector<64x16xf32>
    %max3A_195 = arith.constant 0.000000e+00 : f32
    %max3A_196 = vector.broadcast %max3A_195 : f32 to vector<64x16xf32>
    %max3A_197 = arith.maximumf %sub3A_194, %max3A_196 : vector<64x16xf32>
    %min3A_198 = vector.broadcast %get3A_191 : vector<64x1xf32> to vector<64x16xf32>
    %min3A_199 = arith.minimumf %add3A_176, %min3A_198 : vector<64x16xf32>
    %max3A_200 = vector.broadcast %get3A_185 : vector<64x1xf32> to vector<64x16xf32>
    %max3A_201 = arith.maximumf %sub3A_172, %max3A_200 : vector<64x16xf32>
    %sub3A_202 = arith.subf %min3A_199, %max3A_201 : vector<64x16xf32>
    %max3A_203 = arith.constant 0.000000e+00 : f32
    %max3A_204 = vector.broadcast %max3A_203 : f32 to vector<64x16xf32>
    %max3A_205 = arith.maximumf %sub3A_202, %max3A_204 : vector<64x16xf32>
    %mul3A_206 = arith.mulf %max3A_197, %max3A_205 : vector<64x16xf32>
    %sub3A_207 = arith.subf %get3A_188, %get3A_182 : vector<64x1xf32>
    %sub3A_208 = arith.subf %get3A_191, %get3A_185 : vector<64x1xf32>
    %mul3A_209 = arith.mulf %sub3A_207, %sub3A_208 : vector<64x1xf32>
    %mul3A_210 = arith.constant 3.000000e+00 : f32
    %mul3A_211 = vector.broadcast %mul3A_210 : f32 to vector<64x16xf32>
    %mul3A_212 = arith.mulf %mul3A_211, %mul3A_206 : vector<64x16xf32>
    %add3A_213 = vector.broadcast %mul3A_209 : vector<64x1xf32> to vector<64x16xf32>
    %add3A_214 = arith.addf %mul3A_177, %add3A_213 : vector<64x16xf32>
    %gt3A = arith.cmpf ogt, %mul3A_212, %add3A_214 : vector<64x16xf32>
    %or3A = arith.ori %broadcast_in_dim3A_179, %gt3A : vector<64x16xi1>
    %get3A_215 = arith.constant 0 : index
    %get3A_216 = arith.constant 1 : index
    %get3A_217 = vector.load %arg12[%get3A_215, %get3A_216] : memref<64x10xf32, #tpu.memory_space<vmem>>, vector<64x1xf32>
    %get3A_218 = arith.constant 0 : index
    %get3A_219 = arith.constant 1 : index
    %get3A_220 = vector.load %arg13[%get3A_218, %get3A_219] : memref<64x10xf32, #tpu.memory_space<vmem>>, vector<64x1xf32>
    %get3A_221 = arith.constant 0 : index
    %get3A_222 = arith.constant 1 : index
    %get3A_223 = vector.load %arg14[%get3A_221, %get3A_222] : memref<64x10xf32, #tpu.memory_space<vmem>>, vector<64x1xf32>
    %get3A_224 = arith.constant 0 : index
    %get3A_225 = arith.constant 1 : index
    %get3A_226 = vector.load %arg15[%get3A_224, %get3A_225] : memref<64x10xf32, #tpu.memory_space<vmem>>, vector<64x1xf32>
    %min3A_227 = vector.broadcast %get3A_223 : vector<64x1xf32> to vector<64x16xf32>
    %min3A_228 = arith.minimumf %add3A_168, %min3A_227 : vector<64x16xf32>
    %max3A_229 = vector.broadcast %get3A_217 : vector<64x1xf32> to vector<64x16xf32>
    %max3A_230 = arith.maximumf %sub3A_164, %max3A_229 : vector<64x16xf32>
    %sub3A_231 = arith.subf %min3A_228, %max3A_230 : vector<64x16xf32>
    %max3A_232 = arith.constant 0.000000e+00 : f32
    %max3A_233 = vector.broadcast %max3A_232 : f32 to vector<64x16xf32>
    %max3A_234 = arith.maximumf %sub3A_231, %max3A_233 : vector<64x16xf32>
    %min3A_235 = vector.broadcast %get3A_226 : vector<64x1xf32> to vector<64x16xf32>
    %min3A_236 = arith.minimumf %add3A_176, %min3A_235 : vector<64x16xf32>
    %max3A_237 = vector.broadcast %get3A_220 : vector<64x1xf32> to vector<64x16xf32>
    %max3A_238 = arith.maximumf %sub3A_172, %max3A_237 : vector<64x16xf32>
    %sub3A_239 = arith.subf %min3A_236, %max3A_238 : vector<64x16xf32>
    %max3A_240 = arith.constant 0.000000e+00 : f32
    %max3A_241 = vector.broadcast %max3A_240 : f32 to vector<64x16xf32>
    %max3A_242 = arith.maximumf %sub3A_239, %max3A_241 : vector<64x16xf32>
    %mul3A_243 = arith.mulf %max3A_234, %max3A_242 : vector<64x16xf32>
    %sub3A_244 = arith.subf %get3A_223, %get3A_217 : vector<64x1xf32>
    %sub3A_245 = arith.subf %get3A_226, %get3A_220 : vector<64x1xf32>
    %mul3A_246 = arith.mulf %sub3A_244, %sub3A_245 : vector<64x1xf32>
    %mul3A_247 = arith.constant 3.000000e+00 : f32
    %mul3A_248 = vector.broadcast %mul3A_247 : f32 to vector<64x16xf32>
    %mul3A_249 = arith.mulf %mul3A_248, %mul3A_243 : vector<64x16xf32>
    %add3A_250 = vector.broadcast %mul3A_246 : vector<64x1xf32> to vector<64x16xf32>
    %add3A_251 = arith.addf %mul3A_177, %add3A_250 : vector<64x16xf32>
    %gt3A_252 = arith.cmpf ogt, %mul3A_249, %add3A_251 : vector<64x16xf32>
    %or3A_253 = arith.ori %or3A, %gt3A_252 : vector<64x16xi1>
    %get3A_254 = arith.constant 0 : index
    %get3A_255 = arith.constant 2 : index
    %get3A_256 = vector.load %arg12[%get3A_254, %get3A_255] : memref<64x10xf32, #tpu.memory_space<vmem>>, vector<64x1xf32>
    %get3A_257 = arith.constant 0 : index
    %get3A_258 = arith.constant 2 : index
    %get3A_259 = vector.load %arg13[%get3A_257, %get3A_258] : memref<64x10xf32, #tpu.memory_space<vmem>>, vector<64x1xf32>
    %get3A_260 = arith.constant 0 : index
    %get3A_261 = arith.constant 2 : index
    %get3A_262 = vector.load %arg14[%get3A_260, %get3A_261] : memref<64x10xf32, #tpu.memory_space<vmem>>, vector<64x1xf32>
    %get3A_263 = arith.constant 0 : index
    %get3A_264 = arith.constant 2 : index
    %get3A_265 = vector.load %arg15[%get3A_263, %get3A_264] : memref<64x10xf32, #tpu.memory_space<vmem>>, vector<64x1xf32>
    %min3A_266 = vector.broadcast %get3A_262 : vector<64x1xf32> to vector<64x16xf32>
    %min3A_267 = arith.minimumf %add3A_168, %min3A_266 : vector<64x16xf32>
    %max3A_268 = vector.broadcast %get3A_256 : vector<64x1xf32> to vector<64x16xf32>
    %max3A_269 = arith.maximumf %sub3A_164, %max3A_268 : vector<64x16xf32>
    %sub3A_270 = arith.subf %min3A_267, %max3A_269 : vector<64x16xf32>
    %max3A_271 = arith.constant 0.000000e+00 : f32
    %max3A_272 = vector.broadcast %max3A_271 : f32 to vector<64x16xf32>
    %max3A_273 = arith.maximumf %sub3A_270, %max3A_272 : vector<64x16xf32>
    %min3A_274 = vector.broadcast %get3A_265 : vector<64x1xf32> to vector<64x16xf32>
    %min3A_275 = arith.minimumf %add3A_176, %min3A_274 : vector<64x16xf32>
    %max3A_276 = vector.broadcast %get3A_259 : vector<64x1xf32> to vector<64x16xf32>
    %max3A_277 = arith.maximumf %sub3A_172, %max3A_276 : vector<64x16xf32>
    %sub3A_278 = arith.subf %min3A_275, %max3A_277 : vector<64x16xf32>
    %max3A_279 = arith.constant 0.000000e+00 : f32
    %max3A_280 = vector.broadcast %max3A_279 : f32 to vector<64x16xf32>
    %max3A_281 = arith.maximumf %sub3A_278, %max3A_280 : vector<64x16xf32>
    %mul3A_282 = arith.mulf %max3A_273, %max3A_281 : vector<64x16xf32>
    %sub3A_283 = arith.subf %get3A_262, %get3A_256 : vector<64x1xf32>
    %sub3A_284 = arith.subf %get3A_265, %get3A_259 : vector<64x1xf32>
    %mul3A_285 = arith.mulf %sub3A_283, %sub3A_284 : vector<64x1xf32>
    %mul3A_286 = arith.constant 3.000000e+00 : f32
    %mul3A_287 = vector.broadcast %mul3A_286 : f32 to vector<64x16xf32>
    %mul3A_288 = arith.mulf %mul3A_287, %mul3A_282 : vector<64x16xf32>
    %add3A_289 = vector.broadcast %mul3A_285 : vector<64x1xf32> to vector<64x16xf32>
    %add3A_290 = arith.addf %mul3A_177, %add3A_289 : vector<64x16xf32>
    %gt3A_291 = arith.cmpf ogt, %mul3A_288, %add3A_290 : vector<64x16xf32>
    %or3A_292 = arith.ori %or3A_253, %gt3A_291 : vector<64x16xi1>
    %get3A_293 = arith.constant 0 : index
    %get3A_294 = arith.constant 3 : index
    %get3A_295 = vector.load %arg12[%get3A_293, %get3A_294] : memref<64x10xf32, #tpu.memory_space<vmem>>, vector<64x1xf32>
    %get3A_296 = arith.constant 0 : index
    %get3A_297 = arith.constant 3 : index
    %get3A_298 = vector.load %arg13[%get3A_296, %get3A_297] : memref<64x10xf32, #tpu.memory_space<vmem>>, vector<64x1xf32>
    %get3A_299 = arith.constant 0 : index
    %get3A_300 = arith.constant 3 : index
    %get3A_301 = vector.load %arg14[%get3A_299, %get3A_300] : memref<64x10xf32, #tpu.memory_space<vmem>>, vector<64x1xf32>
    %get3A_302 = arith.constant 0 : index
    %get3A_303 = arith.constant 3 : index
    %get3A_304 = vector.load %arg15[%get3A_302, %get3A_303] : memref<64x10xf32, #tpu.memory_space<vmem>>, vector<64x1xf32>
    %min3A_305 = vector.broadcast %get3A_301 : vector<64x1xf32> to vector<64x16xf32>
    %min3A_306 = arith.minimumf %add3A_168, %min3A_305 : vector<64x16xf32>
    %max3A_307 = vector.broadcast %get3A_295 : vector<64x1xf32> to vector<64x16xf32>
    %max3A_308 = arith.maximumf %sub3A_164, %max3A_307 : vector<64x16xf32>
    %sub3A_309 = arith.subf %min3A_306, %max3A_308 : vector<64x16xf32>
    %max3A_310 = arith.constant 0.000000e+00 : f32
    %max3A_311 = vector.broadcast %max3A_310 : f32 to vector<64x16xf32>
    %max3A_312 = arith.maximumf %sub3A_309, %max3A_311 : vector<64x16xf32>
    %min3A_313 = vector.broadcast %get3A_304 : vector<64x1xf32> to vector<64x16xf32>
    %min3A_314 = arith.minimumf %add3A_176, %min3A_313 : vector<64x16xf32>
    %max3A_315 = vector.broadcast %get3A_298 : vector<64x1xf32> to vector<64x16xf32>
    %max3A_316 = arith.maximumf %sub3A_172, %max3A_315 : vector<64x16xf32>
    %sub3A_317 = arith.subf %min3A_314, %max3A_316 : vector<64x16xf32>
    %max3A_318 = arith.constant 0.000000e+00 : f32
    %max3A_319 = vector.broadcast %max3A_318 : f32 to vector<64x16xf32>
    %max3A_320 = arith.maximumf %sub3A_317, %max3A_319 : vector<64x16xf32>
    %mul3A_321 = arith.mulf %max3A_312, %max3A_320 : vector<64x16xf32>
    %sub3A_322 = arith.subf %get3A_301, %get3A_295 : vector<64x1xf32>
    %sub3A_323 = arith.subf %get3A_304, %get3A_298 : vector<64x1xf32>
    %mul3A_324 = arith.mulf %sub3A_322, %sub3A_323 : vector<64x1xf32>
    %mul3A_325 = arith.constant 3.000000e+00 : f32
    %mul3A_326 = vector.broadcast %mul3A_325 : f32 to vector<64x16xf32>
    %mul3A_327 = arith.mulf %mul3A_326, %mul3A_321 : vector<64x16xf32>
    %add3A_328 = vector.broadcast %mul3A_324 : vector<64x1xf32> to vector<64x16xf32>
    %add3A_329 = arith.addf %mul3A_177, %add3A_328 : vector<64x16xf32>
    %gt3A_330 = arith.cmpf ogt, %mul3A_327, %add3A_329 : vector<64x16xf32>
    %or3A_331 = arith.ori %or3A_292, %gt3A_330 : vector<64x16xi1>
    %get3A_332 = arith.constant 0 : index
    %get3A_333 = arith.constant 4 : index
    %get3A_334 = vector.load %arg12[%get3A_332, %get3A_333] : memref<64x10xf32, #tpu.memory_space<vmem>>, vector<64x1xf32>
    %get3A_335 = arith.constant 0 : index
    %get3A_336 = arith.constant 4 : index
    %get3A_337 = vector.load %arg13[%get3A_335, %get3A_336] : memref<64x10xf32, #tpu.memory_space<vmem>>, vector<64x1xf32>
    %get3A_338 = arith.constant 0 : index
    %get3A_339 = arith.constant 4 : index
    %get3A_340 = vector.load %arg14[%get3A_338, %get3A_339] : memref<64x10xf32, #tpu.memory_space<vmem>>, vector<64x1xf32>
    %get3A_341 = arith.constant 0 : index
    %get3A_342 = arith.constant 4 : index
    %get3A_343 = vector.load %arg15[%get3A_341, %get3A_342] : memref<64x10xf32, #tpu.memory_space<vmem>>, vector<64x1xf32>
    %min3A_344 = vector.broadcast %get3A_340 : vector<64x1xf32> to vector<64x16xf32>
    %min3A_345 = arith.minimumf %add3A_168, %min3A_344 : vector<64x16xf32>
    %max3A_346 = vector.broadcast %get3A_334 : vector<64x1xf32> to vector<64x16xf32>
    %max3A_347 = arith.maximumf %sub3A_164, %max3A_346 : vector<64x16xf32>
    %sub3A_348 = arith.subf %min3A_345, %max3A_347 : vector<64x16xf32>
    %max3A_349 = arith.constant 0.000000e+00 : f32
    %max3A_350 = vector.broadcast %max3A_349 : f32 to vector<64x16xf32>
    %max3A_351 = arith.maximumf %sub3A_348, %max3A_350 : vector<64x16xf32>
    %min3A_352 = vector.broadcast %get3A_343 : vector<64x1xf32> to vector<64x16xf32>
    %min3A_353 = arith.minimumf %add3A_176, %min3A_352 : vector<64x16xf32>
    %max3A_354 = vector.broadcast %get3A_337 : vector<64x1xf32> to vector<64x16xf32>
    %max3A_355 = arith.maximumf %sub3A_172, %max3A_354 : vector<64x16xf32>
    %sub3A_356 = arith.subf %min3A_353, %max3A_355 : vector<64x16xf32>
    %max3A_357 = arith.constant 0.000000e+00 : f32
    %max3A_358 = vector.broadcast %max3A_357 : f32 to vector<64x16xf32>
    %max3A_359 = arith.maximumf %sub3A_356, %max3A_358 : vector<64x16xf32>
    %mul3A_360 = arith.mulf %max3A_351, %max3A_359 : vector<64x16xf32>
    %sub3A_361 = arith.subf %get3A_340, %get3A_334 : vector<64x1xf32>
    %sub3A_362 = arith.subf %get3A_343, %get3A_337 : vector<64x1xf32>
    %mul3A_363 = arith.mulf %sub3A_361, %sub3A_362 : vector<64x1xf32>
    %mul3A_364 = arith.constant 3.000000e+00 : f32
    %mul3A_365 = vector.broadcast %mul3A_364 : f32 to vector<64x16xf32>
    %mul3A_366 = arith.mulf %mul3A_365, %mul3A_360 : vector<64x16xf32>
    %add3A_367 = vector.broadcast %mul3A_363 : vector<64x1xf32> to vector<64x16xf32>
    %add3A_368 = arith.addf %mul3A_177, %add3A_367 : vector<64x16xf32>
    %gt3A_369 = arith.cmpf ogt, %mul3A_366, %add3A_368 : vector<64x16xf32>
    %or3A_370 = arith.ori %or3A_331, %gt3A_369 : vector<64x16xi1>
    %get3A_371 = arith.constant 0 : index
    %get3A_372 = arith.constant 5 : index
    %get3A_373 = vector.load %arg12[%get3A_371, %get3A_372] : memref<64x10xf32, #tpu.memory_space<vmem>>, vector<64x1xf32>
    %get3A_374 = arith.constant 0 : index
    %get3A_375 = arith.constant 5 : index
    %get3A_376 = vector.load %arg13[%get3A_374, %get3A_375] : memref<64x10xf32, #tpu.memory_space<vmem>>, vector<64x1xf32>
    %get3A_377 = arith.constant 0 : index
    %get3A_378 = arith.constant 5 : index
    %get3A_379 = vector.load %arg14[%get3A_377, %get3A_378] : memref<64x10xf32, #tpu.memory_space<vmem>>, vector<64x1xf32>
    %get3A_380 = arith.constant 0 : index
    %get3A_381 = arith.constant 5 : index
    %get3A_382 = vector.load %arg15[%get3A_380, %get3A_381] : memref<64x10xf32, #tpu.memory_space<vmem>>, vector<64x1xf32>
    %min3A_383 = vector.broadcast %get3A_379 : vector<64x1xf32> to vector<64x16xf32>
    %min3A_384 = arith.minimumf %add3A_168, %min3A_383 : vector<64x16xf32>
    %max3A_385 = vector.broadcast %get3A_373 : vector<64x1xf32> to vector<64x16xf32>
    %max3A_386 = arith.maximumf %sub3A_164, %max3A_385 : vector<64x16xf32>
    %sub3A_387 = arith.subf %min3A_384, %max3A_386 : vector<64x16xf32>
    %max3A_388 = arith.constant 0.000000e+00 : f32
    %max3A_389 = vector.broadcast %max3A_388 : f32 to vector<64x16xf32>
    %max3A_390 = arith.maximumf %sub3A_387, %max3A_389 : vector<64x16xf32>
    %min3A_391 = vector.broadcast %get3A_382 : vector<64x1xf32> to vector<64x16xf32>
    %min3A_392 = arith.minimumf %add3A_176, %min3A_391 : vector<64x16xf32>
    %max3A_393 = vector.broadcast %get3A_376 : vector<64x1xf32> to vector<64x16xf32>
    %max3A_394 = arith.maximumf %sub3A_172, %max3A_393 : vector<64x16xf32>
    %sub3A_395 = arith.subf %min3A_392, %max3A_394 : vector<64x16xf32>
    %max3A_396 = arith.constant 0.000000e+00 : f32
    %max3A_397 = vector.broadcast %max3A_396 : f32 to vector<64x16xf32>
    %max3A_398 = arith.maximumf %sub3A_395, %max3A_397 : vector<64x16xf32>
    %mul3A_399 = arith.mulf %max3A_390, %max3A_398 : vector<64x16xf32>
    %sub3A_400 = arith.subf %get3A_379, %get3A_373 : vector<64x1xf32>
    %sub3A_401 = arith.subf %get3A_382, %get3A_376 : vector<64x1xf32>
    %mul3A_402 = arith.mulf %sub3A_400, %sub3A_401 : vector<64x1xf32>
    %mul3A_403 = arith.constant 3.000000e+00 : f32
    %mul3A_404 = vector.broadcast %mul3A_403 : f32 to vector<64x16xf32>
    %mul3A_405 = arith.mulf %mul3A_404, %mul3A_399 : vector<64x16xf32>
    %add3A_406 = vector.broadcast %mul3A_402 : vector<64x1xf32> to vector<64x16xf32>
    %add3A_407 = arith.addf %mul3A_177, %add3A_406 : vector<64x16xf32>
    %gt3A_408 = arith.cmpf ogt, %mul3A_405, %add3A_407 : vector<64x16xf32>
    %or3A_409 = arith.ori %or3A_370, %gt3A_408 : vector<64x16xi1>
    %get3A_410 = arith.constant 0 : index
    %get3A_411 = arith.constant 6 : index
    %get3A_412 = vector.load %arg12[%get3A_410, %get3A_411] : memref<64x10xf32, #tpu.memory_space<vmem>>, vector<64x1xf32>
    %get3A_413 = arith.constant 0 : index
    %get3A_414 = arith.constant 6 : index
    %get3A_415 = vector.load %arg13[%get3A_413, %get3A_414] : memref<64x10xf32, #tpu.memory_space<vmem>>, vector<64x1xf32>
    %get3A_416 = arith.constant 0 : index
    %get3A_417 = arith.constant 6 : index
    %get3A_418 = vector.load %arg14[%get3A_416, %get3A_417] : memref<64x10xf32, #tpu.memory_space<vmem>>, vector<64x1xf32>
    %get3A_419 = arith.constant 0 : index
    %get3A_420 = arith.constant 6 : index
    %get3A_421 = vector.load %arg15[%get3A_419, %get3A_420] : memref<64x10xf32, #tpu.memory_space<vmem>>, vector<64x1xf32>
    %min3A_422 = vector.broadcast %get3A_418 : vector<64x1xf32> to vector<64x16xf32>
    %min3A_423 = arith.minimumf %add3A_168, %min3A_422 : vector<64x16xf32>
    %max3A_424 = vector.broadcast %get3A_412 : vector<64x1xf32> to vector<64x16xf32>
    %max3A_425 = arith.maximumf %sub3A_164, %max3A_424 : vector<64x16xf32>
    %sub3A_426 = arith.subf %min3A_423, %max3A_425 : vector<64x16xf32>
    %max3A_427 = arith.constant 0.000000e+00 : f32
    %max3A_428 = vector.broadcast %max3A_427 : f32 to vector<64x16xf32>
    %max3A_429 = arith.maximumf %sub3A_426, %max3A_428 : vector<64x16xf32>
    %min3A_430 = vector.broadcast %get3A_421 : vector<64x1xf32> to vector<64x16xf32>
    %min3A_431 = arith.minimumf %add3A_176, %min3A_430 : vector<64x16xf32>
    %max3A_432 = vector.broadcast %get3A_415 : vector<64x1xf32> to vector<64x16xf32>
    %max3A_433 = arith.maximumf %sub3A_172, %max3A_432 : vector<64x16xf32>
    %sub3A_434 = arith.subf %min3A_431, %max3A_433 : vector<64x16xf32>
    %max3A_435 = arith.constant 0.000000e+00 : f32
    %max3A_436 = vector.broadcast %max3A_435 : f32 to vector<64x16xf32>
    %max3A_437 = arith.maximumf %sub3A_434, %max3A_436 : vector<64x16xf32>
    %mul3A_438 = arith.mulf %max3A_429, %max3A_437 : vector<64x16xf32>
    %sub3A_439 = arith.subf %get3A_418, %get3A_412 : vector<64x1xf32>
    %sub3A_440 = arith.subf %get3A_421, %get3A_415 : vector<64x1xf32>
    %mul3A_441 = arith.mulf %sub3A_439, %sub3A_440 : vector<64x1xf32>
    %mul3A_442 = arith.constant 3.000000e+00 : f32
    %mul3A_443 = vector.broadcast %mul3A_442 : f32 to vector<64x16xf32>
    %mul3A_444 = arith.mulf %mul3A_443, %mul3A_438 : vector<64x16xf32>
    %add3A_445 = vector.broadcast %mul3A_441 : vector<64x1xf32> to vector<64x16xf32>
    %add3A_446 = arith.addf %mul3A_177, %add3A_445 : vector<64x16xf32>
    %gt3A_447 = arith.cmpf ogt, %mul3A_444, %add3A_446 : vector<64x16xf32>
    %or3A_448 = arith.ori %or3A_409, %gt3A_447 : vector<64x16xi1>
    %get3A_449 = arith.constant 0 : index
    %get3A_450 = arith.constant 7 : index
    %get3A_451 = vector.load %arg12[%get3A_449, %get3A_450] : memref<64x10xf32, #tpu.memory_space<vmem>>, vector<64x1xf32>
    %get3A_452 = arith.constant 0 : index
    %get3A_453 = arith.constant 7 : index
    %get3A_454 = vector.load %arg13[%get3A_452, %get3A_453] : memref<64x10xf32, #tpu.memory_space<vmem>>, vector<64x1xf32>
    %get3A_455 = arith.constant 0 : index
    %get3A_456 = arith.constant 7 : index
    %get3A_457 = vector.load %arg14[%get3A_455, %get3A_456] : memref<64x10xf32, #tpu.memory_space<vmem>>, vector<64x1xf32>
    %get3A_458 = arith.constant 0 : index
    %get3A_459 = arith.constant 7 : index
    %get3A_460 = vector.load %arg15[%get3A_458, %get3A_459] : memref<64x10xf32, #tpu.memory_space<vmem>>, vector<64x1xf32>
    %min3A_461 = vector.broadcast %get3A_457 : vector<64x1xf32> to vector<64x16xf32>
    %min3A_462 = arith.minimumf %add3A_168, %min3A_461 : vector<64x16xf32>
    %max3A_463 = vector.broadcast %get3A_451 : vector<64x1xf32> to vector<64x16xf32>
    %max3A_464 = arith.maximumf %sub3A_164, %max3A_463 : vector<64x16xf32>
    %sub3A_465 = arith.subf %min3A_462, %max3A_464 : vector<64x16xf32>
    %max3A_466 = arith.constant 0.000000e+00 : f32
    %max3A_467 = vector.broadcast %max3A_466 : f32 to vector<64x16xf32>
    %max3A_468 = arith.maximumf %sub3A_465, %max3A_467 : vector<64x16xf32>
    %min3A_469 = vector.broadcast %get3A_460 : vector<64x1xf32> to vector<64x16xf32>
    %min3A_470 = arith.minimumf %add3A_176, %min3A_469 : vector<64x16xf32>
    %max3A_471 = vector.broadcast %get3A_454 : vector<64x1xf32> to vector<64x16xf32>
    %max3A_472 = arith.maximumf %sub3A_172, %max3A_471 : vector<64x16xf32>
    %sub3A_473 = arith.subf %min3A_470, %max3A_472 : vector<64x16xf32>
    %max3A_474 = arith.constant 0.000000e+00 : f32
    %max3A_475 = vector.broadcast %max3A_474 : f32 to vector<64x16xf32>
    %max3A_476 = arith.maximumf %sub3A_473, %max3A_475 : vector<64x16xf32>
    %mul3A_477 = arith.mulf %max3A_468, %max3A_476 : vector<64x16xf32>
    %sub3A_478 = arith.subf %get3A_457, %get3A_451 : vector<64x1xf32>
    %sub3A_479 = arith.subf %get3A_460, %get3A_454 : vector<64x1xf32>
    %mul3A_480 = arith.mulf %sub3A_478, %sub3A_479 : vector<64x1xf32>
    %mul3A_481 = arith.constant 3.000000e+00 : f32
    %mul3A_482 = vector.broadcast %mul3A_481 : f32 to vector<64x16xf32>
    %mul3A_483 = arith.mulf %mul3A_482, %mul3A_477 : vector<64x16xf32>
    %add3A_484 = vector.broadcast %mul3A_480 : vector<64x1xf32> to vector<64x16xf32>
    %add3A_485 = arith.addf %mul3A_177, %add3A_484 : vector<64x16xf32>
    %gt3A_486 = arith.cmpf ogt, %mul3A_483, %add3A_485 : vector<64x16xf32>
    %or3A_487 = arith.ori %or3A_448, %gt3A_486 : vector<64x16xi1>
    %get3A_488 = arith.constant 0 : index
    %get3A_489 = arith.constant 8 : index
    %get3A_490 = vector.load %arg12[%get3A_488, %get3A_489] : memref<64x10xf32, #tpu.memory_space<vmem>>, vector<64x1xf32>
    %get3A_491 = arith.constant 0 : index
    %get3A_492 = arith.constant 8 : index
    %get3A_493 = vector.load %arg13[%get3A_491, %get3A_492] : memref<64x10xf32, #tpu.memory_space<vmem>>, vector<64x1xf32>
    %get3A_494 = arith.constant 0 : index
    %get3A_495 = arith.constant 8 : index
    %get3A_496 = vector.load %arg14[%get3A_494, %get3A_495] : memref<64x10xf32, #tpu.memory_space<vmem>>, vector<64x1xf32>
    %get3A_497 = arith.constant 0 : index
    %get3A_498 = arith.constant 8 : index
    %get3A_499 = vector.load %arg15[%get3A_497, %get3A_498] : memref<64x10xf32, #tpu.memory_space<vmem>>, vector<64x1xf32>
    %min3A_500 = vector.broadcast %get3A_496 : vector<64x1xf32> to vector<64x16xf32>
    %min3A_501 = arith.minimumf %add3A_168, %min3A_500 : vector<64x16xf32>
    %max3A_502 = vector.broadcast %get3A_490 : vector<64x1xf32> to vector<64x16xf32>
    %max3A_503 = arith.maximumf %sub3A_164, %max3A_502 : vector<64x16xf32>
    %sub3A_504 = arith.subf %min3A_501, %max3A_503 : vector<64x16xf32>
    %max3A_505 = arith.constant 0.000000e+00 : f32
    %max3A_506 = vector.broadcast %max3A_505 : f32 to vector<64x16xf32>
    %max3A_507 = arith.maximumf %sub3A_504, %max3A_506 : vector<64x16xf32>
    %min3A_508 = vector.broadcast %get3A_499 : vector<64x1xf32> to vector<64x16xf32>
    %min3A_509 = arith.minimumf %add3A_176, %min3A_508 : vector<64x16xf32>
    %max3A_510 = vector.broadcast %get3A_493 : vector<64x1xf32> to vector<64x16xf32>
    %max3A_511 = arith.maximumf %sub3A_172, %max3A_510 : vector<64x16xf32>
    %sub3A_512 = arith.subf %min3A_509, %max3A_511 : vector<64x16xf32>
    %max3A_513 = arith.constant 0.000000e+00 : f32
    %max3A_514 = vector.broadcast %max3A_513 : f32 to vector<64x16xf32>
    %max3A_515 = arith.maximumf %sub3A_512, %max3A_514 : vector<64x16xf32>
    %mul3A_516 = arith.mulf %max3A_507, %max3A_515 : vector<64x16xf32>
    %sub3A_517 = arith.subf %get3A_496, %get3A_490 : vector<64x1xf32>
    %sub3A_518 = arith.subf %get3A_499, %get3A_493 : vector<64x1xf32>
    %mul3A_519 = arith.mulf %sub3A_517, %sub3A_518 : vector<64x1xf32>
    %mul3A_520 = arith.constant 3.000000e+00 : f32
    %mul3A_521 = vector.broadcast %mul3A_520 : f32 to vector<64x16xf32>
    %mul3A_522 = arith.mulf %mul3A_521, %mul3A_516 : vector<64x16xf32>
    %add3A_523 = vector.broadcast %mul3A_519 : vector<64x1xf32> to vector<64x16xf32>
    %add3A_524 = arith.addf %mul3A_177, %add3A_523 : vector<64x16xf32>
    %gt3A_525 = arith.cmpf ogt, %mul3A_522, %add3A_524 : vector<64x16xf32>
    %or3A_526 = arith.ori %or3A_487, %gt3A_525 : vector<64x16xi1>
    %get3A_527 = arith.constant 0 : index
    %get3A_528 = arith.constant 9 : index
    %get3A_529 = vector.load %arg12[%get3A_527, %get3A_528] : memref<64x10xf32, #tpu.memory_space<vmem>>, vector<64x1xf32>
    %get3A_530 = arith.constant 0 : index
    %get3A_531 = arith.constant 9 : index
    %get3A_532 = vector.load %arg13[%get3A_530, %get3A_531] : memref<64x10xf32, #tpu.memory_space<vmem>>, vector<64x1xf32>
    %get3A_533 = arith.constant 0 : index
    %get3A_534 = arith.constant 9 : index
    %get3A_535 = vector.load %arg14[%get3A_533, %get3A_534] : memref<64x10xf32, #tpu.memory_space<vmem>>, vector<64x1xf32>
    %get3A_536 = arith.constant 0 : index
    %get3A_537 = arith.constant 9 : index
    %get3A_538 = vector.load %arg15[%get3A_536, %get3A_537] : memref<64x10xf32, #tpu.memory_space<vmem>>, vector<64x1xf32>
    %min3A_539 = vector.broadcast %get3A_535 : vector<64x1xf32> to vector<64x16xf32>
    %min3A_540 = arith.minimumf %add3A_168, %min3A_539 : vector<64x16xf32>
    %max3A_541 = vector.broadcast %get3A_529 : vector<64x1xf32> to vector<64x16xf32>
    %max3A_542 = arith.maximumf %sub3A_164, %max3A_541 : vector<64x16xf32>
    %sub3A_543 = arith.subf %min3A_540, %max3A_542 : vector<64x16xf32>
    %max3A_544 = arith.constant 0.000000e+00 : f32
    %max3A_545 = vector.broadcast %max3A_544 : f32 to vector<64x16xf32>
    %max3A_546 = arith.maximumf %sub3A_543, %max3A_545 : vector<64x16xf32>
    %min3A_547 = vector.broadcast %get3A_538 : vector<64x1xf32> to vector<64x16xf32>
    %min3A_548 = arith.minimumf %add3A_176, %min3A_547 : vector<64x16xf32>
    %max3A_549 = vector.broadcast %get3A_532 : vector<64x1xf32> to vector<64x16xf32>
    %max3A_550 = arith.maximumf %sub3A_172, %max3A_549 : vector<64x16xf32>
    %sub3A_551 = arith.subf %min3A_548, %max3A_550 : vector<64x16xf32>
    %max3A_552 = arith.constant 0.000000e+00 : f32
    %max3A_553 = vector.broadcast %max3A_552 : f32 to vector<64x16xf32>
    %max3A_554 = arith.maximumf %sub3A_551, %max3A_553 : vector<64x16xf32>
    %mul3A_555 = arith.mulf %max3A_546, %max3A_554 : vector<64x16xf32>
    %sub3A_556 = arith.subf %get3A_535, %get3A_529 : vector<64x1xf32>
    %sub3A_557 = arith.subf %get3A_538, %get3A_532 : vector<64x1xf32>
    %mul3A_558 = arith.mulf %sub3A_556, %sub3A_557 : vector<64x1xf32>
    %mul3A_559 = arith.constant 3.000000e+00 : f32
    %mul3A_560 = vector.broadcast %mul3A_559 : f32 to vector<64x16xf32>
    %mul3A_561 = arith.mulf %mul3A_560, %mul3A_555 : vector<64x16xf32>
    %add3A_562 = vector.broadcast %mul3A_558 : vector<64x1xf32> to vector<64x16xf32>
    %add3A_563 = arith.addf %mul3A_177, %add3A_562 : vector<64x16xf32>
    %gt3A_564 = arith.cmpf ogt, %mul3A_561, %add3A_563 : vector<64x16xf32>
    %or3A_565 = arith.ori %or3A_526, %gt3A_564 : vector<64x16xi1>
    %sub3A_566 = arith.constant 1.000000e+00 : f32
    %sub3A_567 = vector.broadcast %sub3A_566 : f32 to vector<64x16xf32>
    %sub3A_568 = arith.subf %reduce_sum3A_112, %sub3A_567 : vector<64x16xf32>
    %integer_pow3A_569 = arith.mulf %sub3A_568, %sub3A_568 : vector<64x16xf32>
    %mul3A_570 = arith.constant 1.250000e+01 : f32
    %mul3A_571 = vector.broadcast %mul3A_570 : f32 to vector<64x16xf32>
    %mul3A_572 = arith.mulf %mul3A_571, %integer_pow3A_569 : vector<64x16xf32>
    %mul3A_573 = arith.mulf %reduce_sum3A_112, %reduce_sum3A_112 : vector<64x16xf32>
    %mul3A_574 = arith.constant 5.000000e-01 : f32
    %mul3A_575 = vector.broadcast %mul3A_574 : f32 to vector<64x16xf32>
    %mul3A_576 = arith.mulf %mul3A_573, %mul3A_575 : vector<64x16xf32>
    %jit3A_577 = arith.constant 0.000000e+00 : f32
    %broadcast_in_dim3A_578 = vector.broadcast %jit3A_577 : f32 to vector<64x16xf32>
    %select_n3A_579 = arith.select %or3A_565, %broadcast_in_dim3A_578, %mul3A_576 : vector<64x16xi1>, vector<64x16xf32>
    %sub3A_580 = arith.subf %mul3A_572, %select_n3A_579 : vector<64x16xf32>
    %mul3A_581 = arith.mulf %get3A_1, %sub3A_580 : vector<64x16xf32>
    %reduce_sum3A_582 = vector.shape_cast %mul3A_581 : vector<64x16xf32> to vector<1x64x16xf32>
    %reduce_sum3A_583 = arith.constant dense<0.000000e+00> : vector<1xf32>
    %reduce_sum3A_584 = vector.multi_reduction <add>, %reduce_sum3A_582, %reduce_sum3A_583 [1, 2] : vector<1x64x16xf32> to vector<1xf32>
    %reduce_sum3A_585 = vector.shape_cast %reduce_sum3A_584 : vector<1xf32> to vector<1x1x1xf32>
    %reduce_sum3A_586 = vector.extract %reduce_sum3A_585[0, 0, 0] : f32 from vector<1x1x1xf32>
    %add3A_587 = arith.addf %mul3A_160, %reduce_sum3A_586 : f32
    %reshape3A = vector.broadcast %add3A_587 : f32 to vector<1x1xf32>
    %swap3A = arith.constant 0 : index
    %swap3A_588 = arith.constant 0 : index
    %swap3A_589 = vector.load %arg16[%swap3A, %swap3A_588] : memref<1x1xf32, #tpu.memory_space<vmem>>, vector<1x1xf32>
    tpu.vector_store %arg16[%swap3A, %swap3A_588], %reshape3A {strides = array<i32>} : memref<1x1xf32, #tpu.memory_space<vmem>>, vector<1x1xf32>,
    return
  }
}

</mosaic_0001>

<sc_bundles>
// kernel: kernel.6.cloned.1.call-start
scs
__scs_entry_jumppad:
0x0: {  	(pc) =	sbr.rel $0x88, $3  }
0x1: {  	(tag) =	ssettag $0x0;
	lr =	simm.s32 $0x1  }
0x2: {  	[smem:$0x3F9B] =	sst lr;
	_ =	strace $0xD0000000  }
0x3: {  	_ = 	snop  }
0x4: {  	_ = 	snop  }
0x5: {  	_ = 	snop  }
0x6: {  	_ = 	snop  }
0x7: {  	_ = 	snop  }
__scs_overlays_trampoline_lowered:
0x8: {  	[smem:$0x3FAA] =	sst s0  }
0x9: {  	[smem:$0x3FAB] =	sst s1  }
0xa: {  	[smem:$0x3FAC] =	sst s2  }
0xb: {  	[smem:$0x3FAD] =	sst s3  }
0xc: {  	[smem:$0x3FAE] =	sst s4  }
0xd: {  	[smem:$0x3FAF] =	sst s5  }
0xe: {  	[smem:$0x3FB0] =	sst s6  }
0xf: {  	[smem:$0x3FB1] =	sst s7  }
0x10: {  	[smem:$0x3FB2] =	sst s8  }
0x11: {  	[smem:$0x3FB3] =	sst s9;
	s0 =	simm.s32 @!p0 $0x0  }
0x12: {  	s1 =	sld [smem:$0x3F99];
	s0 =	simm.s32 @p0 $0x1  }
0x13: {  	[smem:$0x3FB4] =	sst s0;
	s0 =	simm.s32 @!p1 $0x0  }
0x14: {  	s2 =	sld [smem:$0x3F98];
	s0 =	simm.s32 @p1 $0x1  }
0x15: {  	[smem:$0x3FB5] =	sst s0;
	s0 =	simm.s32 @!p2 $0x0  }
0x16: {  	s3 =	sld [smem:$0x3FDB];
	s0 =	simm.s32 @p2 $0x1  }
0x17: {  	s4 =	simm.s32 $0x1BF5;
	[smem:$0x3FB7] =	sst s0  }
0x18: {  	s0 =	sld [smem:$0x3F9A];
	_ =	swait.ge [sflag:s4], $0x0  }
0x19: {  	s7 =	sld [smem:$0x3F9B]  }
0x1a: {  	s8 =	sadd.s32 $0xFFFFE003, lr  }
0x1b: {  	s9 =	sadd.s32 $0xFFFFFEF7, lr;
	s5 =	simm.s32 $0xFFFFFFFF;
	p2 =	slt.u32 s8, $0xFFFFF086  }
0x1c: {  	p1 =	slt.u32 s9, $0xF7A;
	s5 =	simm.s32 @!p2 $0x0  }
0x1d: {  	s5 =	simm.s32 @p1 $0x1;
	p0 =	seq.s32 s7, s2  }
0x1e: {  	s7 =	smul.u32 @!p0 $0xF7A, s2;
	p2 =	seq.s32 @!p0 s5, $0x0  }
0x1f: {  	s9 =	smul.u32 $0xF7A, s1;
	s8 =	simm.s32 @!p0 $0x1BF5;
	p2 =	por !p2, p0  }
0x20: {  	[sflag:s8] =	ssyncset.s32 @!p0 $0xFFFFF086;
	s6 =	sadd.s32 @!p0 s3, s7;
	s7 =	simm.s32 @!p0 $0x108  }
0x21: {  	s3 =	sadd.s32 s3, s9;
	s6 =	sadd.s32 @!p0 $0x88, s6;
	s7 =	simm.s32 @p2 $0x1082  }
0x22: {  	[simem:s7], [sflag:s8] =	dma.local @!p0 [hbm:s6], $0xF7A  }
0x23: {  	s9 =	sor.u32 $0xD0000000, s2;
	s6 =	simm.s32 $0x108;
	_ =	swait.ge @!p0 [sflag:s8], $0x0  }
0x24: {  	s3 =	sadd.s32 $0x88, s3;
	s6 =	simm.s32 @!p1 $0x1082;
	[sflag:s4] =	ssyncset.s32 $0xFFFFF086  }
0x25: {  	[simem:s6], [sflag:s4] =	dma.local [hbm:s3], $0xF7A  }
0x26: {  	[smem:$0x3F9B] =	sst s1;
	(tag) =	ssettag s2;
	_ =	strace s9  }
0x27: {  	s1 =	sld [smem:$0x3FAB]  }
0x28: {  	s2 =	sld [smem:$0x3FAC]  }
0x29: {  	s4 =	sld [smem:$0x3FAE]  }
0x2a: {  	p0 =	seq.s32 s5, $0x0;
	s5 =	sld [smem:$0x3FAF]  }
0x2b: {  	s6 =	sld [smem:$0x3FB0]  }
0x2c: {  	s7 =	sld [smem:$0x3FB1]  }
0x2d: {  	s3 =	simm.s32 $0x108;
	s8 =	sld [smem:$0x3FB2]  }
0x2e: {  	s3 =	simm.s32 @!p0 $0x1082;
	s9 =	sld [smem:$0x3FB3]  }
0x2f: {  	lr =	sadd.s32 s0, s3;
	s0 =	sld [smem:$0x3FAA]  }
0x30: {  	s3 =	sld [smem:$0x3FAD]  }
0x31: {  	[smem:$0x3FB6] =	sst s10  }
0x32: {  	s10 =	sld [smem:$0x3FB4];
	_ =	sdelay $0x3  }
0x33: {  	p0 =	seq.s32 s10, $0x1;
	s10 =	sld [smem:$0x3FB6];
	_ =	sdelay $0x3  }
0x34: {  	[smem:$0x3FB6] =	sst s10  }
0x35: {  	s10 =	sld [smem:$0x3FB5];
	_ =	sdelay $0x3  }
0x36: {  	p1 =	seq.s32 s10, $0x1;
	s10 =	sld [smem:$0x3FB6];
	_ =	sdelay $0x3  }
0x37: {  	[smem:$0x3FB6] =	sst s10  }
0x38: {  	s10 =	sld [smem:$0x3FB7]  }
0x39: {  	_ = 	snop;
	(pc) =	sbr.ind lr, $3  }
0x3a: {  	_ = 	snop  }
0x3b: {  	_ = 	snop  }
0x3c: {  	p2 =	seq.s32 s10, $0x1;
	s10 =	sld [smem:$0x3FB6]  }
0x3d: {  	_ =	shalt  }
0x3e: {  	_ =	shalt  }
0x3f: {  	_ =	shalt  }
0x40: {  	_ =	shalt  }
0x41: {  	_ =	shalt  }
0x42: {  	_ =	shalt  }
0x43: {  	_ =	shalt  }
0x44: {  	_ =	shalt  }
0x45: {  	_ =	shalt  }
0x46: {  	_ =	shalt  }
0x47: {  	_ =	shalt  }
0x48: {  	_ =	shalt  }
0x49: {  	_ =	shalt  }
0x4a: {  	_ =	shalt  }
0x4b: {  	_ =	shalt  }
0x4c: {  	_ =	shalt  }
0x4d: {  	_ =	shalt  }
0x4e: {  	_ =	shalt  }
0x4f: {  	_ =	shalt  }
0x50: {  	_ =	shalt  }
0x51: {  	_ =	shalt  }
0x52: {  	_ =	shalt  }
0x53: {  	_ =	shalt  }
0x54: {  	_ =	shalt  }
0x55: {  	_ =	shalt  }
0x56: {  	_ =	shalt  }
0x57: {  	_ =	shalt  }
0x58: {  	_ =	shalt  }
0x59: {  	_ =	shalt  }
0x5a: {  	_ =	shalt  }
0x5b: {  	_ =	shalt  }
0x5c: {  	_ =	shalt  }
0x5d: {  	_ =	shalt  }
0x5e: {  	_ =	shalt  }
0x5f: {  	_ =	shalt  }
0x60: {  	_ =	shalt  }
0x61: {  	_ =	shalt  }
0x62: {  	_ =	shalt  }
0x63: {  	_ =	shalt  }
0x64: {  	_ =	shalt  }
0x65: {  	_ =	shalt  }
0x66: {  	_ =	shalt  }
0x67: {  	_ =	shalt  }
0x68: {  	_ =	shalt  }
0x69: {  	_ =	shalt  }
0x6a: {  	_ =	shalt  }
0x6b: {  	_ =	shalt  }
0x6c: {  	_ =	shalt  }
0x6d: {  	_ =	shalt  }
0x6e: {  	_ =	shalt  }
0x6f: {  	_ =	shalt  }
0x70: {  	_ =	shalt  }
0x71: {  	_ =	shalt  }
0x72: {  	_ =	shalt  }
0x73: {  	_ =	shalt  }
0x74: {  	_ =	shalt  }
0x75: {  	_ =	shalt  }
0x76: {  	_ =	shalt  }
0x77: {  	_ =	shalt  }
0x78: {  	_ =	shalt  }
0x79: {  	_ =	shalt  }
0x7a: {  	_ =	shalt  }
0x7b: {  	_ =	shalt  }
0x7c: {  	_ =	shalt  }
0x7d: {  	_ =	shalt  }
0x7e: {  	_ =	shalt  }
0x7f: {  	_ =	shalt  }
0x80: {  	_ =	shalt  }
0x81: {  	_ =	shalt  }
0x82: {  	_ =	shalt  }
0x83: {  	_ =	shalt  }
0x84: {  	_ =	shalt  }
0x85: {  	_ =	shalt  }
0x86: {  	_ =	shalt  }
0x87: {  	_ =	shalt  }
.Lfunc_end0:
.L_simem_size_0:
called_computation_lowered:
.L_overlay_start_0:
0x88: {  	s2 =	sld [smem:$0x3FD9]  }
0x89: {  	s3 =	sld [smem:$0x3FFE];
	_ =	sdelay $0x1  }
0x8a: {  	s1 =	srdreg.scid  }
0x8b: {  	s0 =	sand.u32 $0x1, s1  }
0x8c: {  	s16 =	sshll.u32 s0, $0xA;
	s2 =	sadd.s32 s3, s2  }
0x8d: {  	s2 =	sadd.s32 s2, s16  }
0x8e: {  	[smem:$0x3FC2] =	sst s2  }
0x8f: {  	_ = 	snop  }
0x90: {  	(tm) =	ssettm $0x1  }
0x91: {  	s17 =	sld [smem:$0x3FFB];
	_ =	sdelay $0x3  }
0x92: {  	_ =	strace s17  }
0x93: {  	s2 =	sld [smem:$0x3FFC];
	_ =	sdelay $0x3  }
0x94: {  	_ =	strace s2  }
0x95: {  	s2 =	sld [smem:$0x3FFD];
	_ =	sdelay $0x3  }
0x96: {  	_ =	strace s2  }
0x97: {  	_ =	strace $0x8FFFFFFF  }
0x98: {  	s18 =	sld [smem:$0x3FDB];
	_ =	sdelay $0x1  }
0x99: {  	s19 =	simm.s32 $_scs_section_size  }
0x9a: {  	s4 =	simm.s32 $_size__tile_overlayer_lowered;
	s5 =	simm.s32 $_tile_overlayer_lowered  }
0x9b: {  	s22 =	simm.s32 $0x1BFF;
	s21 =	sshll.u32 s5, $0x1;
	s2 =	sadd.s32 s19, s18  }
0x9c: {  	s6 =	simm.s32 $0x0;
	s20 =	sshll.u32 s4, $0x1;
	s4 =	sadd.s32 s21, s2  }
0x9d: {  	[timem:s6], [sflag:s22] =	dma.local [hbm:s4], s20  }
0x9e: {  	_ =	swait.ge [sflag:s22], s20  }
0x9f: {  	s3 =	ssub.s32 $0x0, s20;
	[sflag:s22] =	ssyncset.done $0x0  }
0xa0: {  	[sflag:s22] =	ssyncadd.s32 s3;
	_ =	sdelay $0x1  }
0xa1: {  	s23 =	simm.s32 $0x1B8B  }
0xa2: {  	_ =	swait.ge [sflag:s23], $0x1  }
0xa3: {  	[sflag:s23] =	ssyncset.done $0x0  }
0xa4: {  	s25 =	simm.s32 $0x1B8E;
	s24 =	sld [smem:$0x3FFE];
	[sflag:s23] =	ssyncadd.s32 $0xFFFFFFFF  }
0xa5: {  	s26 =	simm.s32 $execute0_lowered;
	[smem:$0x3FD2] =	sst s25  }
0xa6: {  	s4 =	sshll.u32 s26, $0x1;
	_ =	strace $0x80000046;
	[dreg:$0x1] =	wrdreg $0xFFFFFFFF  }
0xa7: {  	s28 =	simm.s32 $_size_execute0_lowered;
	s2 =	sadd.s32 s2, s4;
	[dreg:$0x0] =	wrdreg $0x0  }
0xa8: {  	s4 =	sshll.u32 s28, $0x1;
	[dreg:$0x2] =	wrdreg s2  }
0xa9: {  	[dreg:$0x3] =	wrdreg s4  }
0xaa: {  	[dreg:$0x4] =	wrdreg $0xC0  }
0xab: {  	_ =	task [dreg:s6], $0x5FFFF  }
0xac: {  	[dreg:$0x1] =	wrdreg $0xFFFFFFFF  }
0xad: {  	[dreg:$0x0] =	wrdreg $0x60  }
0xae: {  	[dreg:$0x2] =	wrdreg s24  }
0xaf: {  	[dreg:$0x3] =	wrdreg $0x9  }
0xb0: {  	_ =	task.clear_ibuf [dreg:s6], $0x4FFFF;
	_ =	strace $0x90000046  }
0xb1: {  	s29 =	simm.s32 $0x9;
	_ =	strace $0x80000048  }
0xb2: {  	_ =	swait.ge [sflag:s29], $0x1  }
0xb3: {  	[sflag:s29] =	ssyncadd.s32 $0xFFFFFFFF  }
0xb4: {  	_ =	strace $0x90000048  }
0xb5: {  	_ =	sfence  }
0xb6: {  	s30 =	sld [smem:$0x0];
	_ =	sdelay $0x2  }
0xb7: {  	s31 =	sshll.u32 s1, $0xD;
	s1 =	sshrl.u32 s1, $0x2  }
0xb8: {  	s3 =	sand.u32 $0x4000, s31;
	s1 =	sadd.s32 s1, s30  }
0xb9: {  	s0 =	sor.u32 s3, s0;
	s1 =	sshll.u32 s1, $0x11  }
0xba: {  	s0 =	sor.u32 s1, s0  }
0xbb: {  	s0 =	sadd.s32 $0x8F2B, s0  }
0xbc: {  	[sflag:s0] =	ssyncadd.remote.s32 $0x1  }
0xbd: {  	_ =	sfence.sel $0xFFFF  }
0xbe: {  	[dreg:$0x0] =	wrdreg $0xFFFFFFFF;
	(pc) =	sbr.abs _section_cstart, $3  }
0xbf: {  	[dreg:$0x1] =	wrdreg $0xFFFFFFFF  }
0xc0: {  	_ =	task.clear_ibuf [dreg:s6], $0x2FFFF;
	_ =	strace $0x9FFFFFFF  }
0xc1: {  	(tm) =	ssettm $0x7FFFFFFF  }
tec
execute0_lowered:
.L_overlay_start_1:
0x0: {  	(tag) =	ssettag $0x1  }
0x1: {  	v1 =	vimm.s32 $0xF0A0500;
	vm0 =	vcmask $0xF00  }
0x2: {  	v2 =	vimm.s32 $0x231E1914;
	v3 =	vimm.s32 $0x100B0601;
	v4 =	vimm.s32 $0x241F1A15  }
0x3: {  	vm1 =	vcmask $0x1F10;
	vm6 =	vcmask $0x2320;
	v5 =	vimm.s32 $0x25201B16  }
0x4: {  	v6 =	vimm.s32 $0x120D0803;
	v7 =	vimm.s32 $0x26211C17;
	v8 =	vimm.s32 $0x130E0904  }
0x5: {  	v9 =	vimm.s32 $0x27221D18;
	v10 =	vimm.s32 $0xFFEDCBA9;
	v11 =	vimm.s32 $0xFFFEDCBA  }
0x6: {  	v12 =	vimm.s32 $0x98765432;
	vm14 =	vcmask $0x3700;
	vm15 =	vcmask $0x3B38  }
0x7: {  	v13 =	vimm.s32 $0xA9876543;
	vm4 =	vmmov $0x3ff;
	vm5 =	vmmov $0x1ff  }
0x8: {  	vm7 =	vmmov $0xff;
	vm9 =	vcmask $0x1F00;
	v3 =	vunpack.c.0.s8.s32 v3  }
0x9: {  	vm8 =	vmmov $0x7f;
	v14 =	vimm.s32 $0xCBA98765;
	v4 =	vunpack.c.0.s8.s32 v4  }
0xa: {  	v5 =	vunpack.c.0.s8.s32 v5;
	v6 =	vunpack.c.0.s8.s32 v6;
	v3 =	vnsel vm0, $0x2E, v3  }
0xb: {  	v7 =	vunpack.c.0.s8.s32 v7;
	v3 =	vsel vm1, v4, v3;
	v4 =	vimm.s32 $0x110C0702  }
0xc: {  	v8 =	vunpack.c.0.s8.s32 v8;
	v10 =	vunpack.c.l.s4.s8 v10;
	v4 =	vunpack.c.0.s8.s32 v4  }
0xd: {  	v9 =	vunpack.c.0.s8.s32 v9;
	v11 =	vunpack.c.l.s4.s8 v11;
	v12 =	vunpack.c.l.s4.s8 v12  }
0xe: {  	v6 =	vnsel vm0, $0x30, v6;
	v17 =	vunpack.c.0.s8.s32 v10;
	v4 =	vnsel vm0, $0x2F, v4  }
0xf: {  	v10 =	vunpack.c.0.s8.s32 v11;
	v11 =	vunpack.c.0.s8.s32 v12;
	v4 =	vsel vm1, v5, v4  }
0x10: {  	v5 =	vsel vm1, v7, v6;
	v6 =	vnsel vm0, $0x31, v8;
	v8 =	vimm.s32 $0x87654321  }
0x11: {  	v6 =	vsel vm1, v9, v6;
	v9 =	vimm.s32 $0xF4F5F2F3;
	v8 =	vunpack.c.l.s4.s8 v8  }
0x12: {  	v15 =	vimm.s32 $0xDCBA9876;
	vm10 =	vmmov $0x3f;
	v9 =	vunpack.c.0.s8.s32 v9  }
0x13: {  	v16 =	vimm.s32 $0xEDCBA987;
	v10 =	vcombine.low v11, v10;
	v8 =	vunpack.c.0.s8.s32 v8  }
0x14: {  	v11 =	vunpack.c.l.s4.s8 v13;
	v13 =	vimm.s32 $0x0;
	v9 =	vnsel vm14, $0xFFFFFFF0, v9  }
0x15: {  	v12 =	vcombine.low v8, v17;
	v8 =	vsel vm15, $0xFFFFFFF1, v9;
	v9 =	vimm.s32 $0x0  }
0x16: {  	v18 =	vimm.s32 $0xFEDCBA98;
	v13 =	vsel vm7, $0xFFFFFFFF, v13;
	v9 =	vsel vm4, $0xFFFFFFFF, v9  }
0x17: {  	v11 =	vunpack.c.0.s8.s32 v11;
	[tilespmem:$0x1FF60] =	vst v9;
	v9 =	vand.u32 $0xF, v12;
	v12 =	vimm.s32 $0x0  }
0x18: {  	s1 =	srdreg.scid;
	s0 =	stileid.u32;
	vm11 =	vmmov $0x1f;
	[tilespmem:$0x1FF80] =	vst v13;
	v13 =	vimm.s32 $0xE0D0C0B;
	v12 =	vsel vm5, $0xFFFFFFFF, v12  }
0x19: {  	s7 =	sand.u32 $0x1, s1;
	s24 =	sshll.u32 s0, $0x1;
	v13 =	vunpack.c.0.s8.s32 v13;
	v11 =	vand.u32 $0xF, v11;
	[tilespmem:$0x1FF70] =	vst v12;
	v12 =	vimm.s32 $0xBA987654  }
0x1a: {  	s9 =	sor.u32 s7, s24;
	v11 =	vnsel vm9, $0xF, v11;
	vm5 =	vcmask $0x2F20;
	v12 =	vunpack.c.l.s4.s8 v12  }
0x1b: {  	s8 =	rddreg [dreg:$0x0];
	s2 =	simm.s32 $0x0;
	vm12 =	vmmov $0xf;
	s1 =	smul.u32 $0x1A68, s9;
	v11 =	vsel vm5, v13, v11;
	v13 =	vimm.s32 $0x0  }
0x1c: {  	vm13 =	vmmov $0x7;
	[smem:$0x7FF] =	sst s2;
	v13 =	vsel vm8, $0xFFFFFFFF, v13;
	v12 =	vunpack.c.0.s8.s32 v12  }
0x1d: {  	v1 =	vunpack.c.0.s8.s32 v1;
	v0 =	vmov s1;
	s1 =	rddreg [dreg:$0x1];
	_ =	strace $0x80000047;
	[tilespmem:$0x1FF90] =	vst v13;
	v13 =	vimm.s32 $0xF0E0D0C  }
0x1e: {  	v2 =	vunpack.c.0.s8.s32 v2;
	v13 =	vunpack.c.0.s8.s32 v13;
	v12 =	vand.u32 $0xF, v12  }
0x1f: {  	v14 =	vunpack.c.l.s4.s8 v14;
	v16 =	vunpack.c.l.s4.s8 v16;
	v12 =	vnsel vm9, $0xF, v12  }
0x20: {  	v18 =	vunpack.c.l.s4.s8 v18;
	v12 =	vsel vm5, v13, v12;
	v13 =	vimm.s32 $0x0  }
0x21: {  	s22 =	simm.s32 $0xE8;
	v1 =	vnsel vm0, $0x2D, v1;
	v14 =	vunpack.c.0.s8.s32 v14;
	v13 =	vsel vm10, $0xFFFFFFFF, v13  }
0x22: {  	s23 =	simm.s32 $0x218;
	s28 =	simm.s32 $0x1218;
	s12 =	sshllo.u32 s9, $0x1;
	v16 =	vunpack.c.0.s8.s32 v16;
	v2 =	vsel vm1, v2, v1;
	[tilespmem:$0x1FFA0] =	vst v13;
	v13 =	vunpack.c.l.s4.s8 v15  }
0x23: {  	s29 =	simm.s32 $0x1;
	s30 =	simm.s32 $0x118;
	v18 =	vunpack.c.0.s8.s32 v18;
	s25 =	smul.u32 $0xD34, s12;
	v2 =	vsel vm6, $0x28, v2;
	v15 =	vimm.s32 $0xF0F0E0D  }
0x24: {  	s13 =	sadd.s32 $0x8800, s8;
	s3 =	sadd.s32 $0x8A00, s8;
	s4 =	sadd.s32 $0x564600, s8;
	v14 =	vand.u32 $0xF, v14;
	v15 =	vunpack.c.0.s8.s32 v15;
	v13 =	vunpack.c.0.s8.s32 v13  }
0x25: {  	s5 =	sadd.s32 $0x549E00, s8;
	s6 =	sadd.s32 $0x1E00, s8;
	s14 =	sadd.s32 $0x8C00, s8;
	v3 =	vsel vm6, $0x29, v3;
	v1 =	vmov s25;
	v14 =	vnsel vm9, $0xF, v14  }
0x26: {  	s15 =	sadd.s32 $0x9400, s8;
	s16 =	sadd.s32 $0xD400, s8;
	s7 =	ssub.s32 $0x2, s7;
	v19 =	vand.u32 $0xF, v13;
	v13 =	vsel vm5, v15, v14;
	v15 =	vimm.s32 $0x0  }
0x27: {  	s17 =	sadd.s32 $0x11400, s8;
	s24 =	simm.s32 $0xF8;
	s10 =	sshrl.u32 s7, $0x1;
	v10 =	vand.u32 $0xF, v10;
	v7 =	vimm.s32 $0x0;
	v15 =	vsel vm11, $0xFFFFFFFF, v15  }
0x28: {  	s11 =	smul.u32 $0xE, s9;
	s26 =	sshll.u32 s9, $0x6;
	s31 =	sshll.u32 s9, $0x9;
	v4 =	vsel vm6, $0x2A, v4;
	[tilespmem:$0x1FFB0] =	vst v15;
	v15 =	vand.u32 $0xF, v16;
	v16 =	vimm.s32 $0x0  }
0x29: {  	s18 =	ssub.s32 s7, s10;
	s8 =	sadd.s32 s14, s26;
	s9 =	sadd.s32 s15, s31;
	v5 =	vsel vm6, $0x2B, v5;
	v6 =	vsel vm6, $0x2C, v6;
	v16 =	vsel vm12, $0xFFFFFFFF, v16  }
0x2a: {  	s10 =	sadd.s32 s16, s31;
	s19 =	smul.u32 $0x7, s12;
	s20 =	sshll.u32 s12, $0x5;
	vm14 =	vmmov $0x3;
	[tilespmem:$0x1FFC0] =	vst v16;
	v16 =	vand.u32 $0xF, v18;
	v18 =	vimm.s32 $0x0  }
0x2b: {  	s21 =	sshll.u32 s12, $0x8;
	s26 =	simm.s32 $0x108;
	s7 =	sadd.s32 s13, s11;
	vm15 =	vmmov $0x1;
	vm10 =	vcmask $0x2700;
	v18 =	vsel vm13, $0xFFFFFFFF, v18  }
0x2c: {  	s11 =	sadd.s32 s17, s31;
	s12 =	sadd.s32 s13, s19;
	s13 =	sadd.s32 s14, s20;
	v14 =	vnsel vm9, $0xF, v19;
	v19 =	vimm.s32 $0x0;
	[tilespmem:$0x1FFD0] =	vst v18;
	v18 =	vimm.s32 $0x0  }
0x2d: {  	s14 =	sadd.s32 s15, s21;
	s15 =	sadd.s32 s16, s21;
	s16 =	sadd.s32 s17, s21;
	v14 =	vsel vm6, $0xE, v14;
	v19 =	vsel vm15, $0xFFFFFFFF, v19;
	v18 =	vsel vm14, $0xFFFFFFFF, v18  }
0x2e: {  	s17 =	smax.u32 s18, $0x1;
	s18 =	simm.s32 $0x38;
	s19 =	simm.s32 $0x2;
	v15 =	vnsel vm9, $0xF, v15;
	[tilespmem:$0x1FFE0] =	vst v18;
	v18 =	vand.u32 $0xF, v17;
	v17 =	vimm.f32 $0.0e+00  }
0x2f: {  	s20 =	simm.s32 $0xD8;
	s21 =	simm.s32 $0x10;
	s25 =	simm.s32 $0xA18;
	[tilespmem:$0x1FFF0] =	vst v19;
	v16 =	vnsel vm9, $0xF, v16;
	v18 =	vnsel vm9, $0xF, v18;
	v19 =	vsel vm10, $0x3F800000, v17  }
.LBB2_1:
0x30: {  	[tilespmem:s18], [sflag:$0x2] =	stream.linear.gather [hbm4b:s3+s2], $0xA0, $0x38;
	[tilespmem:$0x1A18] =	vst v63  }
0x31: {  	_ =	swait.ge [sflag:s19], $0xA0  }
0x32: {  	[sflag:s19] =	ssyncset.done $0x0  }
0x33: {  	[sflag:s19] =	ssyncadd.s32 $0xFFFFFF60  }
0x34: {  	[tilespmem:s2], [sflag:$0x2] =	stream.linear.gather [hbm4b:s7+s2], $0x38, $0x38;
	[tilespmem:$0x1A18] =	vst v63  }
0x35: {  	_ =	swait.ge [sflag:s19], $0x38  }
0x36: {  	[sflag:s19] =	ssyncset.done $0x0  }
0x37: {  	[sflag:s19] =	ssyncadd.s32 $0xFFFFFFC8  }
0x38: {  	v29 =	vld.idx.msk [tilespmem:v2+s2+$0x0], $0xffff  }
0x39: {  	v30 =	vld.idx.msk [tilespmem:v3+s2+$0x0], $0xffff  }
0x3a: {  	v31 =	vld.idx.msk [tilespmem:v4+s2+$0x0], $0xffff  }
0x3b: {  	v32 =	vld.idx.msk [tilespmem:v5+s2+$0x0], $0xffff  }
0x3c: {  	v23 =	vld [tilespmem:$0x38]  }
0x3d: {  	v22 =	vld [tilespmem:$0x48]  }
0x3e: {  	v25 =	vld [tilespmem:$0x58]  }
0x3f: {  	v24 =	vld [tilespmem:$0x68];
	_ =	sdelay $0x1  }
0x40: {  	v20 =	vsub.f32 v31, v29;
	v26 =	vsub.f32 v32, v30  }
0x41: {  	v27 =	vld [tilespmem:$0x88]  }
0x42: {  	v39 =	vld [tilespmem:$0xA8];
	v21 =	vmul.f32 $2.600000000e+01, v20;
	v20 =	vmul.f32 $2.600000000e+01, v26  }
0x43: {  	v35 =	vmul.f32 v22, v23;
	v36 =	vmul.f32 v24, v25;
	v26 =	vld [tilespmem:$0x78]  }
0x44: {  	v41 =	vld [tilespmem:$0xC8];
	v33 =	vmul.f32 v20, v21;
	v28 =	vmin.f32 v21, v23;
	v34 =	vmin.f32 v20, v22  }
0x45: {  	v37 =	vmin.f32 v21, v25;
	v38 =	vmin.f32 v20, v24;
	v34 =	vmul.f32 v34, v28;
	v28 =	vld [tilespmem:$0x98]  }
0x46: {  	v37 =	vmul.f32 v38, v37;
	v38 =	vld [tilespmem:$0xB8];
	v35 =	vadd.f32 v35, v33  }
0x47: {  	v43 =	vmin.f32 v20, v27;
	v36 =	vadd.f32 v36, v33  }
0x48: {  	v40 =	vmul.f32 v27, v26;
	v42 =	vmin.f32 v21, v26;
	v35 =	vsub.f32 v35, v34  }
0x49: {  	v47 =	vmin.f32 v20, v39;
	v36 =	vsub.f32 v36, v37;
	v63 =	vmul.f32 v43, v42  }
0x4a: {  	v40 =	vadd.f32 v40, v33;
	(erf) = vrcp.f32 v35;
	v45 =	vmul.f32 v39, v28  }
0x4b: {  	v46 =	vmin.f32 v21, v28;
	v48 =	vmul.f32 v41, v38;
	(erf) = vrcp.f32 v36  }
0x4c: {  	v40 =	vsub.f32 v40, v63;
	v42 =	vmul.f32 v47, v46;
	v36 =	vadd.f32 v45, v33  }
0x4d: {  	v44 =	vmin.f32 v20, v41;
	v49 =	vmin.f32 v21, v38;
	v33 =	vadd.f32 v48, v33  }
0x4e: {  	(erf) = vrcp.f32 v40;
	v40 =	vmul.f32 v44, v49;
	v36 =	vsub.f32 v36, v42;
	_ =	sdelay $0x1  }
0x4f: {  	v33 =	vsub.f32 v33, v40;
	(erf) = vrcp.f32 v36;
	_ =	sdelay $0x1  }
0x50: {  	(erf) = vrcp.f32 v33  }
0x51: {  	v50 =	vpop (erf)  }
0x52: {  	v30 =	vadd.f32 v32, v30;
	v51 =	vmul.f32 v50, v34  }
0x53: {  	v29 =	vadd.f32 v31, v29;
	v52 =	vpop (erf)  }
0x54: {  	v30 =	vmul.f32 $1.300000000e+01, v30;
	v31 =	vmul.f32 v52, v37;
	vm10 =	vgt.f32 v51, $-1.000000000e+00  }
0x55: {  	v29 =	vmul.f32 $1.300000000e+01, v29;
	v53 =	vpop (erf);
	v32 =	vnsel vm10, $0xBF800000, v51  }
0x56: {  	v54 =	vtrunc.f32 v30;
	v33 =	vmul.f32 v53, v63;
	vm11 =	vgt.f32 v31, v32  }
0x57: {  	v34 =	vcvt.f32.s32 v54;
	v31 =	vsel vm11, v31, v32;
	v55 =	vpop (erf)  }
0x58: {  	v56 =	vtrunc.f32 v29;
	vm12 =	vgt.f32 v33, v31;
	v32 =	vmul.f32 v55, v42  }
0x59: {  	v62 =	vld [tilespmem:$0x1FF60];
	v35 =	vcvt.f32.s32 v56;
	v57 =	vmul.u32 $0x1A, v34;
	v58 =	vpop (erf);
	v31 =	vsel vm12, v33, v31  }
0x5a: {  	v59 =	vsel vm11, $0x1, v7;
	v33 =	vmul.f32 v58, v40;
	vm13 =	vgt.f32 v32, v31  }
0x5b: {  	v45 =	vld [tilespmem:$0x1FF90];
	v36 =	vadd.s32 v35, v57;
	v37 =	vsel vm12, $0x2, v59;
	v31 =	vsel vm13, v32, v31  }
0x5c: {  	v52 =	vld [tilespmem:$0x1FF70];
	v61 =	vmul.u32 $0x5, v36;
	v60 =	vsel vm13, $0x3, v37;
	vm14 =	vgt.f32 v33, v31  }
0x5d: {  	v53 =	vld [tilespmem:$0x1FF80];
	v32 =	vsel vm14, $0x4, v60  }
0x5e: {  	vm2 =	vnez.u8 v62;
	v57 =	vld [tilespmem:$0x1FFA0];
	v31 =	vadd.s32 v61, v32  }
0x5f: {  	v59 =	vld [tilespmem:$0x1FFB0];
	v37 =	vsel vm2, v31, v8  }
0x60: {  	v33 =	vld.idx.msk [tilespmem:v6+s2+$0x0], $0xffff;
	[tilespmem:$0xD8] =	vst v37  }
0x61: {  	v63 =	vld.idx.msk [tilespmem:v9+s20+$0x0], $0xffff  }
0x62: {  	v48 =	vld.idx.msk [tilespmem:v10+s20+$0x0], $0xffff  }
0x63: {  	v49 =	vld.idx.msk [tilespmem:v11+s20+$0x0], $0xffff  }
0x64: {  	v50 =	vld.idx.msk [tilespmem:v12+s20+$0x0], $0xffff  }
0x65: {  	v51 =	vld.idx.msk [tilespmem:v13+s20+$0x0], $0xffff  }
0x66: {  	v54 =	vld.idx.msk [tilespmem:v14+s20+$0x0], $0xffff  }
0x67: {  	v31 =	vadd.s32 v0, v31;
	v55 =	vld.idx.msk [tilespmem:v15+s20+$0x0], $0xffff  }
0x68: {  	vm5 =	vnez.u8 v45;
	v34 =	vcvt.s32.f32 v34;
	v46 =	vshrl.u32 v31, $0x5;
	v56 =	vld.idx.msk [tilespmem:v16+s20+$0x0], $0xffff  }
0x69: {  	v23 =	vnsel vm10, $0x3F800000, v23;
	v22 =	vnsel vm10, $0x3F800000, v22;
	v35 =	vcvt.s32.f32 v35;
	v58 =	vld.idx.msk [tilespmem:v18+s20+$0x0], $0xffff;
	[tilespmem:$0xE8] =	vst v46  }
0x6a: {  	v30 =	vsub.f32 v30, v34;
	v23 =	vsel vm11, v25, v23;
	v60 =	vshrl.u32 v31, $0x7;
	[tilespmem:$0xF8] =	vst v46  }
0x6b: {  	v22 =	vsel vm11, v24, v22;
	vm3 =	vnez.u8 v52;
	v29 =	vsub.f32 v29, v35;
	[tilespmem:$0x108] =	vst v60  }
0x6c: {  	v23 =	vsel vm12, v26, v23;
	v22 =	vsel vm12, v27, v22;
	vm4 =	vnez.u8 v53;
	[tilespmem:s23], [sflag:$0x1] =	stream.indirect.gather [hbm4b:s4+s21], $0x80, s22, s21, $0xb8;
	[tilespmem:$0x1A18] =	vst v63  }
0x6d: {  	vm6 =	vnez.u8 v57;
	v23 =	vsel vm13, v28, v23;
	v44 =	vsel vm13, v39, v22  }
0x6e: {  	v45 =	vsel vm14, v38, v23;
	vm7 =	vnez.u8 v59;
	v61 =	vld [tilespmem:$0x1FFC0];
	v47 =	vcvt.s32.f32 v32;
	[tilespmem:s25], [sflag:$0x1] =	stream.indirect.gather [hbm4b:s5+s21], $0x80, s24, s21, $0xb8  }
0x6f: {  	v46 =	vand.u32 $0x7F, v31;
	vm15 =	veq.s32 v37, v63;
	vm0 =	veq.s32 v37, v48  }
0x70: {  	v62 =	vld [tilespmem:$0x1FFD0];
	vm9 =	veq.s32 v37, v49;
	vm1 =	veq.s32 v37, v50;
	vm8 =	veq.s32 v37, v54;
	[tilespmem:s28], [sflag:$0x1] =	stream.indirect.gather [hbm4b:s6+s21], $0x80, s26, s21, $0xb8  }
0x71: {  	vm15 =	vmand vm15, vm3;
	vm0 =	vmand vm0, vm4;
	vm1 =	vmand vm1, vm6;
	[tilespmem:$0x128] =	vst v29  }
0x72: {  	v63 =	vld [tilespmem:$0x1FFE0];
	[tilespmem:$0x158] =	vst v20;
	v20 =	vsel vm14, v41, v44;
	vm0 =	vmor vm15, vm0;
	vm15 =	vmand vm9, vm5  }
0x73: {  	[tilespmem:$0x138] =	vst v30;
	vm9 =	vnez.u8 v61;
	vm0 =	vmor vm15, vm0;
	vm15 =	veq.s32 v37, v51  }
0x74: {  	v42 =	vld [tilespmem:$0x1FFF0];
	[tilespmem:$0x148] =	vst v21;
	vm0 =	vmor vm1, vm0;
	vm1 =	vmand vm15, vm7;
	vm7 =	veq.s32 v37, v55  }
0x75: {  	[tilespmem:$0x168] =	vst v45;
	vm0 =	vmor vm1, vm0;
	vm1 =	vmand vm8, vm9;
	vm9 =	vnez.u8 v62  }
0x76: {  	[tilespmem:$0x178] =	vst v20;
	v20 =	vand.u32 $0x1F, v31;
	vm0 =	vmor vm1, vm0;
	vm8 =	vmand vm7, vm9  }
0x77: {  	[tilespmem:$0x188] =	vst v33;
	vm15 =	veq.s32 v37, v56;
	vm0 =	vmor vm8, vm0;
	vm8 =	vnez.u8 v63  }
0x78: {  	[tilespmem:$0x198] =	vst v17;
	v21 =	vcvt.s32.f32 v46;
	v20 =	vcvt.s32.f32 v20;
	vm7 =	vmand vm15, vm8  }
0x79: {  	[tilespmem:$0x1D8] =	vst v47;
	vm15 =	veq.s32 v37, v58;
	vm0 =	vmor vm7, vm0;
	vm7 =	vnez.u8 v42  }
0x7a: {  	[tilespmem:$0x1A8] =	vst v20;
	v20 =	vcvt.s32.f32 v36;
	vm15 =	vmand vm15, vm7  }
0x7b: {  	[tilespmem:$0x1B8] =	vst v21;
	vm0 =	vmor vm15, vm0  }
0x7c: {  	[tilespmem:$0x1C8] =	vst v20;
	v43 =	vsel vm0, $0x0, v19  }
0x7d: {  	[tilespmem:$0x118] =	vst v43  }
0x7e: {  	_ =	swait.ge [sflag:s29], $0x800  }
0x7f: {  	[sflag:s29] =	ssyncset.done $0x0  }
0x80: {  	[sflag:s29] =	ssyncadd.s32 $0xFFFFF800  }
0x81: {  	_ =	swait.ge [sflag:s29], $0x800  }
0x82: {  	[sflag:s29] =	ssyncset.done $0x0  }
0x83: {  	[sflag:s29] =	ssyncadd.s32 $0xFFFFF800  }
0x84: {  	_ =	swait.ge [sflag:s29], $0x800  }
0x85: {  	[sflag:s29] =	ssyncset.done $0x0  }
0x86: {  	[sflag:s29] =	ssyncadd.s32 $0xFFFFF800  }
0x87: {  	[hbm4b:s8+s2] =	stream.linear.scatter [tilespmem:s30], [sflag:$0x2], $0x100, $0x38;
	[tilespmem:$0x1A18] =	vst v63  }
0x88: {  	_ =	swait.ge [sflag:s19], $0x100  }
0x89: {  	[sflag:s19] =	ssyncset.done $0x0  }
0x8a: {  	[sflag:s19] =	ssyncadd.s32 $0xFFFFFF00  }
0x8b: {  	[hbm4b:s9+s2] =	stream.linear.scatter [tilespmem:s23], [sflag:$0x2], $0x800, $0x38;
	[tilespmem:$0x1A18] =	vst v63  }
0x8c: {  	_ =	swait.ge [sflag:s19], $0x800  }
0x8d: {  	[sflag:s19] =	ssyncset.done $0x0  }
0x8e: {  	[sflag:s19] =	ssyncadd.s32 $0xFFFFF800  }
0x8f: {  	[hbm4b:s10+s2] =	stream.linear.scatter [tilespmem:s25], [sflag:$0x2], $0x800, $0x38;
	[tilespmem:$0x1A18] =	vst v63  }
0x90: {  	_ =	swait.ge [sflag:s19], $0x800  }
0x91: {  	[sflag:s19] =	ssyncset.done $0x0  }
0x92: {  	[sflag:s19] =	ssyncadd.s32 $0xFFFFF800  }
0x93: {  	[hbm4b:s11+s2] =	stream.linear.scatter [tilespmem:s28], [sflag:$0x2], $0x800, $0x38;
	[tilespmem:$0x1A18] =	vst v63  }
0x94: {  	_ =	swait.ge [sflag:s19], $0x800  }
0x95: {  	[sflag:s19] =	ssyncset.done $0x0  }
0x96: {  	[sflag:s19] =	ssyncadd.s32 $0xFFFFF800  }
0x97: {  	[tilespmem:s2], [sflag:$0x2] =	stream.linear.gather [hbm4b:s12+s2], $0x38, $0x38;
	[tilespmem:$0x1A18] =	vst v63  }
0x98: {  	_ =	swait.ge [sflag:s19], $0x38  }
0x99: {  	[sflag:s19] =	ssyncset.done $0x0  }
0x9a: {  	[sflag:s19] =	ssyncadd.s32 $0xFFFFFFC8  }
0x9b: {  	v29 =	vld.idx.msk [tilespmem:v2+s2+$0x0], $0xffff  }
0x9c: {  	v30 =	vld.idx.msk [tilespmem:v3+s2+$0x0], $0xffff  }
0x9d: {  	v31 =	vld.idx.msk [tilespmem:v4+s2+$0x0], $0xffff  }
0x9e: {  	v32 =	vld.idx.msk [tilespmem:v5+s2+$0x0], $0xffff  }
0x9f: {  	v22 =	vld [tilespmem:$0x38]  }
0xa0: {  	v23 =	vld [tilespmem:$0x48]  }
0xa1: {  	v25 =	vld [tilespmem:$0x58]  }
0xa2: {  	v24 =	vld [tilespmem:$0x68]  }
0xa3: {  	v26 =	vld [tilespmem:$0x78]  }
0xa4: {  	v27 =	vld [tilespmem:$0x88]  }
0xa5: {  	v28 =	vld [tilespmem:$0x98]  }
0xa6: {  	v39 =	vld [tilespmem:$0xA8];
	v20 =	vsub.f32 v31, v29;
	v48 =	vsub.f32 v32, v30;
	_ =	sdelay $0x1  }
0xa7: {  	v21 =	vmul.f32 $2.600000000e+01, v20;
	v20 =	vmul.f32 $2.600000000e+01, v48  }
0xa8: {  	v51 =	vmul.f32 v23, v22;
	v52 =	vmul.f32 v24, v25  }
0xa9: {  	v55 =	vmul.f32 v27, v26;
	v33 =	vmul.f32 v20, v21  }
0xaa: {  	v38 =	vld [tilespmem:$0xB8];
	v59 =	vmul.f32 v39, v28;
	v49 =	vmin.f32 v21, v22;
	v50 =	vmin.f32 v20, v23  }
0xab: {  	v41 =	vld [tilespmem:$0xC8];
	v53 =	vmin.f32 v21, v25;
	v34 =	vmul.f32 v50, v49;
	v35 =	vadd.f32 v51, v33  }
0xac: {  	v54 =	vmin.f32 v20, v24;
	v56 =	vmin.f32 v21, v26;
	v57 =	vmin.f32 v20, v27  }
0xad: {  	v37 =	vmul.f32 v54, v53;
	v36 =	vadd.f32 v52, v33;
	v35 =	vsub.f32 v35, v34  }
0xae: {  	v60 =	vmin.f32 v21, v28;
	v61 =	vmin.f32 v20, v39;
	v58 =	vmul.f32 v57, v56  }
0xaf: {  	v40 =	vadd.f32 v55, v33;
	v36 =	vsub.f32 v36, v37;
	(erf) = vrcp.f32 v35  }
0xb0: {  	v62 =	vmul.f32 v41, v38;
	v42 =	vmul.f32 v61, v60  }
0xb1: {  	v40 =	vsub.f32 v40, v58;
	(erf) = vrcp.f32 v36;
	v36 =	vadd.f32 v59, v33  }
0xb2: {  	v63 =	vmin.f32 v21, v38;
	v48 =	vmin.f32 v20, v41;
	v33 =	vadd.f32 v62, v33  }
0xb3: {  	(erf) = vrcp.f32 v40;
	v40 =	vmul.f32 v48, v63;
	v36 =	vsub.f32 v36, v42;
	_ =	sdelay $0x1  }
0xb4: {  	v33 =	vsub.f32 v33, v40;
	(erf) = vrcp.f32 v36;
	_ =	sdelay $0x1  }
0xb5: {  	(erf) = vrcp.f32 v33  }
0xb6: {  	v49 =	vpop (erf)  }
0xb7: {  	v30 =	vadd.f32 v32, v30;
	v50 =	vmul.f32 v49, v34  }
0xb8: {  	v29 =	vadd.f32 v31, v29;
	v51 =	vpop (erf)  }
0xb9: {  	v30 =	vmul.f32 $1.300000000e+01, v30;
	v52 =	vmul.f32 v51, v37;
	vm10 =	vgt.f32 v50, $-1.000000000e+00  }
0xba: {  	v29 =	vmul.f32 $1.300000000e+01, v29;
	v53 =	vpop (erf);
	v32 =	vnsel vm10, $0xBF800000, v50  }
0xbb: {  	v54 =	vtrunc.f32 v30;
	v33 =	vmul.f32 v53, v58;
	vm11 =	vgt.f32 v52, v32  }
0xbc: {  	v34 =	vcvt.f32.s32 v54;
	v55 =	vpop (erf);
	v31 =	vsel vm11, v52, v32  }
0xbd: {  	v56 =	vtrunc.f32 v29;
	v35 =	vmul.f32 v55, v42;
	vm12 =	vgt.f32 v33, v31  }
0xbe: {  	v57 =	vmul.u32 $0x1A, v34;
	v32 =	vcvt.f32.s32 v56;
	v58 =	vpop (erf);
	v31 =	vsel vm12, v33, v31  }
0xbf: {  	v59 =	vsel vm11, $0x1, v7;
	v33 =	vmul.f32 v58, v40;
	vm13 =	vgt.f32 v35, v31  }
0xc0: {  	v36 =	vadd.s32 v32, v57;
	v37 =	vsel vm12, $0x2, v59;
	v31 =	vsel vm13, v35, v31  }
0xc1: {  	v61 =	vmul.u32 $0x5, v36;
	v60 =	vsel vm13, $0x3, v37;
	vm14 =	vgt.f32 v33, v31  }
0xc2: {  	v33 =	vsel vm14, $0x4, v60  }
0xc3: {  	v31 =	vadd.s32 v61, v33  }
0xc4: {  	v62 =	vsel vm2, v31, v8  }
0xc5: {  	v35 =	vld.idx.msk [tilespmem:v6+s2+$0x0], $0xffff;
	[tilespmem:$0xD8] =	vst v62  }
0xc6: {  	v63 =	vld.idx.msk [tilespmem:v9+s20+$0x0], $0xffff  }
0xc7: {  	v48 =	vld.idx.msk [tilespmem:v10+s20+$0x0], $0xffff  }
0xc8: {  	v49 =	vld.idx.msk [tilespmem:v11+s20+$0x0], $0xffff  }
0xc9: {  	v50 =	vld.idx.msk [tilespmem:v12+s20+$0x0], $0xffff  }
0xca: {  	v51 =	vld.idx.msk [tilespmem:v13+s20+$0x0], $0xffff  }
0xcb: {  	v52 =	vld.idx.msk [tilespmem:v14+s20+$0x0], $0xffff  }
0xcc: {  	v31 =	vadd.s32 v1, v31;
	v53 =	vld.idx.msk [tilespmem:v15+s20+$0x0], $0xffff  }
0xcd: {  	v56 =	vshrl.u32 v31, $0x5;
	v54 =	vld.idx.msk [tilespmem:v16+s20+$0x0], $0xffff  }
0xce: {  	v55 =	vld.idx.msk [tilespmem:v18+s20+$0x0], $0xffff;
	[tilespmem:$0xE8] =	vst v56  }
0xcf: {  	v58 =	vshrl.u32 v31, $0x7;
	[tilespmem:$0xF8] =	vst v56  }
0xd0: {  	v34 =	vcvt.s32.f32 v34;
	v22 =	vnsel vm10, $0x3F800000, v22;
	[tilespmem:$0x108] =	vst v58  }
0xd1: {  	v23 =	vnsel vm10, $0x3F800000, v23;
	v22 =	vsel vm11, v25, v22;
	v32 =	vcvt.s32.f32 v32;
	[tilespmem:s23], [sflag:$0x1] =	stream.indirect.gather [hbm4b:s4+s21], $0x80, s22, s21, $0xb8;
	[tilespmem:$0x1A18] =	vst v63  }
0xd2: {  	v30 =	vsub.f32 v30, v34;
	v23 =	vsel vm11, v24, v23;
	v22 =	vsel vm12, v26, v22  }
0xd3: {  	v23 =	vsel vm12, v27, v23;
	v29 =	vsub.f32 v29, v32;
	v22 =	vsel vm13, v28, v22;
	[tilespmem:s25], [sflag:$0x1] =	stream.indirect.gather [hbm4b:s5+s21], $0x80, s24, s21, $0xb8;
	[tilespmem:$0x1A18] =	vst v63  }
0xd4: {  	v57 =	vld [tilespmem:$0x1FFB0];
	v22 =	vsel vm14, v38, v22;
	v61 =	vsel vm13, v39, v23;
	vm0 =	veq.s32 v62, v63  }
0xd5: {  	vm15 =	veq.s32 v62, v48;
	[tilespmem:s28], [sflag:$0x1] =	stream.indirect.gather [hbm4b:s6+s21], $0x80, s26, s21, $0xb8;
	v63 =	vcvt.s32.f32 v33;
	vm0 =	vmand vm0, vm3;
	[tilespmem:$0x1A18] =	vst v63  }
0xd6: {  	v59 =	vld [tilespmem:$0x1FFC0];
	vm1 =	vmand vm15, vm4;
	vm4 =	veq.s32 v62, v49;
	[tilespmem:$0x158] =	vst v20;
	v20 =	vsel vm14, v41, v61  }
0xd7: {  	[tilespmem:$0x128] =	vst v29;
	vm0 =	vmor vm0, vm1;
	vm1 =	vmand vm4, vm5;
	vm5 =	veq.s32 v62, v50  }
0xd8: {  	[tilespmem:$0x178] =	vst v20;
	v20 =	vand.u32 $0x1F, v31;
	vm0 =	vmor vm1, vm0;
	vm4 =	vmand vm5, vm6  }
0xd9: {  	[tilespmem:$0x138] =	vst v30;
	vm5 =	veq.s32 v62, v51;
	vm1 =	veq.s32 v62, v52;
	vm6 =	vnez.u8 v57  }
0xda: {  	[tilespmem:$0x148] =	vst v21;
	v20 =	vcvt.s32.f32 v20;
	vm0 =	vmor vm4, vm0;
	vm15 =	vmand vm5, vm6  }
0xdb: {  	[tilespmem:$0x168] =	vst v22;
	vm4 =	veq.s32 v62, v53;
	vm5 =	vnez.u8 v59;
	vm6 =	veq.s32 v62, v54  }
0xdc: {  	[tilespmem:$0x188] =	vst v35;
	vm0 =	vmor vm15, vm0;
	vm1 =	vmand vm1, vm5;
	vm15 =	vmand vm4, vm9  }
0xdd: {  	[tilespmem:$0x198] =	vst v17;
	vm9 =	veq.s32 v62, v55;
	v62 =	vand.u32 $0x7F, v31;
	vm0 =	vmor vm1, vm0  }
0xde: {  	[tilespmem:$0x1A8] =	vst v20;
	v20 =	vcvt.s32.f32 v36;
	vm1 =	vmand vm6, vm8;
	vm0 =	vmor vm15, vm0  }
0xdf: {  	[tilespmem:$0x1D8] =	vst v63;
	v21 =	vcvt.s32.f32 v62;
	vm15 =	vmand vm9, vm7;
	vm0 =	vmor vm1, vm0  }
0xe0: {  	[tilespmem:$0x1C8] =	vst v20;
	vm0 =	vmor vm15, vm0  }
0xe1: {  	[tilespmem:$0x1B8] =	vst v21;
	v60 =	vsel vm0, $0x0, v19  }
0xe2: {  	[tilespmem:$0x118] =	vst v60  }
0xe3: {  	_ =	swait.ge [sflag:s29], $0x800  }
0xe4: {  	[sflag:s29] =	ssyncset.done $0x0  }
0xe5: {  	[sflag:s29] =	ssyncadd.s32 $0xFFFFF800  }
0xe6: {  	_ =	swait.ge [sflag:s29], $0x800  }
0xe7: {  	[sflag:s29] =	ssyncset.done $0x0  }
0xe8: {  	[sflag:s29] =	ssyncadd.s32 $0xFFFFF800  }
0xe9: {  	_ =	swait.ge [sflag:s29], $0x800  }
0xea: {  	[sflag:s29] =	ssyncset.done $0x0  }
0xeb: {  	[sflag:s29] =	ssyncadd.s32 $0xFFFFF800  }
0xec: {  	[hbm4b:s13+s2] =	stream.linear.scatter [tilespmem:s30], [sflag:$0x2], $0x100, $0x38;
	[tilespmem:$0x1A18] =	vst v63  }
0xed: {  	_ =	swait.ge [sflag:s19], $0x100  }
0xee: {  	[sflag:s19] =	ssyncset.done $0x0  }
0xef: {  	[sflag:s19] =	ssyncadd.s32 $0xFFFFFF00  }
0xf0: {  	[hbm4b:s14+s2] =	stream.linear.scatter [tilespmem:s23], [sflag:$0x2], $0x800, $0x38;
	[tilespmem:$0x1A18] =	vst v63  }
0xf1: {  	_ =	swait.ge [sflag:s19], $0x800  }
0xf2: {  	[sflag:s19] =	ssyncset.done $0x0  }
0xf3: {  	[sflag:s19] =	ssyncadd.s32 $0xFFFFF800  }
0xf4: {  	[hbm4b:s15+s2] =	stream.linear.scatter [tilespmem:s25], [sflag:$0x2], $0x800, $0x38;
	[tilespmem:$0x1A18] =	vst v63  }
0xf5: {  	_ =	swait.ge [sflag:s19], $0x800  }
0xf6: {  	p0 =	sne.s32 s17, $0x1;
	[sflag:s19] =	ssyncset.done $0x0  }
.Ltmp0:
0xf7: {  	[sflag:s19] =	ssyncadd.s32 $0xFFFFF800;
	(pc) =	sbr.rel @p0 .LBB2_1-.Ltmp0, $4  }
0xf8: {  	[hbm4b:s16+s2] =	stream.linear.scatter [tilespmem:s28], [sflag:$0x2], $0x800, $0x38;
	[tilespmem:$0x1A18] =	vst v63  }
0xf9: {  	_ =	swait.ge [sflag:s19], $0x800  }
0xfa: {  	[sflag:s19] =	ssyncset.done $0x0  }
0xfb: {  	s17 =	sadd.s32 $0xFFFFFFFF, s17;
	[sflag:s19] =	ssyncadd.s32 $0xFFFFF800  }
0xfc: {  	_ =	sfence.sel $0x180000  }
0xfd: {  	[bflag:$0x0] =	sbarrier.arrive $0xFFFF  }
0xfe: {  	p0 =	sne.s32 s0, $0x0;
	_ =	strace $0x90000047  }
0xff: {  	s0 =	sadd.s32 @!p0 $0x100000, s1;
	[bflag:$0x2] =	sbarrier.arrive $0xFFFF  }
0x100: {  	[sflag:s0] =	ssyncadd.tile.s32 @!p0 $0x1;
	_ =	shalt  }
.Lfunc_end2:
_tile_overlayer_lowered:
.L_overlay_start_2:
0x101: {  	(tag) =	ssettag $0x2  }
0x102: {  	s0 =	rddreg [dreg:$0x0];
	s2 =	stileid.u32  }
0x103: {  	s1 =	rddreg [dreg:$0x1];
	p0 =	sne.s32 s2, $0x0  }
0x104: {  	s3 =	rddreg [dreg:$0x2];
	[bflag:$0x3] =	sbarrier.arrive $0xFFFF;
	s2 =	simm.s32 @!p0 $0x1C02  }
0x105: {  	[timem:s3], [sflag:s2] =	dma.local @!p0 [hbm:s0], s1  }
0x106: {  	s0 =	simm.s32 @!p0 $0x2  }
0x107: {  	_ =	swait.ge @!p0 [sflag:s0], s1  }
0x108: {  	s1 =	ssub.s32 @!p0 $0x0, s1;
	[sflag:s0] =	ssyncset.done @!p0 $0x0  }
0x109: {  	[sflag:s0] =	ssyncadd.s32 @!p0 s1  }
0x10a: {  	[bflag:$0x3] =	sbarrier.arrive $0xFFFF  }
0x10b: {  	_ =	shalt  }

</sc_bundles>
